<compile_context>
chip_gen: v7x
topology: tpu7x:2x2x1
jax: 0.10.2.dev20260603
libtpu: 0.0.44.dev20260713+nightly
codegen_flags: <defaults>
</compile_context>

<pallas_src>
import jax
import jax.numpy as jnp
from jax import lax
from jax.experimental import pallas as pl
from jax.experimental.pallas import tpu as pltpu
from jax.experimental.pallas import tpu_sc as plsc

B, V, D = 4, 32, 128
N = V * V * V
NC, NS = 2, 16
NW = NC * NS
BN = B * N
BN_W = BN // NW
TB = 128
BLOCKS = BN_W // TB
JB = TB // V
GROUPS = BLOCKS * 3
RING = 6
PF = 3
WAVES = GROUPS // RING


def _sc_body(hv_ref, i1_ref, i2_ref, i3_ref, out_ref,
             idx1_v, idx2_v, idx3_v, rows_v, stage_v, table_sh, *sems):
    gsems = sems[:RING]
    ssems = sems[RING:]

    wid = lax.axis_index("s") * NC + lax.axis_index("c")
    b = wid // (N // BN_W)
    n0 = (wid % (N // BN_W)) * BN_W
    i0 = n0 // (V * V)
    row0 = (b * V + i0) * V
    b_off = b * V

    @pl.when(lax.axis_index("s") == 0)
    def _():
        pltpu.sync_copy(hv_ref, stage_v)
        pltpu.sync_copy(stage_v, table_sh)
    plsc.subcore_barrier()

    pltpu.sync_copy(i1_ref.at[pl.ds(n0, BN_W)], idx1_v)
    pltpu.sync_copy(i2_ref.at[pl.ds(n0, BN_W)], idx2_v)
    pltpu.sync_copy(i3_ref.at[pl.ds(n0, BN_W)], idx3_v)

    def bias(c, carry):
        base = c * 16
        for src in (idx1_v, idx2_v, idx3_v):
            src[pl.ds(base, 16)] = src[pl.ds(base, 16)] + b_off
        return carry
    lax.fori_loop(0, BN_W // 16, bias, 0)

    idxs = (idx1_v, idx2_v, idx3_v)

    def start_gather(g, r, s):
        m = g // 3
        for jj in range(JB):
            pltpu.async_copy(
                table_sh.at[idxs[s].at[pl.ds(m * TB + jj * V, V)]],
                rows_v.at[r, jj], gsems[r])

    def wait_gather(g, r, s):
        m = g // 3
        for jj in range(JB):
            pltpu.make_async_copy(
                table_sh.at[idxs[s].at[pl.ds(m * TB + jj * V, V)]],
                rows_v.at[r, jj], gsems[r]).wait()

    def _dst(g, s):
        m = g // 3
        return out_ref.at[pl.ds(row0 + m * JB, JB), slice(None),
                          pl.ds(s * D, D)]

    def start_scatter(g, r, s):
        pltpu.async_copy(rows_v.at[r], _dst(g, s), ssems[r])

    def wait_scatter(g, r, s):
        pltpu.make_async_copy(rows_v.at[r], _dst(g, s), ssems[r]).wait()

    for r in range(PF):
        start_gather(r, r, r % 3)

    def wave(w, carry):
        for r in range(RING):
            g = w * RING + r
            wait_gather(g, r, r % 3)
            start_scatter(g, r, r % 3)
            gp = g + PF
            rp = (r + PF) % RING

            @pl.when(gp < GROUPS)
            def _():
                @pl.when(gp >= RING)
                def _():
                    wait_scatter(gp - RING, rp, rp % 3)
                start_gather(gp, rp, rp % 3)
        return carry
    lax.fori_loop(0, WAVES, wave, 0)

    for r in range(RING):
        wait_scatter(GROUPS - RING + r, r, r % 3)


@jax.jit
def _node_to_edge_triple(hv_flat, i1, i2, i3):
    mesh = plsc.VectorSubcoreMesh(core_axis_name="c", subcore_axis_name="s")
    scratch = [
        pltpu.VMEM((BN_W,), jnp.int32),
        pltpu.VMEM((BN_W,), jnp.int32),
        pltpu.VMEM((BN_W,), jnp.int32),
        pltpu.VMEM((RING, JB, V, D), jnp.float32),
        pltpu.VMEM((B * V, D), jnp.float32),
        pltpu.VMEM_SHARED((B * V, D), jnp.float32),
    ] + [pltpu.SemaphoreType.DMA] * (2 * RING)
    fn = pl.kernel(
        _sc_body,
        mesh=mesh,
        out_type=jax.ShapeDtypeStruct((B * V * V, V, 3 * D), jnp.float32),
        scratch_types=scratch,
        compiler_params=pltpu.CompilerParams(needs_layout_passes=False),
    )
    return fn(hv_flat, i1, i2, i3)


def kernel(hv, v1s_idx, v2s_idx, v3d_idx):
    hv_flat = hv.reshape(B * V, D)
    out = _node_to_edge_triple(
        hv_flat,
        v1s_idx.astype(jnp.int32),
        v2s_idx.astype(jnp.int32),
        v3d_idx.astype(jnp.int32),
    )
    return out.reshape(B, V, V, V, 3 * D)

# --- scband reference (transcript-rebuilt; emitter-appended) ---
"""Pipeline reference for scband-node-to-edge-triple-88587995447598 (READ-ONLY COPY).

The authoritative reference and input builder live on the scoring server;
editing this copy changes nothing except your own understanding.
"""

import jax, jax.numpy as jnp
import numpy as np

B, V, D = 4, 32, 128

def setup_inputs(seed: int = 0) -> dict:
    key = jax.random.key(seed)
    k1, k2, k3, k4 = jax.random.split(key, 4)
    hv = jax.random.normal(k1, (B, V, D), dtype=jnp.float32)
    v1s_idx = jax.random.randint(k2, (V * V * V,), 0, V, dtype=jnp.int32).astype(jnp.int64)
    v2s_idx = jax.random.randint(k3, (V * V * V,), 0, V, dtype=jnp.int32).astype(jnp.int64)
    v3d_idx = jax.random.randint(k4, (V * V * V,), 0, V, dtype=jnp.int32).astype(jnp.int64)
    return {"hv": hv, "v1s_idx": v1s_idx, "v2s_idx": v2s_idx, "v3d_idx": v3d_idx}

def reference(hv, v1s_idx, v2s_idx, v3d_idx):
    batch_size, num_vertices, _ = hv.shape
    # gather node features along the vertex axis for each triple slot
    v1s = jnp.take(hv, v1s_idx, axis=1)  # [B, V^3, D]
    v2s = jnp.take(hv, v2s_idx, axis=1)  # [B, V^3, D]
    v3s = jnp.take(hv, v3d_idx, axis=1)  # [B, V^3, D]
    vertices_concat = jnp.concatenate([v1s, v2s, v3s], axis=-1)
    vertices_concat = vertices_concat.reshape(batch_size, num_vertices, num_vertices, num_vertices, -1)
    return vertices_concat

if __name__ == "__main__":
    import jax
    _d = setup_inputs()
    print(jax.jit(kernel)(*tuple(_d.values())))

</pallas_src>

<mosaic_0001>
#map = affine_map<(d0, d1) -> (0, 0)>
#map1 = affine_map<(d0, d1) -> (0)>
#map2 = affine_map<(d0, d1) -> (0, 0, 0)>
module attributes {stable_mosaic.version = 14 : i64} {
  func.func @_sc_body(%arg0: i32, %arg1: i32, %arg2: memref<128x128xf32, #tpu.memory_space<hbm>>, %arg3: memref<32768xi32, #tpu.memory_space<hbm>>, %arg4: memref<32768xi32, #tpu.memory_space<hbm>>, %arg5: memref<32768xi32, #tpu.memory_space<hbm>>, %arg6: memref<4096x32x384xf32, #tpu.memory_space<hbm>>, %arg7: memref<4096xi32, #tpu.memory_space<vmem>>, %arg8: memref<4096xi32, #tpu.memory_space<vmem>>, %arg9: memref<4096xi32, #tpu.memory_space<vmem>>, %arg10: memref<6x4x32x128xf32, #tpu.memory_space<vmem>>, %arg11: memref<128x128xf32, #tpu.memory_space<vmem>>, %arg12: memref<128x128xf32, #tpu.memory_space<vmem_shared>>, %arg13: memref<!tpu.dma_semaphore, #tpu.memory_space<semaphore_mem>>, %arg14: memref<!tpu.dma_semaphore, #tpu.memory_space<semaphore_mem>>, %arg15: memref<!tpu.dma_semaphore, #tpu.memory_space<semaphore_mem>>, %arg16: memref<!tpu.dma_semaphore, #tpu.memory_space<semaphore_mem>>, %arg17: memref<!tpu.dma_semaphore, #tpu.memory_space<semaphore_mem>>, %arg18: memref<!tpu.dma_semaphore, #tpu.memory_space<semaphore_mem>>, %arg19: memref<!tpu.dma_semaphore, #tpu.memory_space<semaphore_mem>>, %arg20: memref<!tpu.dma_semaphore, #tpu.memory_space<semaphore_mem>>, %arg21: memref<!tpu.dma_semaphore, #tpu.memory_space<semaphore_mem>>, %arg22: memref<!tpu.dma_semaphore, #tpu.memory_space<semaphore_mem>>, %arg23: memref<!tpu.dma_semaphore, #tpu.memory_space<semaphore_mem>>, %arg24: memref<!tpu.dma_semaphore, #tpu.memory_space<semaphore_mem>>) attributes {dimension_semantics = [#tpu.dimension_semantics<core_parallel>, #tpu.dimension_semantics<subcore_parallel>], iteration_bounds = array<i64: 2, 16>, scalar_prefetch = 0 : i64, scratch_operands = 18 : i64, tpu.core_type = #tpu.core_type<sc_vector_subcore>, window_params = [{transform_indices = #map}, {transform_indices = #map1}, {transform_indices = #map1}, {transform_indices = #map1}, {transform_indices = #map2}]} {
    %mul3A = arith.constant 2 : i32
    %mul3A_0 = arith.muli %arg1, %mul3A : i32
    %add3A = arith.addi %mul3A_0, %arg0 : i32
    %jit3A = arith.constant 8 : i32
    %div3A = arith.divsi %add3A, %jit3A : i32
    %sign3A = arith.constant 0 : i32
    %sign3A_1 = arith.cmpi sgt, %add3A, %sign3A : i32
    %sign3A_2 = arith.extui %sign3A_1 : i1 to i32
    %sign3A_3 = arith.constant 0 : i32
    %sign3A_4 = arith.cmpi slt, %add3A, %sign3A_3 : i32
    %sign3A_5 = arith.extui %sign3A_4 : i1 to i32
    %sign3A_6 = arith.subi %sign3A_2, %sign3A_5 : i32
    %sign3A_7 = arith.constant 0 : i32
    %sign3A_8 = arith.cmpi sgt, %jit3A, %sign3A_7 : i32
    %sign3A_9 = arith.extui %sign3A_8 : i1 to i32
    %sign3A_10 = arith.constant 0 : i32
    %sign3A_11 = arith.cmpi slt, %jit3A, %sign3A_10 : i32
    %sign3A_12 = arith.extui %sign3A_11 : i1 to i32
    %sign3A_13 = arith.subi %sign3A_9, %sign3A_12 : i32
    %ne3A = arith.cmpi ne, %sign3A_6, %sign3A_13 : i32
    %rem3A = arith.remsi %add3A, %jit3A : i32
    %ne3A_14 = arith.constant 0 : i32
    %ne3A_15 = arith.cmpi ne, %rem3A, %ne3A_14 : i32
    %and3A = arith.andi %ne3A, %ne3A_15 : i1
    %sub3A = arith.constant 1 : i32
    %sub3A_16 = arith.subi %div3A, %sub3A : i32
    %select_n3A = arith.select %and3A, %sub3A_16, %div3A : i32
    %jit3A_17 = arith.constant 8 : i32
    %eq3A = arith.constant 0 : i32
    %eq3A_18 = arith.cmpi eq, %jit3A_17, %eq3A : i32
    %jit3A_19 = arith.constant 1 : i32
    %select_n3A_20 = arith.select %eq3A_18, %jit3A_19, %jit3A_17 : i32
    %rem3A_21 = arith.remsi %add3A, %select_n3A_20 : i32
    %ne3A_22 = arith.constant 0 : i32
    %ne3A_23 = arith.cmpi ne, %rem3A_21, %ne3A_22 : i32
    %lt3A = arith.constant 0 : i32
    %lt3A_24 = arith.cmpi slt, %rem3A_21, %lt3A : i32
    %lt3A_25 = arith.constant 0 : i32
    %lt3A_26 = arith.cmpi slt, %select_n3A_20, %lt3A_25 : i32
    %ne3A_27 = arith.xori %lt3A_24, %lt3A_26 : i1
    %and3A_28 = arith.andi %ne3A_27, %ne3A_23 : i1
    %add3A_29 = arith.addi %rem3A_21, %select_n3A_20 : i32
    %select_n3A_30 = arith.select %and3A_28, %add3A_29, %rem3A_21 : i32
    %mul3A_31 = arith.constant 4096 : i32
    %mul3A_32 = arith.muli %select_n3A_30, %mul3A_31 : i32
    %jit3A_33 = arith.constant 1024 : i32
    %div3A_34 = arith.divsi %mul3A_32, %jit3A_33 : i32
    %sign3A_35 = arith.constant 0 : i32
    %sign3A_36 = arith.cmpi sgt, %mul3A_32, %sign3A_35 : i32
    %sign3A_37 = arith.extui %sign3A_36 : i1 to i32
    %sign3A_38 = arith.constant 0 : i32
    %sign3A_39 = arith.cmpi slt, %mul3A_32, %sign3A_38 : i32
    %sign3A_40 = arith.extui %sign3A_39 : i1 to i32
    %sign3A_41 = arith.subi %sign3A_37, %sign3A_40 : i32
    %sign3A_42 = arith.constant 0 : i32
    %sign3A_43 = arith.cmpi sgt, %jit3A_33, %sign3A_42 : i32
    %sign3A_44 = arith.extui %sign3A_43 : i1 to i32
    %sign3A_45 = arith.constant 0 : i32
    %sign3A_46 = arith.cmpi slt, %jit3A_33, %sign3A_45 : i32
    %sign3A_47 = arith.extui %sign3A_46 : i1 to i32
    %sign3A_48 = arith.subi %sign3A_44, %sign3A_47 : i32
    %ne3A_49 = arith.cmpi ne, %sign3A_41, %sign3A_48 : i32
    %rem3A_50 = arith.remsi %mul3A_32, %jit3A_33 : i32
    %ne3A_51 = arith.constant 0 : i32
    %ne3A_52 = arith.cmpi ne, %rem3A_50, %ne3A_51 : i32
    %and3A_53 = arith.andi %ne3A_49, %ne3A_52 : i1
    %sub3A_54 = arith.constant 1 : i32
    %sub3A_55 = arith.subi %div3A_34, %sub3A_54 : i32
    %select_n3A_56 = arith.select %and3A_53, %sub3A_55, %div3A_34 : i32
    %mul3A_57 = arith.constant 32 : i32
    %mul3A_58 = arith.muli %select_n3A, %mul3A_57 : i32
    %add3A_59 = arith.addi %mul3A_58, %select_n3A_56 : i32
    %mul3A_60 = arith.constant 32 : i32
    %mul3A_61 = arith.muli %add3A_59, %mul3A_60 : i32
    %mul3A_62 = arith.constant 32 : i32
    %mul3A_63 = arith.muli %select_n3A, %mul3A_62 : i32
    %eq3A_64 = arith.constant 0 : i32
    %eq3A_65 = arith.cmpi eq, %arg1, %eq3A_64 : i32
    %convert_element_type3A = arith.extui %eq3A_65 : i1 to i32
    %cond3A = arith.constant 0 : i32
    %cond3A_66 = arith.cmpi ne, %convert_element_type3A, %cond3A : i32
    scf.if %cond3A_66 {
      "tpu.region"() ({
        %run_scoped3A = tpu.sem_alloc : memref<!tpu.dma_semaphore, #tpu.memory_space<semaphore_mem>>
        tpu.enqueue_dma source(%arg2 : memref<128x128xf32, #tpu.memory_space<hbm>>) target(%arg11 : memref<128x128xf32, #tpu.memory_space<vmem>>) target_semaphore(%run_scoped3A : memref<!tpu.dma_semaphore, #tpu.memory_space<semaphore_mem>>)
        tpu.wait_dma2 semaphore(%run_scoped3A : memref<!tpu.dma_semaphore, #tpu.memory_space<semaphore_mem>>) src(%arg2 : memref<128x128xf32, #tpu.memory_space<hbm>>) dst(%arg11 : memref<128x128xf32, #tpu.memory_space<vmem>>)
        tpu.yield
      }) : () -> ()
      "tpu.region"() ({
        %run_scoped3A = tpu.sem_alloc : memref<!tpu.dma_semaphore, #tpu.memory_space<semaphore_mem>>
        tpu.enqueue_dma source(%arg11 : memref<128x128xf32, #tpu.memory_space<vmem>>) target(%arg12 : memref<128x128xf32, #tpu.memory_space<vmem_shared>>) target_semaphore(%run_scoped3A : memref<!tpu.dma_semaphore, #tpu.memory_space<semaphore_mem>>)
        tpu.wait_dma2 semaphore(%run_scoped3A : memref<!tpu.dma_semaphore, #tpu.memory_space<semaphore_mem>>) src(%arg11 : memref<128x128xf32, #tpu.memory_space<vmem>>) dst(%arg12 : memref<128x128xf32, #tpu.memory_space<vmem_shared>>)
        tpu.yield
      }) : () -> ()
    } else {
    }
    %barrier3A = arith.constant 0 : index
    tpu.barrier barrier_id(%barrier3A)
    "tpu.region"() ({
      %run_scoped3A = tpu.sem_alloc : memref<!tpu.dma_semaphore, #tpu.memory_space<semaphore_mem>>
      %dma_start3A_322 = tpu.memref_slice %arg3[%mul3A_32] : memref<32768xi32, #tpu.memory_space<hbm>> -> memref<4096xi32, #tpu.memory_space<hbm>>
      %dma_start3A_323 = tpu.memref_slice %arg3[%mul3A_32] : memref<32768xi32, #tpu.memory_space<hbm>> -> memref<4096xi32, #tpu.memory_space<hbm>>
      tpu.enqueue_dma source(%dma_start3A_323 : memref<4096xi32, #tpu.memory_space<hbm>>) target(%arg7 : memref<4096xi32, #tpu.memory_space<vmem>>) target_semaphore(%run_scoped3A : memref<!tpu.dma_semaphore, #tpu.memory_space<semaphore_mem>>)
      %dma_wait3A_324 = tpu.memref_slice %arg3[%mul3A_32] : memref<32768xi32, #tpu.memory_space<hbm>> -> memref<4096xi32, #tpu.memory_space<hbm>>
      %dma_wait3A_325 = tpu.memref_slice %arg3[%mul3A_32] : memref<32768xi32, #tpu.memory_space<hbm>> -> memref<4096xi32, #tpu.memory_space<hbm>>
      tpu.wait_dma2 semaphore(%run_scoped3A : memref<!tpu.dma_semaphore, #tpu.memory_space<semaphore_mem>>) src(%dma_wait3A_325 : memref<4096xi32, #tpu.memory_space<hbm>>) dst(%arg7 : memref<4096xi32, #tpu.memory_space<vmem>>)
      tpu.yield
    }) : () -> ()
    "tpu.region"() ({
      %run_scoped3A = tpu.sem_alloc : memref<!tpu.dma_semaphore, #tpu.memory_space<semaphore_mem>>
      %dma_start3A_322 = tpu.memref_slice %arg4[%mul3A_32] : memref<32768xi32, #tpu.memory_space<hbm>> -> memref<4096xi32, #tpu.memory_space<hbm>>
      %dma_start3A_323 = tpu.memref_slice %arg4[%mul3A_32] : memref<32768xi32, #tpu.memory_space<hbm>> -> memref<4096xi32, #tpu.memory_space<hbm>>
      tpu.enqueue_dma source(%dma_start3A_323 : memref<4096xi32, #tpu.memory_space<hbm>>) target(%arg8 : memref<4096xi32, #tpu.memory_space<vmem>>) target_semaphore(%run_scoped3A : memref<!tpu.dma_semaphore, #tpu.memory_space<semaphore_mem>>)
      %dma_wait3A_324 = tpu.memref_slice %arg4[%mul3A_32] : memref<32768xi32, #tpu.memory_space<hbm>> -> memref<4096xi32, #tpu.memory_space<hbm>>
      %dma_wait3A_325 = tpu.memref_slice %arg4[%mul3A_32] : memref<32768xi32, #tpu.memory_space<hbm>> -> memref<4096xi32, #tpu.memory_space<hbm>>
      tpu.wait_dma2 semaphore(%run_scoped3A : memref<!tpu.dma_semaphore, #tpu.memory_space<semaphore_mem>>) src(%dma_wait3A_325 : memref<4096xi32, #tpu.memory_space<hbm>>) dst(%arg8 : memref<4096xi32, #tpu.memory_space<vmem>>)
      tpu.yield
    }) : () -> ()
    "tpu.region"() ({
      %run_scoped3A = tpu.sem_alloc : memref<!tpu.dma_semaphore, #tpu.memory_space<semaphore_mem>>
      %dma_start3A_322 = tpu.memref_slice %arg5[%mul3A_32] : memref<32768xi32, #tpu.memory_space<hbm>> -> memref<4096xi32, #tpu.memory_space<hbm>>
      %dma_start3A_323 = tpu.memref_slice %arg5[%mul3A_32] : memref<32768xi32, #tpu.memory_space<hbm>> -> memref<4096xi32, #tpu.memory_space<hbm>>
      tpu.enqueue_dma source(%dma_start3A_323 : memref<4096xi32, #tpu.memory_space<hbm>>) target(%arg9 : memref<4096xi32, #tpu.memory_space<vmem>>) target_semaphore(%run_scoped3A : memref<!tpu.dma_semaphore, #tpu.memory_space<semaphore_mem>>)
      %dma_wait3A_324 = tpu.memref_slice %arg5[%mul3A_32] : memref<32768xi32, #tpu.memory_space<hbm>> -> memref<4096xi32, #tpu.memory_space<hbm>>
      %dma_wait3A_325 = tpu.memref_slice %arg5[%mul3A_32] : memref<32768xi32, #tpu.memory_space<hbm>> -> memref<4096xi32, #tpu.memory_space<hbm>>
      tpu.wait_dma2 semaphore(%run_scoped3A : memref<!tpu.dma_semaphore, #tpu.memory_space<semaphore_mem>>) src(%dma_wait3A_325 : memref<4096xi32, #tpu.memory_space<hbm>>) dst(%arg9 : memref<4096xi32, #tpu.memory_space<vmem>>)
      tpu.yield
    }) : () -> ()
    %scan3A = arith.constant 0 : i32
    %scan3A_67 = arith.constant 0 : i32
    %scan3A_68 = arith.constant 256 : i32
    %scan3A_69 = arith.addi %scan3A_67, %scan3A_68 : i32
    %scan3A_70 = arith.constant 1 : i32
    scf.for %scan3A_322 = %scan3A_67 to %scan3A_69 step %scan3A_70  : i32 {
      %mul3A_323 = arith.constant 16 : i32
      %mul3A_324 = arith.muli %scan3A_322, %mul3A_323 : i32
      %get3A = arith.index_cast %mul3A_324 : i32 to index
      %get3A_325 = tpu.vector_load %arg7[%get3A] {strides = array<i32>} : memref<4096xi32, #tpu.memory_space<vmem>>, vector<16xi32>,
      %add3A_326 = vector.broadcast %mul3A_63 : i32 to vector<16xi32>
      %add3A_327 = arith.addi %get3A_325, %add3A_326 : vector<16xi32>
      %swap3A = arith.index_cast %mul3A_324 : i32 to index
      %swap3A_328 = tpu.vector_load %arg7[%swap3A] {strides = array<i32>} : memref<4096xi32, #tpu.memory_space<vmem>>, vector<16xi32>,
      tpu.vector_store %arg7[%swap3A], %add3A_327 {strides = array<i32>} : memref<4096xi32, #tpu.memory_space<vmem>>, vector<16xi32>,
      %get3A_329 = arith.index_cast %mul3A_324 : i32 to index
      %get3A_330 = tpu.vector_load %arg8[%get3A_329] {strides = array<i32>} : memref<4096xi32, #tpu.memory_space<vmem>>, vector<16xi32>,
      %add3A_331 = vector.broadcast %mul3A_63 : i32 to vector<16xi32>
      %add3A_332 = arith.addi %get3A_330, %add3A_331 : vector<16xi32>
      %swap3A_333 = arith.index_cast %mul3A_324 : i32 to index
      %swap3A_334 = tpu.vector_load %arg8[%swap3A_333] {strides = array<i32>} : memref<4096xi32, #tpu.memory_space<vmem>>, vector<16xi32>,
      tpu.vector_store %arg8[%swap3A_333], %add3A_332 {strides = array<i32>} : memref<4096xi32, #tpu.memory_space<vmem>>, vector<16xi32>,
      %get3A_335 = arith.index_cast %mul3A_324 : i32 to index
      %get3A_336 = tpu.vector_load %arg9[%get3A_335] {strides = array<i32>} : memref<4096xi32, #tpu.memory_space<vmem>>, vector<16xi32>,
      %add3A_337 = vector.broadcast %mul3A_63 : i32 to vector<16xi32>
      %add3A_338 = arith.addi %get3A_336, %add3A_337 : vector<16xi32>
      %swap3A_339 = arith.index_cast %mul3A_324 : i32 to index
      %swap3A_340 = tpu.vector_load %arg9[%swap3A_339] {strides = array<i32>} : memref<4096xi32, #tpu.memory_space<vmem>>, vector<16xi32>,
      tpu.vector_store %arg9[%swap3A_339], %add3A_338 {strides = array<i32>} : memref<4096xi32, #tpu.memory_space<vmem>>, vector<16xi32>,
    }
    %scan3A_71 = arith.constant 256 : i32
    %dma_start3A = arith.constant 0 : i32
    %dma_start3A_72 = arith.constant 0 : i32
    %dma_start3A_73 = arith.constant 0 : i32
    %dma_start3A_74 = arith.constant 0 : i32
    %dma_start3A_75 = tpu.memref_slice %arg10[%dma_start3A, %dma_start3A_72, %dma_start3A_73, %dma_start3A_74] : memref<6x4x32x128xf32, #tpu.memory_space<vmem>> -> memref<1x1x32x128xf32, #tpu.memory_space<vmem>>
    %dma_start3A_76 = tpu.memref_squeeze %dma_start3A_75 : memref<1x1x32x128xf32, #tpu.memory_space<vmem>> -> memref<32x128xf32, #tpu.memory_space<vmem>>
    %dma_start3A_77 = arith.constant 0 : i32
    %dma_start3A_78 = tpu.memref_slice %arg7[%dma_start3A_77] : memref<4096xi32, #tpu.memory_space<vmem>> -> memref<32xi32, #tpu.memory_space<vmem>>
    %dma_start3A_79 = arith.constant 0 : i32
    %dma_start3A_80 = arith.constant 0 : i32
    %dma_start3A_81 = tpu.memref_slice %arg12[%dma_start3A_79, %dma_start3A_80] : memref<128x128xf32, #tpu.memory_space<vmem_shared>> -> memref<128x128xf32, #tpu.memory_space<vmem_shared>>
    tpu.enqueue_indirect_dma source(%dma_start3A_81 : memref<128x128xf32, #tpu.memory_space<vmem_shared>>) target(%dma_start3A_76 : memref<32x128xf32, #tpu.memory_space<vmem>>) offsets(%dma_start3A_78 : memref<32xi32, #tpu.memory_space<vmem>>) semaphore(%arg13 : memref<!tpu.dma_semaphore, #tpu.memory_space<semaphore_mem>>)
    %dma_start3A_82 = arith.constant 0 : i32
    %dma_start3A_83 = arith.constant 1 : i32
    %dma_start3A_84 = arith.constant 0 : i32
    %dma_start3A_85 = arith.constant 0 : i32
    %dma_start3A_86 = tpu.memref_slice %arg10[%dma_start3A_82, %dma_start3A_83, %dma_start3A_84, %dma_start3A_85] : memref<6x4x32x128xf32, #tpu.memory_space<vmem>> -> memref<1x1x32x128xf32, #tpu.memory_space<vmem>>
    %dma_start3A_87 = tpu.memref_squeeze %dma_start3A_86 : memref<1x1x32x128xf32, #tpu.memory_space<vmem>> -> memref<32x128xf32, #tpu.memory_space<vmem>>
    %dma_start3A_88 = arith.constant 32 : i32
    %dma_start3A_89 = tpu.memref_slice %arg7[%dma_start3A_88] : memref<4096xi32, #tpu.memory_space<vmem>> -> memref<32xi32, #tpu.memory_space<vmem>>
    %dma_start3A_90 = arith.constant 0 : i32
    %dma_start3A_91 = arith.constant 0 : i32
    %dma_start3A_92 = tpu.memref_slice %arg12[%dma_start3A_90, %dma_start3A_91] : memref<128x128xf32, #tpu.memory_space<vmem_shared>> -> memref<128x128xf32, #tpu.memory_space<vmem_shared>>
    tpu.enqueue_indirect_dma source(%dma_start3A_92 : memref<128x128xf32, #tpu.memory_space<vmem_shared>>) target(%dma_start3A_87 : memref<32x128xf32, #tpu.memory_space<vmem>>) offsets(%dma_start3A_89 : memref<32xi32, #tpu.memory_space<vmem>>) semaphore(%arg13 : memref<!tpu.dma_semaphore, #tpu.memory_space<semaphore_mem>>)
    %dma_start3A_93 = arith.constant 0 : i32
    %dma_start3A_94 = arith.constant 2 : i32
    %dma_start3A_95 = arith.constant 0 : i32
    %dma_start3A_96 = arith.constant 0 : i32
    %dma_start3A_97 = tpu.memref_slice %arg10[%dma_start3A_93, %dma_start3A_94, %dma_start3A_95, %dma_start3A_96] : memref<6x4x32x128xf32, #tpu.memory_space<vmem>> -> memref<1x1x32x128xf32, #tpu.memory_space<vmem>>
    %dma_start3A_98 = tpu.memref_squeeze %dma_start3A_97 : memref<1x1x32x128xf32, #tpu.memory_space<vmem>> -> memref<32x128xf32, #tpu.memory_space<vmem>>
    %dma_start3A_99 = arith.constant 64 : i32
    %dma_start3A_100 = tpu.memref_slice %arg7[%dma_start3A_99] : memref<4096xi32, #tpu.memory_space<vmem>> -> memref<32xi32, #tpu.memory_space<vmem>>
    %dma_start3A_101 = arith.constant 0 : i32
    %dma_start3A_102 = arith.constant 0 : i32
    %dma_start3A_103 = tpu.memref_slice %arg12[%dma_start3A_101, %dma_start3A_102] : memref<128x128xf32, #tpu.memory_space<vmem_shared>> -> memref<128x128xf32, #tpu.memory_space<vmem_shared>>
    tpu.enqueue_indirect_dma source(%dma_start3A_103 : memref<128x128xf32, #tpu.memory_space<vmem_shared>>) target(%dma_start3A_98 : memref<32x128xf32, #tpu.memory_space<vmem>>) offsets(%dma_start3A_100 : memref<32xi32, #tpu.memory_space<vmem>>) semaphore(%arg13 : memref<!tpu.dma_semaphore, #tpu.memory_space<semaphore_mem>>)
    %dma_start3A_104 = arith.constant 0 : i32
    %dma_start3A_105 = arith.constant 3 : i32
    %dma_start3A_106 = arith.constant 0 : i32
    %dma_start3A_107 = arith.constant 0 : i32
    %dma_start3A_108 = tpu.memref_slice %arg10[%dma_start3A_104, %dma_start3A_105, %dma_start3A_106, %dma_start3A_107] : memref<6x4x32x128xf32, #tpu.memory_space<vmem>> -> memref<1x1x32x128xf32, #tpu.memory_space<vmem>>
    %dma_start3A_109 = tpu.memref_squeeze %dma_start3A_108 : memref<1x1x32x128xf32, #tpu.memory_space<vmem>> -> memref<32x128xf32, #tpu.memory_space<vmem>>
    %dma_start3A_110 = arith.constant 96 : i32
    %dma_start3A_111 = tpu.memref_slice %arg7[%dma_start3A_110] : memref<4096xi32, #tpu.memory_space<vmem>> -> memref<32xi32, #tpu.memory_space<vmem>>
    %dma_start3A_112 = arith.constant 0 : i32
    %dma_start3A_113 = arith.constant 0 : i32
    %dma_start3A_114 = tpu.memref_slice %arg12[%dma_start3A_112, %dma_start3A_113] : memref<128x128xf32, #tpu.memory_space<vmem_shared>> -> memref<128x128xf32, #tpu.memory_space<vmem_shared>>
    tpu.enqueue_indirect_dma source(%dma_start3A_114 : memref<128x128xf32, #tpu.memory_space<vmem_shared>>) target(%dma_start3A_109 : memref<32x128xf32, #tpu.memory_space<vmem>>) offsets(%dma_start3A_111 : memref<32xi32, #tpu.memory_space<vmem>>) semaphore(%arg13 : memref<!tpu.dma_semaphore, #tpu.memory_space<semaphore_mem>>)
    %dma_start3A_115 = arith.constant 1 : i32
    %dma_start3A_116 = arith.constant 0 : i32
    %dma_start3A_117 = arith.constant 0 : i32
    %dma_start3A_118 = arith.constant 0 : i32
    %dma_start3A_119 = tpu.memref_slice %arg10[%dma_start3A_115, %dma_start3A_116, %dma_start3A_117, %dma_start3A_118] : memref<6x4x32x128xf32, #tpu.memory_space<vmem>> -> memref<1x1x32x128xf32, #tpu.memory_space<vmem>>
    %dma_start3A_120 = tpu.memref_squeeze %dma_start3A_119 : memref<1x1x32x128xf32, #tpu.memory_space<vmem>> -> memref<32x128xf32, #tpu.memory_space<vmem>>
    %dma_start3A_121 = arith.constant 0 : i32
    %dma_start3A_122 = tpu.memref_slice %arg8[%dma_start3A_121] : memref<4096xi32, #tpu.memory_space<vmem>> -> memref<32xi32, #tpu.memory_space<vmem>>
    %dma_start3A_123 = arith.constant 0 : i32
    %dma_start3A_124 = arith.constant 0 : i32
    %dma_start3A_125 = tpu.memref_slice %arg12[%dma_start3A_123, %dma_start3A_124] : memref<128x128xf32, #tpu.memory_space<vmem_shared>> -> memref<128x128xf32, #tpu.memory_space<vmem_shared>>
    tpu.enqueue_indirect_dma source(%dma_start3A_125 : memref<128x128xf32, #tpu.memory_space<vmem_shared>>) target(%dma_start3A_120 : memref<32x128xf32, #tpu.memory_space<vmem>>) offsets(%dma_start3A_122 : memref<32xi32, #tpu.memory_space<vmem>>) semaphore(%arg14 : memref<!tpu.dma_semaphore, #tpu.memory_space<semaphore_mem>>)
    %dma_start3A_126 = arith.constant 1 : i32
    %dma_start3A_127 = arith.constant 1 : i32
    %dma_start3A_128 = arith.constant 0 : i32
    %dma_start3A_129 = arith.constant 0 : i32
    %dma_start3A_130 = tpu.memref_slice %arg10[%dma_start3A_126, %dma_start3A_127, %dma_start3A_128, %dma_start3A_129] : memref<6x4x32x128xf32, #tpu.memory_space<vmem>> -> memref<1x1x32x128xf32, #tpu.memory_space<vmem>>
    %dma_start3A_131 = tpu.memref_squeeze %dma_start3A_130 : memref<1x1x32x128xf32, #tpu.memory_space<vmem>> -> memref<32x128xf32, #tpu.memory_space<vmem>>
    %dma_start3A_132 = arith.constant 32 : i32
    %dma_start3A_133 = tpu.memref_slice %arg8[%dma_start3A_132] : memref<4096xi32, #tpu.memory_space<vmem>> -> memref<32xi32, #tpu.memory_space<vmem>>
    %dma_start3A_134 = arith.constant 0 : i32
    %dma_start3A_135 = arith.constant 0 : i32
    %dma_start3A_136 = tpu.memref_slice %arg12[%dma_start3A_134, %dma_start3A_135] : memref<128x128xf32, #tpu.memory_space<vmem_shared>> -> memref<128x128xf32, #tpu.memory_space<vmem_shared>>
    tpu.enqueue_indirect_dma source(%dma_start3A_136 : memref<128x128xf32, #tpu.memory_space<vmem_shared>>) target(%dma_start3A_131 : memref<32x128xf32, #tpu.memory_space<vmem>>) offsets(%dma_start3A_133 : memref<32xi32, #tpu.memory_space<vmem>>) semaphore(%arg14 : memref<!tpu.dma_semaphore, #tpu.memory_space<semaphore_mem>>)
    %dma_start3A_137 = arith.constant 1 : i32
    %dma_start3A_138 = arith.constant 2 : i32
    %dma_start3A_139 = arith.constant 0 : i32
    %dma_start3A_140 = arith.constant 0 : i32
    %dma_start3A_141 = tpu.memref_slice %arg10[%dma_start3A_137, %dma_start3A_138, %dma_start3A_139, %dma_start3A_140] : memref<6x4x32x128xf32, #tpu.memory_space<vmem>> -> memref<1x1x32x128xf32, #tpu.memory_space<vmem>>
    %dma_start3A_142 = tpu.memref_squeeze %dma_start3A_141 : memref<1x1x32x128xf32, #tpu.memory_space<vmem>> -> memref<32x128xf32, #tpu.memory_space<vmem>>
    %dma_start3A_143 = arith.constant 64 : i32
    %dma_start3A_144 = tpu.memref_slice %arg8[%dma_start3A_143] : memref<4096xi32, #tpu.memory_space<vmem>> -> memref<32xi32, #tpu.memory_space<vmem>>
    %dma_start3A_145 = arith.constant 0 : i32
    %dma_start3A_146 = arith.constant 0 : i32
    %dma_start3A_147 = tpu.memref_slice %arg12[%dma_start3A_145, %dma_start3A_146] : memref<128x128xf32, #tpu.memory_space<vmem_shared>> -> memref<128x128xf32, #tpu.memory_space<vmem_shared>>
    tpu.enqueue_indirect_dma source(%dma_start3A_147 : memref<128x128xf32, #tpu.memory_space<vmem_shared>>) target(%dma_start3A_142 : memref<32x128xf32, #tpu.memory_space<vmem>>) offsets(%dma_start3A_144 : memref<32xi32, #tpu.memory_space<vmem>>) semaphore(%arg14 : memref<!tpu.dma_semaphore, #tpu.memory_space<semaphore_mem>>)
    %dma_start3A_148 = arith.constant 1 : i32
    %dma_start3A_149 = arith.constant 3 : i32
    %dma_start3A_150 = arith.constant 0 : i32
    %dma_start3A_151 = arith.constant 0 : i32
    %dma_start3A_152 = tpu.memref_slice %arg10[%dma_start3A_148, %dma_start3A_149, %dma_start3A_150, %dma_start3A_151] : memref<6x4x32x128xf32, #tpu.memory_space<vmem>> -> memref<1x1x32x128xf32, #tpu.memory_space<vmem>>
    %dma_start3A_153 = tpu.memref_squeeze %dma_start3A_152 : memref<1x1x32x128xf32, #tpu.memory_space<vmem>> -> memref<32x128xf32, #tpu.memory_space<vmem>>
    %dma_start3A_154 = arith.constant 96 : i32
    %dma_start3A_155 = tpu.memref_slice %arg8[%dma_start3A_154] : memref<4096xi32, #tpu.memory_space<vmem>> -> memref<32xi32, #tpu.memory_space<vmem>>
    %dma_start3A_156 = arith.constant 0 : i32
    %dma_start3A_157 = arith.constant 0 : i32
    %dma_start3A_158 = tpu.memref_slice %arg12[%dma_start3A_156, %dma_start3A_157] : memref<128x128xf32, #tpu.memory_space<vmem_shared>> -> memref<128x128xf32, #tpu.memory_space<vmem_shared>>
    tpu.enqueue_indirect_dma source(%dma_start3A_158 : memref<128x128xf32, #tpu.memory_space<vmem_shared>>) target(%dma_start3A_153 : memref<32x128xf32, #tpu.memory_space<vmem>>) offsets(%dma_start3A_155 : memref<32xi32, #tpu.memory_space<vmem>>) semaphore(%arg14 : memref<!tpu.dma_semaphore, #tpu.memory_space<semaphore_mem>>)
    %dma_start3A_159 = arith.constant 2 : i32
    %dma_start3A_160 = arith.constant 0 : i32
    %dma_start3A_161 = arith.constant 0 : i32
    %dma_start3A_162 = arith.constant 0 : i32
    %dma_start3A_163 = tpu.memref_slice %arg10[%dma_start3A_159, %dma_start3A_160, %dma_start3A_161, %dma_start3A_162] : memref<6x4x32x128xf32, #tpu.memory_space<vmem>> -> memref<1x1x32x128xf32, #tpu.memory_space<vmem>>
    %dma_start3A_164 = tpu.memref_squeeze %dma_start3A_163 : memref<1x1x32x128xf32, #tpu.memory_space<vmem>> -> memref<32x128xf32, #tpu.memory_space<vmem>>
    %dma_start3A_165 = arith.constant 0 : i32
    %dma_start3A_166 = tpu.memref_slice %arg9[%dma_start3A_165] : memref<4096xi32, #tpu.memory_space<vmem>> -> memref<32xi32, #tpu.memory_space<vmem>>
    %dma_start3A_167 = arith.constant 0 : i32
    %dma_start3A_168 = arith.constant 0 : i32
    %dma_start3A_169 = tpu.memref_slice %arg12[%dma_start3A_167, %dma_start3A_168] : memref<128x128xf32, #tpu.memory_space<vmem_shared>> -> memref<128x128xf32, #tpu.memory_space<vmem_shared>>
    tpu.enqueue_indirect_dma source(%dma_start3A_169 : memref<128x128xf32, #tpu.memory_space<vmem_shared>>) target(%dma_start3A_164 : memref<32x128xf32, #tpu.memory_space<vmem>>) offsets(%dma_start3A_166 : memref<32xi32, #tpu.memory_space<vmem>>) semaphore(%arg15 : memref<!tpu.dma_semaphore, #tpu.memory_space<semaphore_mem>>)
    %dma_start3A_170 = arith.constant 2 : i32
    %dma_start3A_171 = arith.constant 1 : i32
    %dma_start3A_172 = arith.constant 0 : i32
    %dma_start3A_173 = arith.constant 0 : i32
    %dma_start3A_174 = tpu.memref_slice %arg10[%dma_start3A_170, %dma_start3A_171, %dma_start3A_172, %dma_start3A_173] : memref<6x4x32x128xf32, #tpu.memory_space<vmem>> -> memref<1x1x32x128xf32, #tpu.memory_space<vmem>>
    %dma_start3A_175 = tpu.memref_squeeze %dma_start3A_174 : memref<1x1x32x128xf32, #tpu.memory_space<vmem>> -> memref<32x128xf32, #tpu.memory_space<vmem>>
    %dma_start3A_176 = arith.constant 32 : i32
    %dma_start3A_177 = tpu.memref_slice %arg9[%dma_start3A_176] : memref<4096xi32, #tpu.memory_space<vmem>> -> memref<32xi32, #tpu.memory_space<vmem>>
    %dma_start3A_178 = arith.constant 0 : i32
    %dma_start3A_179 = arith.constant 0 : i32
    %dma_start3A_180 = tpu.memref_slice %arg12[%dma_start3A_178, %dma_start3A_179] : memref<128x128xf32, #tpu.memory_space<vmem_shared>> -> memref<128x128xf32, #tpu.memory_space<vmem_shared>>
    tpu.enqueue_indirect_dma source(%dma_start3A_180 : memref<128x128xf32, #tpu.memory_space<vmem_shared>>) target(%dma_start3A_175 : memref<32x128xf32, #tpu.memory_space<vmem>>) offsets(%dma_start3A_177 : memref<32xi32, #tpu.memory_space<vmem>>) semaphore(%arg15 : memref<!tpu.dma_semaphore, #tpu.memory_space<semaphore_mem>>)
    %dma_start3A_181 = arith.constant 2 : i32
    %dma_start3A_182 = arith.constant 2 : i32
    %dma_start3A_183 = arith.constant 0 : i32
    %dma_start3A_184 = arith.constant 0 : i32
    %dma_start3A_185 = tpu.memref_slice %arg10[%dma_start3A_181, %dma_start3A_182, %dma_start3A_183, %dma_start3A_184] : memref<6x4x32x128xf32, #tpu.memory_space<vmem>> -> memref<1x1x32x128xf32, #tpu.memory_space<vmem>>
    %dma_start3A_186 = tpu.memref_squeeze %dma_start3A_185 : memref<1x1x32x128xf32, #tpu.memory_space<vmem>> -> memref<32x128xf32, #tpu.memory_space<vmem>>
    %dma_start3A_187 = arith.constant 64 : i32
    %dma_start3A_188 = tpu.memref_slice %arg9[%dma_start3A_187] : memref<4096xi32, #tpu.memory_space<vmem>> -> memref<32xi32, #tpu.memory_space<vmem>>
    %dma_start3A_189 = arith.constant 0 : i32
    %dma_start3A_190 = arith.constant 0 : i32
    %dma_start3A_191 = tpu.memref_slice %arg12[%dma_start3A_189, %dma_start3A_190] : memref<128x128xf32, #tpu.memory_space<vmem_shared>> -> memref<128x128xf32, #tpu.memory_space<vmem_shared>>
    tpu.enqueue_indirect_dma source(%dma_start3A_191 : memref<128x128xf32, #tpu.memory_space<vmem_shared>>) target(%dma_start3A_186 : memref<32x128xf32, #tpu.memory_space<vmem>>) offsets(%dma_start3A_188 : memref<32xi32, #tpu.memory_space<vmem>>) semaphore(%arg15 : memref<!tpu.dma_semaphore, #tpu.memory_space<semaphore_mem>>)
    %dma_start3A_192 = arith.constant 2 : i32
    %dma_start3A_193 = arith.constant 3 : i32
    %dma_start3A_194 = arith.constant 0 : i32
    %dma_start3A_195 = arith.constant 0 : i32
    %dma_start3A_196 = tpu.memref_slice %arg10[%dma_start3A_192, %dma_start3A_193, %dma_start3A_194, %dma_start3A_195] : memref<6x4x32x128xf32, #tpu.memory_space<vmem>> -> memref<1x1x32x128xf32, #tpu.memory_space<vmem>>
    %dma_start3A_197 = tpu.memref_squeeze %dma_start3A_196 : memref<1x1x32x128xf32, #tpu.memory_space<vmem>> -> memref<32x128xf32, #tpu.memory_space<vmem>>
    %dma_start3A_198 = arith.constant 96 : i32
    %dma_start3A_199 = tpu.memref_slice %arg9[%dma_start3A_198] : memref<4096xi32, #tpu.memory_space<vmem>> -> memref<32xi32, #tpu.memory_space<vmem>>
    %dma_start3A_200 = arith.constant 0 : i32
    %dma_start3A_201 = arith.constant 0 : i32
    %dma_start3A_202 = tpu.memref_slice %arg12[%dma_start3A_200, %dma_start3A_201] : memref<128x128xf32, #tpu.memory_space<vmem_shared>> -> memref<128x128xf32, #tpu.memory_space<vmem_shared>>
    tpu.enqueue_indirect_dma source(%dma_start3A_202 : memref<128x128xf32, #tpu.memory_space<vmem_shared>>) target(%dma_start3A_197 : memref<32x128xf32, #tpu.memory_space<vmem>>) offsets(%dma_start3A_199 : memref<32xi32, #tpu.memory_space<vmem>>) semaphore(%arg15 : memref<!tpu.dma_semaphore, #tpu.memory_space<semaphore_mem>>)
    %scan3A_203 = arith.constant 0 : i32
    %scan3A_204 = arith.constant 0 : i32
    %scan3A_205 = arith.constant 16 : i32
    %scan3A_206 = arith.addi %scan3A_204, %scan3A_205 : i32
    %scan3A_207 = arith.constant 1 : i32
    scf.for %scan3A_322 = %scan3A_204 to %scan3A_206 step %scan3A_207  : i32 {
      %mul3A_323 = arith.constant 6 : i32
      %mul3A_324 = arith.muli %scan3A_322, %mul3A_323 : i32
      %add3A_325 = arith.constant 0 : i32
      %add3A_326 = arith.addi %mul3A_324, %add3A_325 : i32
      %jit3A_327 = arith.constant 3 : i32
      %div3A_328 = arith.divsi %add3A_326, %jit3A_327 : i32
      %sign3A_329 = arith.constant 0 : i32
      %sign3A_330 = arith.cmpi sgt, %add3A_326, %sign3A_329 : i32
      %sign3A_331 = arith.extui %sign3A_330 : i1 to i32
      %sign3A_332 = arith.constant 0 : i32
      %sign3A_333 = arith.cmpi slt, %add3A_326, %sign3A_332 : i32
      %sign3A_334 = arith.extui %sign3A_333 : i1 to i32
      %sign3A_335 = arith.subi %sign3A_331, %sign3A_334 : i32
      %sign3A_336 = arith.constant 0 : i32
      %sign3A_337 = arith.cmpi sgt, %jit3A_327, %sign3A_336 : i32
      %sign3A_338 = arith.extui %sign3A_337 : i1 to i32
      %sign3A_339 = arith.constant 0 : i32
      %sign3A_340 = arith.cmpi slt, %jit3A_327, %sign3A_339 : i32
      %sign3A_341 = arith.extui %sign3A_340 : i1 to i32
      %sign3A_342 = arith.subi %sign3A_338, %sign3A_341 : i32
      %ne3A_343 = arith.cmpi ne, %sign3A_335, %sign3A_342 : i32
      %rem3A_344 = arith.remsi %add3A_326, %jit3A_327 : i32
      %ne3A_345 = arith.constant 0 : i32
      %ne3A_346 = arith.cmpi ne, %rem3A_344, %ne3A_345 : i32
      %and3A_347 = arith.andi %ne3A_343, %ne3A_346 : i1
      %sub3A_348 = arith.constant 1 : i32
      %sub3A_349 = arith.subi %div3A_328, %sub3A_348 : i32
      %select_n3A_350 = arith.select %and3A_347, %sub3A_349, %div3A_328 : i32
      %mul3A_351 = arith.constant 128 : i32
      %mul3A_352 = arith.muli %select_n3A_350, %mul3A_351 : i32
      %add3A_353 = arith.constant 0 : i32
      %add3A_354 = arith.addi %mul3A_352, %add3A_353 : i32
      %dma_wait3A_355 = arith.constant 0 : i32
      %dma_wait3A_356 = arith.constant 0 : i32
      %dma_wait3A_357 = arith.constant 0 : i32
      %dma_wait3A_358 = arith.constant 0 : i32
      %dma_wait3A_359 = tpu.memref_slice %arg10[%dma_wait3A_355, %dma_wait3A_356, %dma_wait3A_357, %dma_wait3A_358] : memref<6x4x32x128xf32, #tpu.memory_space<vmem>> -> memref<1x1x32x128xf32, #tpu.memory_space<vmem>>
      %dma_wait3A_360 = tpu.memref_squeeze %dma_wait3A_359 : memref<1x1x32x128xf32, #tpu.memory_space<vmem>> -> memref<32x128xf32, #tpu.memory_space<vmem>>
      %dma_wait3A_361 = tpu.memref_slice %arg7[%add3A_354] : memref<4096xi32, #tpu.memory_space<vmem>> -> memref<32xi32, #tpu.memory_space<vmem>>
      %dma_wait3A_362 = arith.constant 0 : i32
      %dma_wait3A_363 = arith.constant 0 : i32
      %dma_wait3A_364 = tpu.memref_slice %arg12[%dma_wait3A_362, %dma_wait3A_363] : memref<128x128xf32, #tpu.memory_space<vmem_shared>> -> memref<128x128xf32, #tpu.memory_space<vmem_shared>>
      tpu.wait_indirect_dma semaphore(%arg13 : memref<!tpu.dma_semaphore, #tpu.memory_space<semaphore_mem>>) src(%dma_wait3A_364 : memref<128x128xf32, #tpu.memory_space<vmem_shared>>) dst(%dma_wait3A_360 : memref<32x128xf32, #tpu.memory_space<vmem>>)
      %mul3A_365 = arith.constant 128 : i32
      %mul3A_366 = arith.muli %select_n3A_350, %mul3A_365 : i32
      %add3A_367 = arith.constant 32 : i32
      %add3A_368 = arith.addi %mul3A_366, %add3A_367 : i32
      %dma_wait3A_369 = arith.constant 0 : i32
      %dma_wait3A_370 = arith.constant 1 : i32
      %dma_wait3A_371 = arith.constant 0 : i32
      %dma_wait3A_372 = arith.constant 0 : i32
      %dma_wait3A_373 = tpu.memref_slice %arg10[%dma_wait3A_369, %dma_wait3A_370, %dma_wait3A_371, %dma_wait3A_372] : memref<6x4x32x128xf32, #tpu.memory_space<vmem>> -> memref<1x1x32x128xf32, #tpu.memory_space<vmem>>
      %dma_wait3A_374 = tpu.memref_squeeze %dma_wait3A_373 : memref<1x1x32x128xf32, #tpu.memory_space<vmem>> -> memref<32x128xf32, #tpu.memory_space<vmem>>
      %dma_wait3A_375 = tpu.memref_slice %arg7[%add3A_368] : memref<4096xi32, #tpu.memory_space<vmem>> -> memref<32xi32, #tpu.memory_space<vmem>>
      %dma_wait3A_376 = arith.constant 0 : i32
      %dma_wait3A_377 = arith.constant 0 : i32
      %dma_wait3A_378 = tpu.memref_slice %arg12[%dma_wait3A_376, %dma_wait3A_377] : memref<128x128xf32, #tpu.memory_space<vmem_shared>> -> memref<128x128xf32, #tpu.memory_space<vmem_shared>>
      tpu.wait_indirect_dma semaphore(%arg13 : memref<!tpu.dma_semaphore, #tpu.memory_space<semaphore_mem>>) src(%dma_wait3A_378 : memref<128x128xf32, #tpu.memory_space<vmem_shared>>) dst(%dma_wait3A_374 : memref<32x128xf32, #tpu.memory_space<vmem>>)
      %mul3A_379 = arith.constant 128 : i32
      %mul3A_380 = arith.muli %select_n3A_350, %mul3A_379 : i32
      %add3A_381 = arith.constant 64 : i32
      %add3A_382 = arith.addi %mul3A_380, %add3A_381 : i32
      %dma_wait3A_383 = arith.constant 0 : i32
      %dma_wait3A_384 = arith.constant 2 : i32
      %dma_wait3A_385 = arith.constant 0 : i32
      %dma_wait3A_386 = arith.constant 0 : i32
      %dma_wait3A_387 = tpu.memref_slice %arg10[%dma_wait3A_383, %dma_wait3A_384, %dma_wait3A_385, %dma_wait3A_386] : memref<6x4x32x128xf32, #tpu.memory_space<vmem>> -> memref<1x1x32x128xf32, #tpu.memory_space<vmem>>
      %dma_wait3A_388 = tpu.memref_squeeze %dma_wait3A_387 : memref<1x1x32x128xf32, #tpu.memory_space<vmem>> -> memref<32x128xf32, #tpu.memory_space<vmem>>
      %dma_wait3A_389 = tpu.memref_slice %arg7[%add3A_382] : memref<4096xi32, #tpu.memory_space<vmem>> -> memref<32xi32, #tpu.memory_space<vmem>>
      %dma_wait3A_390 = arith.constant 0 : i32
      %dma_wait3A_391 = arith.constant 0 : i32
      %dma_wait3A_392 = tpu.memref_slice %arg12[%dma_wait3A_390, %dma_wait3A_391] : memref<128x128xf32, #tpu.memory_space<vmem_shared>> -> memref<128x128xf32, #tpu.memory_space<vmem_shared>>
      tpu.wait_indirect_dma semaphore(%arg13 : memref<!tpu.dma_semaphore, #tpu.memory_space<semaphore_mem>>) src(%dma_wait3A_392 : memref<128x128xf32, #tpu.memory_space<vmem_shared>>) dst(%dma_wait3A_388 : memref<32x128xf32, #tpu.memory_space<vmem>>)
      %mul3A_393 = arith.constant 128 : i32
      %mul3A_394 = arith.muli %select_n3A_350, %mul3A_393 : i32
      %add3A_395 = arith.constant 96 : i32
      %add3A_396 = arith.addi %mul3A_394, %add3A_395 : i32
      %dma_wait3A_397 = arith.constant 0 : i32
      %dma_wait3A_398 = arith.constant 3 : i32
      %dma_wait3A_399 = arith.constant 0 : i32
      %dma_wait3A_400 = arith.constant 0 : i32
      %dma_wait3A_401 = tpu.memref_slice %arg10[%dma_wait3A_397, %dma_wait3A_398, %dma_wait3A_399, %dma_wait3A_400] : memref<6x4x32x128xf32, #tpu.memory_space<vmem>> -> memref<1x1x32x128xf32, #tpu.memory_space<vmem>>
      %dma_wait3A_402 = tpu.memref_squeeze %dma_wait3A_401 : memref<1x1x32x128xf32, #tpu.memory_space<vmem>> -> memref<32x128xf32, #tpu.memory_space<vmem>>
      %dma_wait3A_403 = tpu.memref_slice %arg7[%add3A_396] : memref<4096xi32, #tpu.memory_space<vmem>> -> memref<32xi32, #tpu.memory_space<vmem>>
      %dma_wait3A_404 = arith.constant 0 : i32
      %dma_wait3A_405 = arith.constant 0 : i32
      %dma_wait3A_406 = tpu.memref_slice %arg12[%dma_wait3A_404, %dma_wait3A_405] : memref<128x128xf32, #tpu.memory_space<vmem_shared>> -> memref<128x128xf32, #tpu.memory_space<vmem_shared>>
      tpu.wait_indirect_dma semaphore(%arg13 : memref<!tpu.dma_semaphore, #tpu.memory_space<semaphore_mem>>) src(%dma_wait3A_406 : memref<128x128xf32, #tpu.memory_space<vmem_shared>>) dst(%dma_wait3A_402 : memref<32x128xf32, #tpu.memory_space<vmem>>)
      %jit3A_407 = arith.constant 3 : i32
      %div3A_408 = arith.divsi %add3A_326, %jit3A_407 : i32
      %sign3A_409 = arith.constant 0 : i32
      %sign3A_410 = arith.cmpi sgt, %add3A_326, %sign3A_409 : i32
      %sign3A_411 = arith.extui %sign3A_410 : i1 to i32
      %sign3A_412 = arith.constant 0 : i32
      %sign3A_413 = arith.cmpi slt, %add3A_326, %sign3A_412 : i32
      %sign3A_414 = arith.extui %sign3A_413 : i1 to i32
      %sign3A_415 = arith.subi %sign3A_411, %sign3A_414 : i32
      %sign3A_416 = arith.constant 0 : i32
      %sign3A_417 = arith.cmpi sgt, %jit3A_407, %sign3A_416 : i32
      %sign3A_418 = arith.extui %sign3A_417 : i1 to i32
      %sign3A_419 = arith.constant 0 : i32
      %sign3A_420 = arith.cmpi slt, %jit3A_407, %sign3A_419 : i32
      %sign3A_421 = arith.extui %sign3A_420 : i1 to i32
      %sign3A_422 = arith.subi %sign3A_418, %sign3A_421 : i32
      %ne3A_423 = arith.cmpi ne, %sign3A_415, %sign3A_422 : i32
      %rem3A_424 = arith.remsi %add3A_326, %jit3A_407 : i32
      %ne3A_425 = arith.constant 0 : i32
      %ne3A_426 = arith.cmpi ne, %rem3A_424, %ne3A_425 : i32
      %and3A_427 = arith.andi %ne3A_423, %ne3A_426 : i1
      %sub3A_428 = arith.constant 1 : i32
      %sub3A_429 = arith.subi %div3A_408, %sub3A_428 : i32
      %select_n3A_430 = arith.select %and3A_427, %sub3A_429, %div3A_408 : i32
      %mul3A_431 = arith.constant 4 : i32
      %mul3A_432 = arith.muli %select_n3A_430, %mul3A_431 : i32
      %add3A_433 = arith.addi %mul3A_61, %mul3A_432 : i32
      %dma_start3A_434 = arith.constant 0 : i32
      %dma_start3A_435 = arith.constant 0 : i32
      %dma_start3A_436 = arith.constant 0 : i32
      %dma_start3A_437 = arith.constant 0 : i32
      %dma_start3A_438 = tpu.memref_slice %arg10[%dma_start3A_434, %dma_start3A_435, %dma_start3A_436, %dma_start3A_437] : memref<6x4x32x128xf32, #tpu.memory_space<vmem>> -> memref<1x4x32x128xf32, #tpu.memory_space<vmem>>
      %dma_start3A_439 = tpu.memref_squeeze %dma_start3A_438 : memref<1x4x32x128xf32, #tpu.memory_space<vmem>> -> memref<4x32x128xf32, #tpu.memory_space<vmem>>
      %dma_start3A_440 = arith.constant 0 : i32
      %dma_start3A_441 = arith.constant 0 : i32
      %dma_start3A_442 = tpu.memref_slice %arg6[%add3A_433, %dma_start3A_440, %dma_start3A_441] : memref<4096x32x384xf32, #tpu.memory_space<hbm>> -> memref<4x32x128xf32, #tpu.memory_space<hbm>>
      %dma_start3A_443 = arith.constant 0 : i32
      %dma_start3A_444 = arith.constant 0 : i32
      %dma_start3A_445 = tpu.memref_slice %arg6[%add3A_433, %dma_start3A_443, %dma_start3A_444] : memref<4096x32x384xf32, #tpu.memory_space<hbm>> -> memref<4x32x128xf32, #tpu.memory_space<hbm>>
      %dma_start3A_446 = arith.constant 0 : i32
      %dma_start3A_447 = arith.constant 0 : i32
      %dma_start3A_448 = arith.constant 0 : i32
      %dma_start3A_449 = tpu.memref_slice %arg10[%dma_start3A_434, %dma_start3A_446, %dma_start3A_447, %dma_start3A_448] : memref<6x4x32x128xf32, #tpu.memory_space<vmem>> -> memref<1x4x32x128xf32, #tpu.memory_space<vmem>>
      %dma_start3A_450 = tpu.memref_squeeze %dma_start3A_449 : memref<1x4x32x128xf32, #tpu.memory_space<vmem>> -> memref<4x32x128xf32, #tpu.memory_space<vmem>>
      tpu.enqueue_dma source(%dma_start3A_450 : memref<4x32x128xf32, #tpu.memory_space<vmem>>) target(%dma_start3A_445 : memref<4x32x128xf32, #tpu.memory_space<hbm>>) target_semaphore(%arg19 : memref<!tpu.dma_semaphore, #tpu.memory_space<semaphore_mem>>)
      %add3A_451 = arith.constant 3 : i32
      %add3A_452 = arith.addi %add3A_326, %add3A_451 : i32
      %lt3A_453 = arith.constant 96 : i32
      %lt3A_454 = arith.cmpi slt, %add3A_452, %lt3A_453 : i32
      %convert_element_type3A_455 = arith.extui %lt3A_454 : i1 to i32
      %cond3A_456 = arith.constant 0 : i32
      %cond3A_457 = arith.cmpi ne, %convert_element_type3A_455, %cond3A_456 : i32
      scf.if %cond3A_457 {
        %ge3A = arith.constant 6 : i32
        %ge3A_1133 = arith.cmpi sge, %add3A_452, %ge3A : i32
        %convert_element_type3A_1134 = arith.extui %ge3A_1133 : i1 to i32
        %cond3A_1135 = arith.constant 0 : i32
        %cond3A_1136 = arith.cmpi ne, %convert_element_type3A_1134, %cond3A_1135 : i32
        scf.if %cond3A_1136 {
          %sub3A_1217 = arith.constant 6 : i32
          %sub3A_1218 = arith.subi %add3A_452, %sub3A_1217 : i32
          %jit3A_1219 = arith.constant 3 : i32
          %div3A_1220 = arith.divsi %sub3A_1218, %jit3A_1219 : i32
          %sign3A_1221 = arith.constant 0 : i32
          %sign3A_1222 = arith.cmpi sgt, %sub3A_1218, %sign3A_1221 : i32
          %sign3A_1223 = arith.extui %sign3A_1222 : i1 to i32
          %sign3A_1224 = arith.constant 0 : i32
          %sign3A_1225 = arith.cmpi slt, %sub3A_1218, %sign3A_1224 : i32
          %sign3A_1226 = arith.extui %sign3A_1225 : i1 to i32
          %sign3A_1227 = arith.subi %sign3A_1223, %sign3A_1226 : i32
          %sign3A_1228 = arith.constant 0 : i32
          %sign3A_1229 = arith.cmpi sgt, %jit3A_1219, %sign3A_1228 : i32
          %sign3A_1230 = arith.extui %sign3A_1229 : i1 to i32
          %sign3A_1231 = arith.constant 0 : i32
          %sign3A_1232 = arith.cmpi slt, %jit3A_1219, %sign3A_1231 : i32
          %sign3A_1233 = arith.extui %sign3A_1232 : i1 to i32
          %sign3A_1234 = arith.subi %sign3A_1230, %sign3A_1233 : i32
          %ne3A_1235 = arith.cmpi ne, %sign3A_1227, %sign3A_1234 : i32
          %rem3A_1236 = arith.remsi %sub3A_1218, %jit3A_1219 : i32
          %ne3A_1237 = arith.constant 0 : i32
          %ne3A_1238 = arith.cmpi ne, %rem3A_1236, %ne3A_1237 : i32
          %and3A_1239 = arith.andi %ne3A_1235, %ne3A_1238 : i1
          %sub3A_1240 = arith.constant 1 : i32
          %sub3A_1241 = arith.subi %div3A_1220, %sub3A_1240 : i32
          %select_n3A_1242 = arith.select %and3A_1239, %sub3A_1241, %div3A_1220 : i32
          %mul3A_1243 = arith.constant 4 : i32
          %mul3A_1244 = arith.muli %select_n3A_1242, %mul3A_1243 : i32
          %add3A_1245 = arith.addi %mul3A_61, %mul3A_1244 : i32
          %dma_wait3A_1246 = arith.constant 3 : i32
          %dma_wait3A_1247 = arith.constant 0 : i32
          %dma_wait3A_1248 = arith.constant 0 : i32
          %dma_wait3A_1249 = arith.constant 0 : i32
          %dma_wait3A_1250 = tpu.memref_slice %arg10[%dma_wait3A_1246, %dma_wait3A_1247, %dma_wait3A_1248, %dma_wait3A_1249] : memref<6x4x32x128xf32, #tpu.memory_space<vmem>> -> memref<1x4x32x128xf32, #tpu.memory_space<vmem>>
          %dma_wait3A_1251 = tpu.memref_squeeze %dma_wait3A_1250 : memref<1x4x32x128xf32, #tpu.memory_space<vmem>> -> memref<4x32x128xf32, #tpu.memory_space<vmem>>
          %dma_wait3A_1252 = arith.constant 0 : i32
          %dma_wait3A_1253 = arith.constant 0 : i32
          %dma_wait3A_1254 = tpu.memref_slice %arg6[%add3A_1245, %dma_wait3A_1252, %dma_wait3A_1253] : memref<4096x32x384xf32, #tpu.memory_space<hbm>> -> memref<4x32x128xf32, #tpu.memory_space<hbm>>
          %dma_wait3A_1255 = arith.constant 0 : i32
          %dma_wait3A_1256 = arith.constant 0 : i32
          %dma_wait3A_1257 = tpu.memref_slice %arg6[%add3A_1245, %dma_wait3A_1255, %dma_wait3A_1256] : memref<4096x32x384xf32, #tpu.memory_space<hbm>> -> memref<4x32x128xf32, #tpu.memory_space<hbm>>
          %dma_wait3A_1258 = arith.constant 0 : i32
          %dma_wait3A_1259 = arith.constant 0 : i32
          %dma_wait3A_1260 = arith.constant 0 : i32
          %dma_wait3A_1261 = tpu.memref_slice %arg10[%dma_wait3A_1246, %dma_wait3A_1258, %dma_wait3A_1259, %dma_wait3A_1260] : memref<6x4x32x128xf32, #tpu.memory_space<vmem>> -> memref<1x4x32x128xf32, #tpu.memory_space<vmem>>
          %dma_wait3A_1262 = tpu.memref_squeeze %dma_wait3A_1261 : memref<1x4x32x128xf32, #tpu.memory_space<vmem>> -> memref<4x32x128xf32, #tpu.memory_space<vmem>>
          tpu.wait_dma2 semaphore(%arg22 : memref<!tpu.dma_semaphore, #tpu.memory_space<semaphore_mem>>) src(%dma_wait3A_1262 : memref<4x32x128xf32, #tpu.memory_space<vmem>>) dst(%dma_wait3A_1257 : memref<4x32x128xf32, #tpu.memory_space<hbm>>)
        } else {
        }
        %jit3A_1137 = arith.constant 3 : i32
        %div3A_1138 = arith.divsi %add3A_452, %jit3A_1137 : i32
        %sign3A_1139 = arith.constant 0 : i32
        %sign3A_1140 = arith.cmpi sgt, %add3A_452, %sign3A_1139 : i32
        %sign3A_1141 = arith.extui %sign3A_1140 : i1 to i32
        %sign3A_1142 = arith.constant 0 : i32
        %sign3A_1143 = arith.cmpi slt, %add3A_452, %sign3A_1142 : i32
        %sign3A_1144 = arith.extui %sign3A_1143 : i1 to i32
        %sign3A_1145 = arith.subi %sign3A_1141, %sign3A_1144 : i32
        %sign3A_1146 = arith.constant 0 : i32
        %sign3A_1147 = arith.cmpi sgt, %jit3A_1137, %sign3A_1146 : i32
        %sign3A_1148 = arith.extui %sign3A_1147 : i1 to i32
        %sign3A_1149 = arith.constant 0 : i32
        %sign3A_1150 = arith.cmpi slt, %jit3A_1137, %sign3A_1149 : i32
        %sign3A_1151 = arith.extui %sign3A_1150 : i1 to i32
        %sign3A_1152 = arith.subi %sign3A_1148, %sign3A_1151 : i32
        %ne3A_1153 = arith.cmpi ne, %sign3A_1145, %sign3A_1152 : i32
        %rem3A_1154 = arith.remsi %add3A_452, %jit3A_1137 : i32
        %ne3A_1155 = arith.constant 0 : i32
        %ne3A_1156 = arith.cmpi ne, %rem3A_1154, %ne3A_1155 : i32
        %and3A_1157 = arith.andi %ne3A_1153, %ne3A_1156 : i1
        %sub3A_1158 = arith.constant 1 : i32
        %sub3A_1159 = arith.subi %div3A_1138, %sub3A_1158 : i32
        %select_n3A_1160 = arith.select %and3A_1157, %sub3A_1159, %div3A_1138 : i32
        %mul3A_1161 = arith.constant 128 : i32
        %mul3A_1162 = arith.muli %select_n3A_1160, %mul3A_1161 : i32
        %add3A_1163 = arith.constant 0 : i32
        %add3A_1164 = arith.addi %mul3A_1162, %add3A_1163 : i32
        %dma_start3A_1165 = arith.constant 3 : i32
        %dma_start3A_1166 = arith.constant 0 : i32
        %dma_start3A_1167 = arith.constant 0 : i32
        %dma_start3A_1168 = arith.constant 0 : i32
        %dma_start3A_1169 = tpu.memref_slice %arg10[%dma_start3A_1165, %dma_start3A_1166, %dma_start3A_1167, %dma_start3A_1168] : memref<6x4x32x128xf32, #tpu.memory_space<vmem>> -> memref<1x1x32x128xf32, #tpu.memory_space<vmem>>
        %dma_start3A_1170 = tpu.memref_squeeze %dma_start3A_1169 : memref<1x1x32x128xf32, #tpu.memory_space<vmem>> -> memref<32x128xf32, #tpu.memory_space<vmem>>
        %dma_start3A_1171 = tpu.memref_slice %arg7[%add3A_1164] : memref<4096xi32, #tpu.memory_space<vmem>> -> memref<32xi32, #tpu.memory_space<vmem>>
        %dma_start3A_1172 = arith.constant 0 : i32
        %dma_start3A_1173 = arith.constant 0 : i32
        %dma_start3A_1174 = tpu.memref_slice %arg12[%dma_start3A_1172, %dma_start3A_1173] : memref<128x128xf32, #tpu.memory_space<vmem_shared>> -> memref<128x128xf32, #tpu.memory_space<vmem_shared>>
        tpu.enqueue_indirect_dma source(%dma_start3A_1174 : memref<128x128xf32, #tpu.memory_space<vmem_shared>>) target(%dma_start3A_1170 : memref<32x128xf32, #tpu.memory_space<vmem>>) offsets(%dma_start3A_1171 : memref<32xi32, #tpu.memory_space<vmem>>) semaphore(%arg16 : memref<!tpu.dma_semaphore, #tpu.memory_space<semaphore_mem>>)
        %mul3A_1175 = arith.constant 128 : i32
        %mul3A_1176 = arith.muli %select_n3A_1160, %mul3A_1175 : i32
        %add3A_1177 = arith.constant 32 : i32
        %add3A_1178 = arith.addi %mul3A_1176, %add3A_1177 : i32
        %dma_start3A_1179 = arith.constant 3 : i32
        %dma_start3A_1180 = arith.constant 1 : i32
        %dma_start3A_1181 = arith.constant 0 : i32
        %dma_start3A_1182 = arith.constant 0 : i32
        %dma_start3A_1183 = tpu.memref_slice %arg10[%dma_start3A_1179, %dma_start3A_1180, %dma_start3A_1181, %dma_start3A_1182] : memref<6x4x32x128xf32, #tpu.memory_space<vmem>> -> memref<1x1x32x128xf32, #tpu.memory_space<vmem>>
        %dma_start3A_1184 = tpu.memref_squeeze %dma_start3A_1183 : memref<1x1x32x128xf32, #tpu.memory_space<vmem>> -> memref<32x128xf32, #tpu.memory_space<vmem>>
        %dma_start3A_1185 = tpu.memref_slice %arg7[%add3A_1178] : memref<4096xi32, #tpu.memory_space<vmem>> -> memref<32xi32, #tpu.memory_space<vmem>>
        %dma_start3A_1186 = arith.constant 0 : i32
        %dma_start3A_1187 = arith.constant 0 : i32
        %dma_start3A_1188 = tpu.memref_slice %arg12[%dma_start3A_1186, %dma_start3A_1187] : memref<128x128xf32, #tpu.memory_space<vmem_shared>> -> memref<128x128xf32, #tpu.memory_space<vmem_shared>>
        tpu.enqueue_indirect_dma source(%dma_start3A_1188 : memref<128x128xf32, #tpu.memory_space<vmem_shared>>) target(%dma_start3A_1184 : memref<32x128xf32, #tpu.memory_space<vmem>>) offsets(%dma_start3A_1185 : memref<32xi32, #tpu.memory_space<vmem>>) semaphore(%arg16 : memref<!tpu.dma_semaphore, #tpu.memory_space<semaphore_mem>>)
        %mul3A_1189 = arith.constant 128 : i32
        %mul3A_1190 = arith.muli %select_n3A_1160, %mul3A_1189 : i32
        %add3A_1191 = arith.constant 64 : i32
        %add3A_1192 = arith.addi %mul3A_1190, %add3A_1191 : i32
        %dma_start3A_1193 = arith.constant 3 : i32
        %dma_start3A_1194 = arith.constant 2 : i32
        %dma_start3A_1195 = arith.constant 0 : i32
        %dma_start3A_1196 = arith.constant 0 : i32
        %dma_start3A_1197 = tpu.memref_slice %arg10[%dma_start3A_1193, %dma_start3A_1194, %dma_start3A_1195, %dma_start3A_1196] : memref<6x4x32x128xf32, #tpu.memory_space<vmem>> -> memref<1x1x32x128xf32, #tpu.memory_space<vmem>>
        %dma_start3A_1198 = tpu.memref_squeeze %dma_start3A_1197 : memref<1x1x32x128xf32, #tpu.memory_space<vmem>> -> memref<32x128xf32, #tpu.memory_space<vmem>>
        %dma_start3A_1199 = tpu.memref_slice %arg7[%add3A_1192] : memref<4096xi32, #tpu.memory_space<vmem>> -> memref<32xi32, #tpu.memory_space<vmem>>
        %dma_start3A_1200 = arith.constant 0 : i32
        %dma_start3A_1201 = arith.constant 0 : i32
        %dma_start3A_1202 = tpu.memref_slice %arg12[%dma_start3A_1200, %dma_start3A_1201] : memref<128x128xf32, #tpu.memory_space<vmem_shared>> -> memref<128x128xf32, #tpu.memory_space<vmem_shared>>
        tpu.enqueue_indirect_dma source(%dma_start3A_1202 : memref<128x128xf32, #tpu.memory_space<vmem_shared>>) target(%dma_start3A_1198 : memref<32x128xf32, #tpu.memory_space<vmem>>) offsets(%dma_start3A_1199 : memref<32xi32, #tpu.memory_space<vmem>>) semaphore(%arg16 : memref<!tpu.dma_semaphore, #tpu.memory_space<semaphore_mem>>)
        %mul3A_1203 = arith.constant 128 : i32
        %mul3A_1204 = arith.muli %select_n3A_1160, %mul3A_1203 : i32
        %add3A_1205 = arith.constant 96 : i32
        %add3A_1206 = arith.addi %mul3A_1204, %add3A_1205 : i32
        %dma_start3A_1207 = arith.constant 3 : i32
        %dma_start3A_1208 = arith.constant 3 : i32
        %dma_start3A_1209 = arith.constant 0 : i32
        %dma_start3A_1210 = arith.constant 0 : i32
        %dma_start3A_1211 = tpu.memref_slice %arg10[%dma_start3A_1207, %dma_start3A_1208, %dma_start3A_1209, %dma_start3A_1210] : memref<6x4x32x128xf32, #tpu.memory_space<vmem>> -> memref<1x1x32x128xf32, #tpu.memory_space<vmem>>
        %dma_start3A_1212 = tpu.memref_squeeze %dma_start3A_1211 : memref<1x1x32x128xf32, #tpu.memory_space<vmem>> -> memref<32x128xf32, #tpu.memory_space<vmem>>
        %dma_start3A_1213 = tpu.memref_slice %arg7[%add3A_1206] : memref<4096xi32, #tpu.memory_space<vmem>> -> memref<32xi32, #tpu.memory_space<vmem>>
        %dma_start3A_1214 = arith.constant 0 : i32
        %dma_start3A_1215 = arith.constant 0 : i32
        %dma_start3A_1216 = tpu.memref_slice %arg12[%dma_start3A_1214, %dma_start3A_1215] : memref<128x128xf32, #tpu.memory_space<vmem_shared>> -> memref<128x128xf32, #tpu.memory_space<vmem_shared>>
        tpu.enqueue_indirect_dma source(%dma_start3A_1216 : memref<128x128xf32, #tpu.memory_space<vmem_shared>>) target(%dma_start3A_1212 : memref<32x128xf32, #tpu.memory_space<vmem>>) offsets(%dma_start3A_1213 : memref<32xi32, #tpu.memory_space<vmem>>) semaphore(%arg16 : memref<!tpu.dma_semaphore, #tpu.memory_space<semaphore_mem>>)
      } else {
      }
      %mul3A_458 = arith.constant 6 : i32
      %mul3A_459 = arith.muli %scan3A_322, %mul3A_458 : i32
      %add3A_460 = arith.constant 1 : i32
      %add3A_461 = arith.addi %mul3A_459, %add3A_460 : i32
      %jit3A_462 = arith.constant 3 : i32
      %div3A_463 = arith.divsi %add3A_461, %jit3A_462 : i32
      %sign3A_464 = arith.constant 0 : i32
      %sign3A_465 = arith.cmpi sgt, %add3A_461, %sign3A_464 : i32
      %sign3A_466 = arith.extui %sign3A_465 : i1 to i32
      %sign3A_467 = arith.constant 0 : i32
      %sign3A_468 = arith.cmpi slt, %add3A_461, %sign3A_467 : i32
      %sign3A_469 = arith.extui %sign3A_468 : i1 to i32
      %sign3A_470 = arith.subi %sign3A_466, %sign3A_469 : i32
      %sign3A_471 = arith.constant 0 : i32
      %sign3A_472 = arith.cmpi sgt, %jit3A_462, %sign3A_471 : i32
      %sign3A_473 = arith.extui %sign3A_472 : i1 to i32
      %sign3A_474 = arith.constant 0 : i32
      %sign3A_475 = arith.cmpi slt, %jit3A_462, %sign3A_474 : i32
      %sign3A_476 = arith.extui %sign3A_475 : i1 to i32
      %sign3A_477 = arith.subi %sign3A_473, %sign3A_476 : i32
      %ne3A_478 = arith.cmpi ne, %sign3A_470, %sign3A_477 : i32
      %rem3A_479 = arith.remsi %add3A_461, %jit3A_462 : i32
      %ne3A_480 = arith.constant 0 : i32
      %ne3A_481 = arith.cmpi ne, %rem3A_479, %ne3A_480 : i32
      %and3A_482 = arith.andi %ne3A_478, %ne3A_481 : i1
      %sub3A_483 = arith.constant 1 : i32
      %sub3A_484 = arith.subi %div3A_463, %sub3A_483 : i32
      %select_n3A_485 = arith.select %and3A_482, %sub3A_484, %div3A_463 : i32
      %mul3A_486 = arith.constant 128 : i32
      %mul3A_487 = arith.muli %select_n3A_485, %mul3A_486 : i32
      %add3A_488 = arith.constant 0 : i32
      %add3A_489 = arith.addi %mul3A_487, %add3A_488 : i32
      %dma_wait3A_490 = arith.constant 1 : i32
      %dma_wait3A_491 = arith.constant 0 : i32
      %dma_wait3A_492 = arith.constant 0 : i32
      %dma_wait3A_493 = arith.constant 0 : i32
      %dma_wait3A_494 = tpu.memref_slice %arg10[%dma_wait3A_490, %dma_wait3A_491, %dma_wait3A_492, %dma_wait3A_493] : memref<6x4x32x128xf32, #tpu.memory_space<vmem>> -> memref<1x1x32x128xf32, #tpu.memory_space<vmem>>
      %dma_wait3A_495 = tpu.memref_squeeze %dma_wait3A_494 : memref<1x1x32x128xf32, #tpu.memory_space<vmem>> -> memref<32x128xf32, #tpu.memory_space<vmem>>
      %dma_wait3A_496 = tpu.memref_slice %arg8[%add3A_489] : memref<4096xi32, #tpu.memory_space<vmem>> -> memref<32xi32, #tpu.memory_space<vmem>>
      %dma_wait3A_497 = arith.constant 0 : i32
      %dma_wait3A_498 = arith.constant 0 : i32
      %dma_wait3A_499 = tpu.memref_slice %arg12[%dma_wait3A_497, %dma_wait3A_498] : memref<128x128xf32, #tpu.memory_space<vmem_shared>> -> memref<128x128xf32, #tpu.memory_space<vmem_shared>>
      tpu.wait_indirect_dma semaphore(%arg14 : memref<!tpu.dma_semaphore, #tpu.memory_space<semaphore_mem>>) src(%dma_wait3A_499 : memref<128x128xf32, #tpu.memory_space<vmem_shared>>) dst(%dma_wait3A_495 : memref<32x128xf32, #tpu.memory_space<vmem>>)
      %mul3A_500 = arith.constant 128 : i32
      %mul3A_501 = arith.muli %select_n3A_485, %mul3A_500 : i32
      %add3A_502 = arith.constant 32 : i32
      %add3A_503 = arith.addi %mul3A_501, %add3A_502 : i32
      %dma_wait3A_504 = arith.constant 1 : i32
      %dma_wait3A_505 = arith.constant 1 : i32
      %dma_wait3A_506 = arith.constant 0 : i32
      %dma_wait3A_507 = arith.constant 0 : i32
      %dma_wait3A_508 = tpu.memref_slice %arg10[%dma_wait3A_504, %dma_wait3A_505, %dma_wait3A_506, %dma_wait3A_507] : memref<6x4x32x128xf32, #tpu.memory_space<vmem>> -> memref<1x1x32x128xf32, #tpu.memory_space<vmem>>
      %dma_wait3A_509 = tpu.memref_squeeze %dma_wait3A_508 : memref<1x1x32x128xf32, #tpu.memory_space<vmem>> -> memref<32x128xf32, #tpu.memory_space<vmem>>
      %dma_wait3A_510 = tpu.memref_slice %arg8[%add3A_503] : memref<4096xi32, #tpu.memory_space<vmem>> -> memref<32xi32, #tpu.memory_space<vmem>>
      %dma_wait3A_511 = arith.constant 0 : i32
      %dma_wait3A_512 = arith.constant 0 : i32
      %dma_wait3A_513 = tpu.memref_slice %arg12[%dma_wait3A_511, %dma_wait3A_512] : memref<128x128xf32, #tpu.memory_space<vmem_shared>> -> memref<128x128xf32, #tpu.memory_space<vmem_shared>>
      tpu.wait_indirect_dma semaphore(%arg14 : memref<!tpu.dma_semaphore, #tpu.memory_space<semaphore_mem>>) src(%dma_wait3A_513 : memref<128x128xf32, #tpu.memory_space<vmem_shared>>) dst(%dma_wait3A_509 : memref<32x128xf32, #tpu.memory_space<vmem>>)
      %mul3A_514 = arith.constant 128 : i32
      %mul3A_515 = arith.muli %select_n3A_485, %mul3A_514 : i32
      %add3A_516 = arith.constant 64 : i32
      %add3A_517 = arith.addi %mul3A_515, %add3A_516 : i32
      %dma_wait3A_518 = arith.constant 1 : i32
      %dma_wait3A_519 = arith.constant 2 : i32
      %dma_wait3A_520 = arith.constant 0 : i32
      %dma_wait3A_521 = arith.constant 0 : i32
      %dma_wait3A_522 = tpu.memref_slice %arg10[%dma_wait3A_518, %dma_wait3A_519, %dma_wait3A_520, %dma_wait3A_521] : memref<6x4x32x128xf32, #tpu.memory_space<vmem>> -> memref<1x1x32x128xf32, #tpu.memory_space<vmem>>
      %dma_wait3A_523 = tpu.memref_squeeze %dma_wait3A_522 : memref<1x1x32x128xf32, #tpu.memory_space<vmem>> -> memref<32x128xf32, #tpu.memory_space<vmem>>
      %dma_wait3A_524 = tpu.memref_slice %arg8[%add3A_517] : memref<4096xi32, #tpu.memory_space<vmem>> -> memref<32xi32, #tpu.memory_space<vmem>>
      %dma_wait3A_525 = arith.constant 0 : i32
      %dma_wait3A_526 = arith.constant 0 : i32
      %dma_wait3A_527 = tpu.memref_slice %arg12[%dma_wait3A_525, %dma_wait3A_526] : memref<128x128xf32, #tpu.memory_space<vmem_shared>> -> memref<128x128xf32, #tpu.memory_space<vmem_shared>>
      tpu.wait_indirect_dma semaphore(%arg14 : memref<!tpu.dma_semaphore, #tpu.memory_space<semaphore_mem>>) src(%dma_wait3A_527 : memref<128x128xf32, #tpu.memory_space<vmem_shared>>) dst(%dma_wait3A_523 : memref<32x128xf32, #tpu.memory_space<vmem>>)
      %mul3A_528 = arith.constant 128 : i32
      %mul3A_529 = arith.muli %select_n3A_485, %mul3A_528 : i32
      %add3A_530 = arith.constant 96 : i32
      %add3A_531 = arith.addi %mul3A_529, %add3A_530 : i32
      %dma_wait3A_532 = arith.constant 1 : i32
      %dma_wait3A_533 = arith.constant 3 : i32
      %dma_wait3A_534 = arith.constant 0 : i32
      %dma_wait3A_535 = arith.constant 0 : i32
      %dma_wait3A_536 = tpu.memref_slice %arg10[%dma_wait3A_532, %dma_wait3A_533, %dma_wait3A_534, %dma_wait3A_535] : memref<6x4x32x128xf32, #tpu.memory_space<vmem>> -> memref<1x1x32x128xf32, #tpu.memory_space<vmem>>
      %dma_wait3A_537 = tpu.memref_squeeze %dma_wait3A_536 : memref<1x1x32x128xf32, #tpu.memory_space<vmem>> -> memref<32x128xf32, #tpu.memory_space<vmem>>
      %dma_wait3A_538 = tpu.memref_slice %arg8[%add3A_531] : memref<4096xi32, #tpu.memory_space<vmem>> -> memref<32xi32, #tpu.memory_space<vmem>>
      %dma_wait3A_539 = arith.constant 0 : i32
      %dma_wait3A_540 = arith.constant 0 : i32
      %dma_wait3A_541 = tpu.memref_slice %arg12[%dma_wait3A_539, %dma_wait3A_540] : memref<128x128xf32, #tpu.memory_space<vmem_shared>> -> memref<128x128xf32, #tpu.memory_space<vmem_shared>>
      tpu.wait_indirect_dma semaphore(%arg14 : memref<!tpu.dma_semaphore, #tpu.memory_space<semaphore_mem>>) src(%dma_wait3A_541 : memref<128x128xf32, #tpu.memory_space<vmem_shared>>) dst(%dma_wait3A_537 : memref<32x128xf32, #tpu.memory_space<vmem>>)
      %jit3A_542 = arith.constant 3 : i32
      %div3A_543 = arith.divsi %add3A_461, %jit3A_542 : i32
      %sign3A_544 = arith.constant 0 : i32
      %sign3A_545 = arith.cmpi sgt, %add3A_461, %sign3A_544 : i32
      %sign3A_546 = arith.extui %sign3A_545 : i1 to i32
      %sign3A_547 = arith.constant 0 : i32
      %sign3A_548 = arith.cmpi slt, %add3A_461, %sign3A_547 : i32
      %sign3A_549 = arith.extui %sign3A_548 : i1 to i32
      %sign3A_550 = arith.subi %sign3A_546, %sign3A_549 : i32
      %sign3A_551 = arith.constant 0 : i32
      %sign3A_552 = arith.cmpi sgt, %jit3A_542, %sign3A_551 : i32
      %sign3A_553 = arith.extui %sign3A_552 : i1 to i32
      %sign3A_554 = arith.constant 0 : i32
      %sign3A_555 = arith.cmpi slt, %jit3A_542, %sign3A_554 : i32
      %sign3A_556 = arith.extui %sign3A_555 : i1 to i32
      %sign3A_557 = arith.subi %sign3A_553, %sign3A_556 : i32
      %ne3A_558 = arith.cmpi ne, %sign3A_550, %sign3A_557 : i32
      %rem3A_559 = arith.remsi %add3A_461, %jit3A_542 : i32
      %ne3A_560 = arith.constant 0 : i32
      %ne3A_561 = arith.cmpi ne, %rem3A_559, %ne3A_560 : i32
      %and3A_562 = arith.andi %ne3A_558, %ne3A_561 : i1
      %sub3A_563 = arith.constant 1 : i32
      %sub3A_564 = arith.subi %div3A_543, %sub3A_563 : i32
      %select_n3A_565 = arith.select %and3A_562, %sub3A_564, %div3A_543 : i32
      %mul3A_566 = arith.constant 4 : i32
      %mul3A_567 = arith.muli %select_n3A_565, %mul3A_566 : i32
      %add3A_568 = arith.addi %mul3A_61, %mul3A_567 : i32
      %dma_start3A_569 = arith.constant 1 : i32
      %dma_start3A_570 = arith.constant 0 : i32
      %dma_start3A_571 = arith.constant 0 : i32
      %dma_start3A_572 = arith.constant 0 : i32
      %dma_start3A_573 = tpu.memref_slice %arg10[%dma_start3A_569, %dma_start3A_570, %dma_start3A_571, %dma_start3A_572] : memref<6x4x32x128xf32, #tpu.memory_space<vmem>> -> memref<1x4x32x128xf32, #tpu.memory_space<vmem>>
      %dma_start3A_574 = tpu.memref_squeeze %dma_start3A_573 : memref<1x4x32x128xf32, #tpu.memory_space<vmem>> -> memref<4x32x128xf32, #tpu.memory_space<vmem>>
      %dma_start3A_575 = arith.constant 0 : i32
      %dma_start3A_576 = arith.constant 128 : i32
      %dma_start3A_577 = tpu.memref_slice %arg6[%add3A_568, %dma_start3A_575, %dma_start3A_576] : memref<4096x32x384xf32, #tpu.memory_space<hbm>> -> memref<4x32x128xf32, #tpu.memory_space<hbm>>
      %dma_start3A_578 = arith.constant 0 : i32
      %dma_start3A_579 = arith.constant 128 : i32
      %dma_start3A_580 = tpu.memref_slice %arg6[%add3A_568, %dma_start3A_578, %dma_start3A_579] : memref<4096x32x384xf32, #tpu.memory_space<hbm>> -> memref<4x32x128xf32, #tpu.memory_space<hbm>>
      %dma_start3A_581 = arith.constant 0 : i32
      %dma_start3A_582 = arith.constant 0 : i32
      %dma_start3A_583 = arith.constant 0 : i32
      %dma_start3A_584 = tpu.memref_slice %arg10[%dma_start3A_569, %dma_start3A_581, %dma_start3A_582, %dma_start3A_583] : memref<6x4x32x128xf32, #tpu.memory_space<vmem>> -> memref<1x4x32x128xf32, #tpu.memory_space<vmem>>
      %dma_start3A_585 = tpu.memref_squeeze %dma_start3A_584 : memref<1x4x32x128xf32, #tpu.memory_space<vmem>> -> memref<4x32x128xf32, #tpu.memory_space<vmem>>
      tpu.enqueue_dma source(%dma_start3A_585 : memref<4x32x128xf32, #tpu.memory_space<vmem>>) target(%dma_start3A_580 : memref<4x32x128xf32, #tpu.memory_space<hbm>>) target_semaphore(%arg20 : memref<!tpu.dma_semaphore, #tpu.memory_space<semaphore_mem>>)
      %add3A_586 = arith.constant 3 : i32
      %add3A_587 = arith.addi %add3A_461, %add3A_586 : i32
      %lt3A_588 = arith.constant 96 : i32
      %lt3A_589 = arith.cmpi slt, %add3A_587, %lt3A_588 : i32
      %convert_element_type3A_590 = arith.extui %lt3A_589 : i1 to i32
      %cond3A_591 = arith.constant 0 : i32
      %cond3A_592 = arith.cmpi ne, %convert_element_type3A_590, %cond3A_591 : i32
      scf.if %cond3A_592 {
        %ge3A = arith.constant 6 : i32
        %ge3A_1133 = arith.cmpi sge, %add3A_587, %ge3A : i32
        %convert_element_type3A_1134 = arith.extui %ge3A_1133 : i1 to i32
        %cond3A_1135 = arith.constant 0 : i32
        %cond3A_1136 = arith.cmpi ne, %convert_element_type3A_1134, %cond3A_1135 : i32
        scf.if %cond3A_1136 {
          %sub3A_1217 = arith.constant 6 : i32
          %sub3A_1218 = arith.subi %add3A_587, %sub3A_1217 : i32
          %jit3A_1219 = arith.constant 3 : i32
          %div3A_1220 = arith.divsi %sub3A_1218, %jit3A_1219 : i32
          %sign3A_1221 = arith.constant 0 : i32
          %sign3A_1222 = arith.cmpi sgt, %sub3A_1218, %sign3A_1221 : i32
          %sign3A_1223 = arith.extui %sign3A_1222 : i1 to i32
          %sign3A_1224 = arith.constant 0 : i32
          %sign3A_1225 = arith.cmpi slt, %sub3A_1218, %sign3A_1224 : i32
          %sign3A_1226 = arith.extui %sign3A_1225 : i1 to i32
          %sign3A_1227 = arith.subi %sign3A_1223, %sign3A_1226 : i32
          %sign3A_1228 = arith.constant 0 : i32
          %sign3A_1229 = arith.cmpi sgt, %jit3A_1219, %sign3A_1228 : i32
          %sign3A_1230 = arith.extui %sign3A_1229 : i1 to i32
          %sign3A_1231 = arith.constant 0 : i32
          %sign3A_1232 = arith.cmpi slt, %jit3A_1219, %sign3A_1231 : i32
          %sign3A_1233 = arith.extui %sign3A_1232 : i1 to i32
          %sign3A_1234 = arith.subi %sign3A_1230, %sign3A_1233 : i32
          %ne3A_1235 = arith.cmpi ne, %sign3A_1227, %sign3A_1234 : i32
          %rem3A_1236 = arith.remsi %sub3A_1218, %jit3A_1219 : i32
          %ne3A_1237 = arith.constant 0 : i32
          %ne3A_1238 = arith.cmpi ne, %rem3A_1236, %ne3A_1237 : i32
          %and3A_1239 = arith.andi %ne3A_1235, %ne3A_1238 : i1
          %sub3A_1240 = arith.constant 1 : i32
          %sub3A_1241 = arith.subi %div3A_1220, %sub3A_1240 : i32
          %select_n3A_1242 = arith.select %and3A_1239, %sub3A_1241, %div3A_1220 : i32
          %mul3A_1243 = arith.constant 4 : i32
          %mul3A_1244 = arith.muli %select_n3A_1242, %mul3A_1243 : i32
          %add3A_1245 = arith.addi %mul3A_61, %mul3A_1244 : i32
          %dma_wait3A_1246 = arith.constant 4 : i32
          %dma_wait3A_1247 = arith.constant 0 : i32
          %dma_wait3A_1248 = arith.constant 0 : i32
          %dma_wait3A_1249 = arith.constant 0 : i32
          %dma_wait3A_1250 = tpu.memref_slice %arg10[%dma_wait3A_1246, %dma_wait3A_1247, %dma_wait3A_1248, %dma_wait3A_1249] : memref<6x4x32x128xf32, #tpu.memory_space<vmem>> -> memref<1x4x32x128xf32, #tpu.memory_space<vmem>>
          %dma_wait3A_1251 = tpu.memref_squeeze %dma_wait3A_1250 : memref<1x4x32x128xf32, #tpu.memory_space<vmem>> -> memref<4x32x128xf32, #tpu.memory_space<vmem>>
          %dma_wait3A_1252 = arith.constant 0 : i32
          %dma_wait3A_1253 = arith.constant 128 : i32
          %dma_wait3A_1254 = tpu.memref_slice %arg6[%add3A_1245, %dma_wait3A_1252, %dma_wait3A_1253] : memref<4096x32x384xf32, #tpu.memory_space<hbm>> -> memref<4x32x128xf32, #tpu.memory_space<hbm>>
          %dma_wait3A_1255 = arith.constant 0 : i32
          %dma_wait3A_1256 = arith.constant 128 : i32
          %dma_wait3A_1257 = tpu.memref_slice %arg6[%add3A_1245, %dma_wait3A_1255, %dma_wait3A_1256] : memref<4096x32x384xf32, #tpu.memory_space<hbm>> -> memref<4x32x128xf32, #tpu.memory_space<hbm>>
          %dma_wait3A_1258 = arith.constant 0 : i32
          %dma_wait3A_1259 = arith.constant 0 : i32
          %dma_wait3A_1260 = arith.constant 0 : i32
          %dma_wait3A_1261 = tpu.memref_slice %arg10[%dma_wait3A_1246, %dma_wait3A_1258, %dma_wait3A_1259, %dma_wait3A_1260] : memref<6x4x32x128xf32, #tpu.memory_space<vmem>> -> memref<1x4x32x128xf32, #tpu.memory_space<vmem>>
          %dma_wait3A_1262 = tpu.memref_squeeze %dma_wait3A_1261 : memref<1x4x32x128xf32, #tpu.memory_space<vmem>> -> memref<4x32x128xf32, #tpu.memory_space<vmem>>
          tpu.wait_dma2 semaphore(%arg23 : memref<!tpu.dma_semaphore, #tpu.memory_space<semaphore_mem>>) src(%dma_wait3A_1262 : memref<4x32x128xf32, #tpu.memory_space<vmem>>) dst(%dma_wait3A_1257 : memref<4x32x128xf32, #tpu.memory_space<hbm>>)
        } else {
        }
        %jit3A_1137 = arith.constant 3 : i32
        %div3A_1138 = arith.divsi %add3A_587, %jit3A_1137 : i32
        %sign3A_1139 = arith.constant 0 : i32
        %sign3A_1140 = arith.cmpi sgt, %add3A_587, %sign3A_1139 : i32
        %sign3A_1141 = arith.extui %sign3A_1140 : i1 to i32
        %sign3A_1142 = arith.constant 0 : i32
        %sign3A_1143 = arith.cmpi slt, %add3A_587, %sign3A_1142 : i32
        %sign3A_1144 = arith.extui %sign3A_1143 : i1 to i32
        %sign3A_1145 = arith.subi %sign3A_1141, %sign3A_1144 : i32
        %sign3A_1146 = arith.constant 0 : i32
        %sign3A_1147 = arith.cmpi sgt, %jit3A_1137, %sign3A_1146 : i32
        %sign3A_1148 = arith.extui %sign3A_1147 : i1 to i32
        %sign3A_1149 = arith.constant 0 : i32
        %sign3A_1150 = arith.cmpi slt, %jit3A_1137, %sign3A_1149 : i32
        %sign3A_1151 = arith.extui %sign3A_1150 : i1 to i32
        %sign3A_1152 = arith.subi %sign3A_1148, %sign3A_1151 : i32
        %ne3A_1153 = arith.cmpi ne, %sign3A_1145, %sign3A_1152 : i32
        %rem3A_1154 = arith.remsi %add3A_587, %jit3A_1137 : i32
        %ne3A_1155 = arith.constant 0 : i32
        %ne3A_1156 = arith.cmpi ne, %rem3A_1154, %ne3A_1155 : i32
        %and3A_1157 = arith.andi %ne3A_1153, %ne3A_1156 : i1
        %sub3A_1158 = arith.constant 1 : i32
        %sub3A_1159 = arith.subi %div3A_1138, %sub3A_1158 : i32
        %select_n3A_1160 = arith.select %and3A_1157, %sub3A_1159, %div3A_1138 : i32
        %mul3A_1161 = arith.constant 128 : i32
        %mul3A_1162 = arith.muli %select_n3A_1160, %mul3A_1161 : i32
        %add3A_1163 = arith.constant 0 : i32
        %add3A_1164 = arith.addi %mul3A_1162, %add3A_1163 : i32
        %dma_start3A_1165 = arith.constant 4 : i32
        %dma_start3A_1166 = arith.constant 0 : i32
        %dma_start3A_1167 = arith.constant 0 : i32
        %dma_start3A_1168 = arith.constant 0 : i32
        %dma_start3A_1169 = tpu.memref_slice %arg10[%dma_start3A_1165, %dma_start3A_1166, %dma_start3A_1167, %dma_start3A_1168] : memref<6x4x32x128xf32, #tpu.memory_space<vmem>> -> memref<1x1x32x128xf32, #tpu.memory_space<vmem>>
        %dma_start3A_1170 = tpu.memref_squeeze %dma_start3A_1169 : memref<1x1x32x128xf32, #tpu.memory_space<vmem>> -> memref<32x128xf32, #tpu.memory_space<vmem>>
        %dma_start3A_1171 = tpu.memref_slice %arg8[%add3A_1164] : memref<4096xi32, #tpu.memory_space<vmem>> -> memref<32xi32, #tpu.memory_space<vmem>>
        %dma_start3A_1172 = arith.constant 0 : i32
        %dma_start3A_1173 = arith.constant 0 : i32
        %dma_start3A_1174 = tpu.memref_slice %arg12[%dma_start3A_1172, %dma_start3A_1173] : memref<128x128xf32, #tpu.memory_space<vmem_shared>> -> memref<128x128xf32, #tpu.memory_space<vmem_shared>>
        tpu.enqueue_indirect_dma source(%dma_start3A_1174 : memref<128x128xf32, #tpu.memory_space<vmem_shared>>) target(%dma_start3A_1170 : memref<32x128xf32, #tpu.memory_space<vmem>>) offsets(%dma_start3A_1171 : memref<32xi32, #tpu.memory_space<vmem>>) semaphore(%arg17 : memref<!tpu.dma_semaphore, #tpu.memory_space<semaphore_mem>>)
        %mul3A_1175 = arith.constant 128 : i32
        %mul3A_1176 = arith.muli %select_n3A_1160, %mul3A_1175 : i32
        %add3A_1177 = arith.constant 32 : i32
        %add3A_1178 = arith.addi %mul3A_1176, %add3A_1177 : i32
        %dma_start3A_1179 = arith.constant 4 : i32
        %dma_start3A_1180 = arith.constant 1 : i32
        %dma_start3A_1181 = arith.constant 0 : i32
        %dma_start3A_1182 = arith.constant 0 : i32
        %dma_start3A_1183 = tpu.memref_slice %arg10[%dma_start3A_1179, %dma_start3A_1180, %dma_start3A_1181, %dma_start3A_1182] : memref<6x4x32x128xf32, #tpu.memory_space<vmem>> -> memref<1x1x32x128xf32, #tpu.memory_space<vmem>>
        %dma_start3A_1184 = tpu.memref_squeeze %dma_start3A_1183 : memref<1x1x32x128xf32, #tpu.memory_space<vmem>> -> memref<32x128xf32, #tpu.memory_space<vmem>>
        %dma_start3A_1185 = tpu.memref_slice %arg8[%add3A_1178] : memref<4096xi32, #tpu.memory_space<vmem>> -> memref<32xi32, #tpu.memory_space<vmem>>
        %dma_start3A_1186 = arith.constant 0 : i32
        %dma_start3A_1187 = arith.constant 0 : i32
        %dma_start3A_1188 = tpu.memref_slice %arg12[%dma_start3A_1186, %dma_start3A_1187] : memref<128x128xf32, #tpu.memory_space<vmem_shared>> -> memref<128x128xf32, #tpu.memory_space<vmem_shared>>
        tpu.enqueue_indirect_dma source(%dma_start3A_1188 : memref<128x128xf32, #tpu.memory_space<vmem_shared>>) target(%dma_start3A_1184 : memref<32x128xf32, #tpu.memory_space<vmem>>) offsets(%dma_start3A_1185 : memref<32xi32, #tpu.memory_space<vmem>>) semaphore(%arg17 : memref<!tpu.dma_semaphore, #tpu.memory_space<semaphore_mem>>)
        %mul3A_1189 = arith.constant 128 : i32
        %mul3A_1190 = arith.muli %select_n3A_1160, %mul3A_1189 : i32
        %add3A_1191 = arith.constant 64 : i32
        %add3A_1192 = arith.addi %mul3A_1190, %add3A_1191 : i32
        %dma_start3A_1193 = arith.constant 4 : i32
        %dma_start3A_1194 = arith.constant 2 : i32
        %dma_start3A_1195 = arith.constant 0 : i32
        %dma_start3A_1196 = arith.constant 0 : i32
        %dma_start3A_1197 = tpu.memref_slice %arg10[%dma_start3A_1193, %dma_start3A_1194, %dma_start3A_1195, %dma_start3A_1196] : memref<6x4x32x128xf32, #tpu.memory_space<vmem>> -> memref<1x1x32x128xf32, #tpu.memory_space<vmem>>
        %dma_start3A_1198 = tpu.memref_squeeze %dma_start3A_1197 : memref<1x1x32x128xf32, #tpu.memory_space<vmem>> -> memref<32x128xf32, #tpu.memory_space<vmem>>
        %dma_start3A_1199 = tpu.memref_slice %arg8[%add3A_1192] : memref<4096xi32, #tpu.memory_space<vmem>> -> memref<32xi32, #tpu.memory_space<vmem>>
        %dma_start3A_1200 = arith.constant 0 : i32
        %dma_start3A_1201 = arith.constant 0 : i32
        %dma_start3A_1202 = tpu.memref_slice %arg12[%dma_start3A_1200, %dma_start3A_1201] : memref<128x128xf32, #tpu.memory_space<vmem_shared>> -> memref<128x128xf32, #tpu.memory_space<vmem_shared>>
        tpu.enqueue_indirect_dma source(%dma_start3A_1202 : memref<128x128xf32, #tpu.memory_space<vmem_shared>>) target(%dma_start3A_1198 : memref<32x128xf32, #tpu.memory_space<vmem>>) offsets(%dma_start3A_1199 : memref<32xi32, #tpu.memory_space<vmem>>) semaphore(%arg17 : memref<!tpu.dma_semaphore, #tpu.memory_space<semaphore_mem>>)
        %mul3A_1203 = arith.constant 128 : i32
        %mul3A_1204 = arith.muli %select_n3A_1160, %mul3A_1203 : i32
        %add3A_1205 = arith.constant 96 : i32
        %add3A_1206 = arith.addi %mul3A_1204, %add3A_1205 : i32
        %dma_start3A_1207 = arith.constant 4 : i32
        %dma_start3A_1208 = arith.constant 3 : i32
        %dma_start3A_1209 = arith.constant 0 : i32
        %dma_start3A_1210 = arith.constant 0 : i32
        %dma_start3A_1211 = tpu.memref_slice %arg10[%dma_start3A_1207, %dma_start3A_1208, %dma_start3A_1209, %dma_start3A_1210] : memref<6x4x32x128xf32, #tpu.memory_space<vmem>> -> memref<1x1x32x128xf32, #tpu.memory_space<vmem>>
        %dma_start3A_1212 = tpu.memref_squeeze %dma_start3A_1211 : memref<1x1x32x128xf32, #tpu.memory_space<vmem>> -> memref<32x128xf32, #tpu.memory_space<vmem>>
        %dma_start3A_1213 = tpu.memref_slice %arg8[%add3A_1206] : memref<4096xi32, #tpu.memory_space<vmem>> -> memref<32xi32, #tpu.memory_space<vmem>>
        %dma_start3A_1214 = arith.constant 0 : i32
        %dma_start3A_1215 = arith.constant 0 : i32
        %dma_start3A_1216 = tpu.memref_slice %arg12[%dma_start3A_1214, %dma_start3A_1215] : memref<128x128xf32, #tpu.memory_space<vmem_shared>> -> memref<128x128xf32, #tpu.memory_space<vmem_shared>>
        tpu.enqueue_indirect_dma source(%dma_start3A_1216 : memref<128x128xf32, #tpu.memory_space<vmem_shared>>) target(%dma_start3A_1212 : memref<32x128xf32, #tpu.memory_space<vmem>>) offsets(%dma_start3A_1213 : memref<32xi32, #tpu.memory_space<vmem>>) semaphore(%arg17 : memref<!tpu.dma_semaphore, #tpu.memory_space<semaphore_mem>>)
      } else {
      }
      %mul3A_593 = arith.constant 6 : i32
      %mul3A_594 = arith.muli %scan3A_322, %mul3A_593 : i32
      %add3A_595 = arith.constant 2 : i32
      %add3A_596 = arith.addi %mul3A_594, %add3A_595 : i32
      %jit3A_597 = arith.constant 3 : i32
      %div3A_598 = arith.divsi %add3A_596, %jit3A_597 : i32
      %sign3A_599 = arith.constant 0 : i32
      %sign3A_600 = arith.cmpi sgt, %add3A_596, %sign3A_599 : i32
      %sign3A_601 = arith.extui %sign3A_600 : i1 to i32
      %sign3A_602 = arith.constant 0 : i32
      %sign3A_603 = arith.cmpi slt, %add3A_596, %sign3A_602 : i32
      %sign3A_604 = arith.extui %sign3A_603 : i1 to i32
      %sign3A_605 = arith.subi %sign3A_601, %sign3A_604 : i32
      %sign3A_606 = arith.constant 0 : i32
      %sign3A_607 = arith.cmpi sgt, %jit3A_597, %sign3A_606 : i32
      %sign3A_608 = arith.extui %sign3A_607 : i1 to i32
      %sign3A_609 = arith.constant 0 : i32
      %sign3A_610 = arith.cmpi slt, %jit3A_597, %sign3A_609 : i32
      %sign3A_611 = arith.extui %sign3A_610 : i1 to i32
      %sign3A_612 = arith.subi %sign3A_608, %sign3A_611 : i32
      %ne3A_613 = arith.cmpi ne, %sign3A_605, %sign3A_612 : i32
      %rem3A_614 = arith.remsi %add3A_596, %jit3A_597 : i32
      %ne3A_615 = arith.constant 0 : i32
      %ne3A_616 = arith.cmpi ne, %rem3A_614, %ne3A_615 : i32
      %and3A_617 = arith.andi %ne3A_613, %ne3A_616 : i1
      %sub3A_618 = arith.constant 1 : i32
      %sub3A_619 = arith.subi %div3A_598, %sub3A_618 : i32
      %select_n3A_620 = arith.select %and3A_617, %sub3A_619, %div3A_598 : i32
      %mul3A_621 = arith.constant 128 : i32
      %mul3A_622 = arith.muli %select_n3A_620, %mul3A_621 : i32
      %add3A_623 = arith.constant 0 : i32
      %add3A_624 = arith.addi %mul3A_622, %add3A_623 : i32
      %dma_wait3A_625 = arith.constant 2 : i32
      %dma_wait3A_626 = arith.constant 0 : i32
      %dma_wait3A_627 = arith.constant 0 : i32
      %dma_wait3A_628 = arith.constant 0 : i32
      %dma_wait3A_629 = tpu.memref_slice %arg10[%dma_wait3A_625, %dma_wait3A_626, %dma_wait3A_627, %dma_wait3A_628] : memref<6x4x32x128xf32, #tpu.memory_space<vmem>> -> memref<1x1x32x128xf32, #tpu.memory_space<vmem>>
      %dma_wait3A_630 = tpu.memref_squeeze %dma_wait3A_629 : memref<1x1x32x128xf32, #tpu.memory_space<vmem>> -> memref<32x128xf32, #tpu.memory_space<vmem>>
      %dma_wait3A_631 = tpu.memref_slice %arg9[%add3A_624] : memref<4096xi32, #tpu.memory_space<vmem>> -> memref<32xi32, #tpu.memory_space<vmem>>
      %dma_wait3A_632 = arith.constant 0 : i32
      %dma_wait3A_633 = arith.constant 0 : i32
      %dma_wait3A_634 = tpu.memref_slice %arg12[%dma_wait3A_632, %dma_wait3A_633] : memref<128x128xf32, #tpu.memory_space<vmem_shared>> -> memref<128x128xf32, #tpu.memory_space<vmem_shared>>
      tpu.wait_indirect_dma semaphore(%arg15 : memref<!tpu.dma_semaphore, #tpu.memory_space<semaphore_mem>>) src(%dma_wait3A_634 : memref<128x128xf32, #tpu.memory_space<vmem_shared>>) dst(%dma_wait3A_630 : memref<32x128xf32, #tpu.memory_space<vmem>>)
      %mul3A_635 = arith.constant 128 : i32
      %mul3A_636 = arith.muli %select_n3A_620, %mul3A_635 : i32
      %add3A_637 = arith.constant 32 : i32
      %add3A_638 = arith.addi %mul3A_636, %add3A_637 : i32
      %dma_wait3A_639 = arith.constant 2 : i32
      %dma_wait3A_640 = arith.constant 1 : i32
      %dma_wait3A_641 = arith.constant 0 : i32
      %dma_wait3A_642 = arith.constant 0 : i32
      %dma_wait3A_643 = tpu.memref_slice %arg10[%dma_wait3A_639, %dma_wait3A_640, %dma_wait3A_641, %dma_wait3A_642] : memref<6x4x32x128xf32, #tpu.memory_space<vmem>> -> memref<1x1x32x128xf32, #tpu.memory_space<vmem>>
      %dma_wait3A_644 = tpu.memref_squeeze %dma_wait3A_643 : memref<1x1x32x128xf32, #tpu.memory_space<vmem>> -> memref<32x128xf32, #tpu.memory_space<vmem>>
      %dma_wait3A_645 = tpu.memref_slice %arg9[%add3A_638] : memref<4096xi32, #tpu.memory_space<vmem>> -> memref<32xi32, #tpu.memory_space<vmem>>
      %dma_wait3A_646 = arith.constant 0 : i32
      %dma_wait3A_647 = arith.constant 0 : i32
      %dma_wait3A_648 = tpu.memref_slice %arg12[%dma_wait3A_646, %dma_wait3A_647] : memref<128x128xf32, #tpu.memory_space<vmem_shared>> -> memref<128x128xf32, #tpu.memory_space<vmem_shared>>
      tpu.wait_indirect_dma semaphore(%arg15 : memref<!tpu.dma_semaphore, #tpu.memory_space<semaphore_mem>>) src(%dma_wait3A_648 : memref<128x128xf32, #tpu.memory_space<vmem_shared>>) dst(%dma_wait3A_644 : memref<32x128xf32, #tpu.memory_space<vmem>>)
      %mul3A_649 = arith.constant 128 : i32
      %mul3A_650 = arith.muli %select_n3A_620, %mul3A_649 : i32
      %add3A_651 = arith.constant 64 : i32
      %add3A_652 = arith.addi %mul3A_650, %add3A_651 : i32
      %dma_wait3A_653 = arith.constant 2 : i32
      %dma_wait3A_654 = arith.constant 2 : i32
      %dma_wait3A_655 = arith.constant 0 : i32
      %dma_wait3A_656 = arith.constant 0 : i32
      %dma_wait3A_657 = tpu.memref_slice %arg10[%dma_wait3A_653, %dma_wait3A_654, %dma_wait3A_655, %dma_wait3A_656] : memref<6x4x32x128xf32, #tpu.memory_space<vmem>> -> memref<1x1x32x128xf32, #tpu.memory_space<vmem>>
      %dma_wait3A_658 = tpu.memref_squeeze %dma_wait3A_657 : memref<1x1x32x128xf32, #tpu.memory_space<vmem>> -> memref<32x128xf32, #tpu.memory_space<vmem>>
      %dma_wait3A_659 = tpu.memref_slice %arg9[%add3A_652] : memref<4096xi32, #tpu.memory_space<vmem>> -> memref<32xi32, #tpu.memory_space<vmem>>
      %dma_wait3A_660 = arith.constant 0 : i32
      %dma_wait3A_661 = arith.constant 0 : i32
      %dma_wait3A_662 = tpu.memref_slice %arg12[%dma_wait3A_660, %dma_wait3A_661] : memref<128x128xf32, #tpu.memory_space<vmem_shared>> -> memref<128x128xf32, #tpu.memory_space<vmem_shared>>
      tpu.wait_indirect_dma semaphore(%arg15 : memref<!tpu.dma_semaphore, #tpu.memory_space<semaphore_mem>>) src(%dma_wait3A_662 : memref<128x128xf32, #tpu.memory_space<vmem_shared>>) dst(%dma_wait3A_658 : memref<32x128xf32, #tpu.memory_space<vmem>>)
      %mul3A_663 = arith.constant 128 : i32
      %mul3A_664 = arith.muli %select_n3A_620, %mul3A_663 : i32
      %add3A_665 = arith.constant 96 : i32
      %add3A_666 = arith.addi %mul3A_664, %add3A_665 : i32
      %dma_wait3A_667 = arith.constant 2 : i32
      %dma_wait3A_668 = arith.constant 3 : i32
      %dma_wait3A_669 = arith.constant 0 : i32
      %dma_wait3A_670 = arith.constant 0 : i32
      %dma_wait3A_671 = tpu.memref_slice %arg10[%dma_wait3A_667, %dma_wait3A_668, %dma_wait3A_669, %dma_wait3A_670] : memref<6x4x32x128xf32, #tpu.memory_space<vmem>> -> memref<1x1x32x128xf32, #tpu.memory_space<vmem>>
      %dma_wait3A_672 = tpu.memref_squeeze %dma_wait3A_671 : memref<1x1x32x128xf32, #tpu.memory_space<vmem>> -> memref<32x128xf32, #tpu.memory_space<vmem>>
      %dma_wait3A_673 = tpu.memref_slice %arg9[%add3A_666] : memref<4096xi32, #tpu.memory_space<vmem>> -> memref<32xi32, #tpu.memory_space<vmem>>
      %dma_wait3A_674 = arith.constant 0 : i32
      %dma_wait3A_675 = arith.constant 0 : i32
      %dma_wait3A_676 = tpu.memref_slice %arg12[%dma_wait3A_674, %dma_wait3A_675] : memref<128x128xf32, #tpu.memory_space<vmem_shared>> -> memref<128x128xf32, #tpu.memory_space<vmem_shared>>
      tpu.wait_indirect_dma semaphore(%arg15 : memref<!tpu.dma_semaphore, #tpu.memory_space<semaphore_mem>>) src(%dma_wait3A_676 : memref<128x128xf32, #tpu.memory_space<vmem_shared>>) dst(%dma_wait3A_672 : memref<32x128xf32, #tpu.memory_space<vmem>>)
      %jit3A_677 = arith.constant 3 : i32
      %div3A_678 = arith.divsi %add3A_596, %jit3A_677 : i32
      %sign3A_679 = arith.constant 0 : i32
      %sign3A_680 = arith.cmpi sgt, %add3A_596, %sign3A_679 : i32
      %sign3A_681 = arith.extui %sign3A_680 : i1 to i32
      %sign3A_682 = arith.constant 0 : i32
      %sign3A_683 = arith.cmpi slt, %add3A_596, %sign3A_682 : i32
      %sign3A_684 = arith.extui %sign3A_683 : i1 to i32
      %sign3A_685 = arith.subi %sign3A_681, %sign3A_684 : i32
      %sign3A_686 = arith.constant 0 : i32
      %sign3A_687 = arith.cmpi sgt, %jit3A_677, %sign3A_686 : i32
      %sign3A_688 = arith.extui %sign3A_687 : i1 to i32
      %sign3A_689 = arith.constant 0 : i32
      %sign3A_690 = arith.cmpi slt, %jit3A_677, %sign3A_689 : i32
      %sign3A_691 = arith.extui %sign3A_690 : i1 to i32
      %sign3A_692 = arith.subi %sign3A_688, %sign3A_691 : i32
      %ne3A_693 = arith.cmpi ne, %sign3A_685, %sign3A_692 : i32
      %rem3A_694 = arith.remsi %add3A_596, %jit3A_677 : i32
      %ne3A_695 = arith.constant 0 : i32
      %ne3A_696 = arith.cmpi ne, %rem3A_694, %ne3A_695 : i32
      %and3A_697 = arith.andi %ne3A_693, %ne3A_696 : i1
      %sub3A_698 = arith.constant 1 : i32
      %sub3A_699 = arith.subi %div3A_678, %sub3A_698 : i32
      %select_n3A_700 = arith.select %and3A_697, %sub3A_699, %div3A_678 : i32
      %mul3A_701 = arith.constant 4 : i32
      %mul3A_702 = arith.muli %select_n3A_700, %mul3A_701 : i32
      %add3A_703 = arith.addi %mul3A_61, %mul3A_702 : i32
      %dma_start3A_704 = arith.constant 2 : i32
      %dma_start3A_705 = arith.constant 0 : i32
      %dma_start3A_706 = arith.constant 0 : i32
      %dma_start3A_707 = arith.constant 0 : i32
      %dma_start3A_708 = tpu.memref_slice %arg10[%dma_start3A_704, %dma_start3A_705, %dma_start3A_706, %dma_start3A_707] : memref<6x4x32x128xf32, #tpu.memory_space<vmem>> -> memref<1x4x32x128xf32, #tpu.memory_space<vmem>>
      %dma_start3A_709 = tpu.memref_squeeze %dma_start3A_708 : memref<1x4x32x128xf32, #tpu.memory_space<vmem>> -> memref<4x32x128xf32, #tpu.memory_space<vmem>>
      %dma_start3A_710 = arith.constant 0 : i32
      %dma_start3A_711 = arith.constant 256 : i32
      %dma_start3A_712 = tpu.memref_slice %arg6[%add3A_703, %dma_start3A_710, %dma_start3A_711] : memref<4096x32x384xf32, #tpu.memory_space<hbm>> -> memref<4x32x128xf32, #tpu.memory_space<hbm>>
      %dma_start3A_713 = arith.constant 0 : i32
      %dma_start3A_714 = arith.constant 256 : i32
      %dma_start3A_715 = tpu.memref_slice %arg6[%add3A_703, %dma_start3A_713, %dma_start3A_714] : memref<4096x32x384xf32, #tpu.memory_space<hbm>> -> memref<4x32x128xf32, #tpu.memory_space<hbm>>
      %dma_start3A_716 = arith.constant 0 : i32
      %dma_start3A_717 = arith.constant 0 : i32
      %dma_start3A_718 = arith.constant 0 : i32
      %dma_start3A_719 = tpu.memref_slice %arg10[%dma_start3A_704, %dma_start3A_716, %dma_start3A_717, %dma_start3A_718] : memref<6x4x32x128xf32, #tpu.memory_space<vmem>> -> memref<1x4x32x128xf32, #tpu.memory_space<vmem>>
      %dma_start3A_720 = tpu.memref_squeeze %dma_start3A_719 : memref<1x4x32x128xf32, #tpu.memory_space<vmem>> -> memref<4x32x128xf32, #tpu.memory_space<vmem>>
      tpu.enqueue_dma source(%dma_start3A_720 : memref<4x32x128xf32, #tpu.memory_space<vmem>>) target(%dma_start3A_715 : memref<4x32x128xf32, #tpu.memory_space<hbm>>) target_semaphore(%arg21 : memref<!tpu.dma_semaphore, #tpu.memory_space<semaphore_mem>>)
      %add3A_721 = arith.constant 3 : i32
      %add3A_722 = arith.addi %add3A_596, %add3A_721 : i32
      %lt3A_723 = arith.constant 96 : i32
      %lt3A_724 = arith.cmpi slt, %add3A_722, %lt3A_723 : i32
      %convert_element_type3A_725 = arith.extui %lt3A_724 : i1 to i32
      %cond3A_726 = arith.constant 0 : i32
      %cond3A_727 = arith.cmpi ne, %convert_element_type3A_725, %cond3A_726 : i32
      scf.if %cond3A_727 {
        %ge3A = arith.constant 6 : i32
        %ge3A_1133 = arith.cmpi sge, %add3A_722, %ge3A : i32
        %convert_element_type3A_1134 = arith.extui %ge3A_1133 : i1 to i32
        %cond3A_1135 = arith.constant 0 : i32
        %cond3A_1136 = arith.cmpi ne, %convert_element_type3A_1134, %cond3A_1135 : i32
        scf.if %cond3A_1136 {
          %sub3A_1217 = arith.constant 6 : i32
          %sub3A_1218 = arith.subi %add3A_722, %sub3A_1217 : i32
          %jit3A_1219 = arith.constant 3 : i32
          %div3A_1220 = arith.divsi %sub3A_1218, %jit3A_1219 : i32
          %sign3A_1221 = arith.constant 0 : i32
          %sign3A_1222 = arith.cmpi sgt, %sub3A_1218, %sign3A_1221 : i32
          %sign3A_1223 = arith.extui %sign3A_1222 : i1 to i32
          %sign3A_1224 = arith.constant 0 : i32
          %sign3A_1225 = arith.cmpi slt, %sub3A_1218, %sign3A_1224 : i32
          %sign3A_1226 = arith.extui %sign3A_1225 : i1 to i32
          %sign3A_1227 = arith.subi %sign3A_1223, %sign3A_1226 : i32
          %sign3A_1228 = arith.constant 0 : i32
          %sign3A_1229 = arith.cmpi sgt, %jit3A_1219, %sign3A_1228 : i32
          %sign3A_1230 = arith.extui %sign3A_1229 : i1 to i32
          %sign3A_1231 = arith.constant 0 : i32
          %sign3A_1232 = arith.cmpi slt, %jit3A_1219, %sign3A_1231 : i32
          %sign3A_1233 = arith.extui %sign3A_1232 : i1 to i32
          %sign3A_1234 = arith.subi %sign3A_1230, %sign3A_1233 : i32
          %ne3A_1235 = arith.cmpi ne, %sign3A_1227, %sign3A_1234 : i32
          %rem3A_1236 = arith.remsi %sub3A_1218, %jit3A_1219 : i32
          %ne3A_1237 = arith.constant 0 : i32
          %ne3A_1238 = arith.cmpi ne, %rem3A_1236, %ne3A_1237 : i32
          %and3A_1239 = arith.andi %ne3A_1235, %ne3A_1238 : i1
          %sub3A_1240 = arith.constant 1 : i32
          %sub3A_1241 = arith.subi %div3A_1220, %sub3A_1240 : i32
          %select_n3A_1242 = arith.select %and3A_1239, %sub3A_1241, %div3A_1220 : i32
          %mul3A_1243 = arith.constant 4 : i32
          %mul3A_1244 = arith.muli %select_n3A_1242, %mul3A_1243 : i32
          %add3A_1245 = arith.addi %mul3A_61, %mul3A_1244 : i32
          %dma_wait3A_1246 = arith.constant 5 : i32
          %dma_wait3A_1247 = arith.constant 0 : i32
          %dma_wait3A_1248 = arith.constant 0 : i32
          %dma_wait3A_1249 = arith.constant 0 : i32
          %dma_wait3A_1250 = tpu.memref_slice %arg10[%dma_wait3A_1246, %dma_wait3A_1247, %dma_wait3A_1248, %dma_wait3A_1249] : memref<6x4x32x128xf32, #tpu.memory_space<vmem>> -> memref<1x4x32x128xf32, #tpu.memory_space<vmem>>
          %dma_wait3A_1251 = tpu.memref_squeeze %dma_wait3A_1250 : memref<1x4x32x128xf32, #tpu.memory_space<vmem>> -> memref<4x32x128xf32, #tpu.memory_space<vmem>>
          %dma_wait3A_1252 = arith.constant 0 : i32
          %dma_wait3A_1253 = arith.constant 256 : i32
          %dma_wait3A_1254 = tpu.memref_slice %arg6[%add3A_1245, %dma_wait3A_1252, %dma_wait3A_1253] : memref<4096x32x384xf32, #tpu.memory_space<hbm>> -> memref<4x32x128xf32, #tpu.memory_space<hbm>>
          %dma_wait3A_1255 = arith.constant 0 : i32
          %dma_wait3A_1256 = arith.constant 256 : i32
          %dma_wait3A_1257 = tpu.memref_slice %arg6[%add3A_1245, %dma_wait3A_1255, %dma_wait3A_1256] : memref<4096x32x384xf32, #tpu.memory_space<hbm>> -> memref<4x32x128xf32, #tpu.memory_space<hbm>>
          %dma_wait3A_1258 = arith.constant 0 : i32
          %dma_wait3A_1259 = arith.constant 0 : i32
          %dma_wait3A_1260 = arith.constant 0 : i32
          %dma_wait3A_1261 = tpu.memref_slice %arg10[%dma_wait3A_1246, %dma_wait3A_1258, %dma_wait3A_1259, %dma_wait3A_1260] : memref<6x4x32x128xf32, #tpu.memory_space<vmem>> -> memref<1x4x32x128xf32, #tpu.memory_space<vmem>>
          %dma_wait3A_1262 = tpu.memref_squeeze %dma_wait3A_1261 : memref<1x4x32x128xf32, #tpu.memory_space<vmem>> -> memref<4x32x128xf32, #tpu.memory_space<vmem>>
          tpu.wait_dma2 semaphore(%arg24 : memref<!tpu.dma_semaphore, #tpu.memory_space<semaphore_mem>>) src(%dma_wait3A_1262 : memref<4x32x128xf32, #tpu.memory_space<vmem>>) dst(%dma_wait3A_1257 : memref<4x32x128xf32, #tpu.memory_space<hbm>>)
        } else {
        }
        %jit3A_1137 = arith.constant 3 : i32
        %div3A_1138 = arith.divsi %add3A_722, %jit3A_1137 : i32
        %sign3A_1139 = arith.constant 0 : i32
        %sign3A_1140 = arith.cmpi sgt, %add3A_722, %sign3A_1139 : i32
        %sign3A_1141 = arith.extui %sign3A_1140 : i1 to i32
        %sign3A_1142 = arith.constant 0 : i32
        %sign3A_1143 = arith.cmpi slt, %add3A_722, %sign3A_1142 : i32
        %sign3A_1144 = arith.extui %sign3A_1143 : i1 to i32
        %sign3A_1145 = arith.subi %sign3A_1141, %sign3A_1144 : i32
        %sign3A_1146 = arith.constant 0 : i32
        %sign3A_1147 = arith.cmpi sgt, %jit3A_1137, %sign3A_1146 : i32
        %sign3A_1148 = arith.extui %sign3A_1147 : i1 to i32
        %sign3A_1149 = arith.constant 0 : i32
        %sign3A_1150 = arith.cmpi slt, %jit3A_1137, %sign3A_1149 : i32
        %sign3A_1151 = arith.extui %sign3A_1150 : i1 to i32
        %sign3A_1152 = arith.subi %sign3A_1148, %sign3A_1151 : i32
        %ne3A_1153 = arith.cmpi ne, %sign3A_1145, %sign3A_1152 : i32
        %rem3A_1154 = arith.remsi %add3A_722, %jit3A_1137 : i32
        %ne3A_1155 = arith.constant 0 : i32
        %ne3A_1156 = arith.cmpi ne, %rem3A_1154, %ne3A_1155 : i32
        %and3A_1157 = arith.andi %ne3A_1153, %ne3A_1156 : i1
        %sub3A_1158 = arith.constant 1 : i32
        %sub3A_1159 = arith.subi %div3A_1138, %sub3A_1158 : i32
        %select_n3A_1160 = arith.select %and3A_1157, %sub3A_1159, %div3A_1138 : i32
        %mul3A_1161 = arith.constant 128 : i32
        %mul3A_1162 = arith.muli %select_n3A_1160, %mul3A_1161 : i32
        %add3A_1163 = arith.constant 0 : i32
        %add3A_1164 = arith.addi %mul3A_1162, %add3A_1163 : i32
        %dma_start3A_1165 = arith.constant 5 : i32
        %dma_start3A_1166 = arith.constant 0 : i32
        %dma_start3A_1167 = arith.constant 0 : i32
        %dma_start3A_1168 = arith.constant 0 : i32
        %dma_start3A_1169 = tpu.memref_slice %arg10[%dma_start3A_1165, %dma_start3A_1166, %dma_start3A_1167, %dma_start3A_1168] : memref<6x4x32x128xf32, #tpu.memory_space<vmem>> -> memref<1x1x32x128xf32, #tpu.memory_space<vmem>>
        %dma_start3A_1170 = tpu.memref_squeeze %dma_start3A_1169 : memref<1x1x32x128xf32, #tpu.memory_space<vmem>> -> memref<32x128xf32, #tpu.memory_space<vmem>>
        %dma_start3A_1171 = tpu.memref_slice %arg9[%add3A_1164] : memref<4096xi32, #tpu.memory_space<vmem>> -> memref<32xi32, #tpu.memory_space<vmem>>
        %dma_start3A_1172 = arith.constant 0 : i32
        %dma_start3A_1173 = arith.constant 0 : i32
        %dma_start3A_1174 = tpu.memref_slice %arg12[%dma_start3A_1172, %dma_start3A_1173] : memref<128x128xf32, #tpu.memory_space<vmem_shared>> -> memref<128x128xf32, #tpu.memory_space<vmem_shared>>
        tpu.enqueue_indirect_dma source(%dma_start3A_1174 : memref<128x128xf32, #tpu.memory_space<vmem_shared>>) target(%dma_start3A_1170 : memref<32x128xf32, #tpu.memory_space<vmem>>) offsets(%dma_start3A_1171 : memref<32xi32, #tpu.memory_space<vmem>>) semaphore(%arg18 : memref<!tpu.dma_semaphore, #tpu.memory_space<semaphore_mem>>)
        %mul3A_1175 = arith.constant 128 : i32
        %mul3A_1176 = arith.muli %select_n3A_1160, %mul3A_1175 : i32
        %add3A_1177 = arith.constant 32 : i32
        %add3A_1178 = arith.addi %mul3A_1176, %add3A_1177 : i32
        %dma_start3A_1179 = arith.constant 5 : i32
        %dma_start3A_1180 = arith.constant 1 : i32
        %dma_start3A_1181 = arith.constant 0 : i32
        %dma_start3A_1182 = arith.constant 0 : i32
        %dma_start3A_1183 = tpu.memref_slice %arg10[%dma_start3A_1179, %dma_start3A_1180, %dma_start3A_1181, %dma_start3A_1182] : memref<6x4x32x128xf32, #tpu.memory_space<vmem>> -> memref<1x1x32x128xf32, #tpu.memory_space<vmem>>
        %dma_start3A_1184 = tpu.memref_squeeze %dma_start3A_1183 : memref<1x1x32x128xf32, #tpu.memory_space<vmem>> -> memref<32x128xf32, #tpu.memory_space<vmem>>
        %dma_start3A_1185 = tpu.memref_slice %arg9[%add3A_1178] : memref<4096xi32, #tpu.memory_space<vmem>> -> memref<32xi32, #tpu.memory_space<vmem>>
        %dma_start3A_1186 = arith.constant 0 : i32
        %dma_start3A_1187 = arith.constant 0 : i32
        %dma_start3A_1188 = tpu.memref_slice %arg12[%dma_start3A_1186, %dma_start3A_1187] : memref<128x128xf32, #tpu.memory_space<vmem_shared>> -> memref<128x128xf32, #tpu.memory_space<vmem_shared>>
        tpu.enqueue_indirect_dma source(%dma_start3A_1188 : memref<128x128xf32, #tpu.memory_space<vmem_shared>>) target(%dma_start3A_1184 : memref<32x128xf32, #tpu.memory_space<vmem>>) offsets(%dma_start3A_1185 : memref<32xi32, #tpu.memory_space<vmem>>) semaphore(%arg18 : memref<!tpu.dma_semaphore, #tpu.memory_space<semaphore_mem>>)
        %mul3A_1189 = arith.constant 128 : i32
        %mul3A_1190 = arith.muli %select_n3A_1160, %mul3A_1189 : i32
        %add3A_1191 = arith.constant 64 : i32
        %add3A_1192 = arith.addi %mul3A_1190, %add3A_1191 : i32
        %dma_start3A_1193 = arith.constant 5 : i32
        %dma_start3A_1194 = arith.constant 2 : i32
        %dma_start3A_1195 = arith.constant 0 : i32
        %dma_start3A_1196 = arith.constant 0 : i32
        %dma_start3A_1197 = tpu.memref_slice %arg10[%dma_start3A_1193, %dma_start3A_1194, %dma_start3A_1195, %dma_start3A_1196] : memref<6x4x32x128xf32, #tpu.memory_space<vmem>> -> memref<1x1x32x128xf32, #tpu.memory_space<vmem>>
        %dma_start3A_1198 = tpu.memref_squeeze %dma_start3A_1197 : memref<1x1x32x128xf32, #tpu.memory_space<vmem>> -> memref<32x128xf32, #tpu.memory_space<vmem>>
        %dma_start3A_1199 = tpu.memref_slice %arg9[%add3A_1192] : memref<4096xi32, #tpu.memory_space<vmem>> -> memref<32xi32, #tpu.memory_space<vmem>>
        %dma_start3A_1200 = arith.constant 0 : i32
        %dma_start3A_1201 = arith.constant 0 : i32
        %dma_start3A_1202 = tpu.memref_slice %arg12[%dma_start3A_1200, %dma_start3A_1201] : memref<128x128xf32, #tpu.memory_space<vmem_shared>> -> memref<128x128xf32, #tpu.memory_space<vmem_shared>>
        tpu.enqueue_indirect_dma source(%dma_start3A_1202 : memref<128x128xf32, #tpu.memory_space<vmem_shared>>) target(%dma_start3A_1198 : memref<32x128xf32, #tpu.memory_space<vmem>>) offsets(%dma_start3A_1199 : memref<32xi32, #tpu.memory_space<vmem>>) semaphore(%arg18 : memref<!tpu.dma_semaphore, #tpu.memory_space<semaphore_mem>>)
        %mul3A_1203 = arith.constant 128 : i32
        %mul3A_1204 = arith.muli %select_n3A_1160, %mul3A_1203 : i32
        %add3A_1205 = arith.constant 96 : i32
        %add3A_1206 = arith.addi %mul3A_1204, %add3A_1205 : i32
        %dma_start3A_1207 = arith.constant 5 : i32
        %dma_start3A_1208 = arith.constant 3 : i32
        %dma_start3A_1209 = arith.constant 0 : i32
        %dma_start3A_1210 = arith.constant 0 : i32
        %dma_start3A_1211 = tpu.memref_slice %arg10[%dma_start3A_1207, %dma_start3A_1208, %dma_start3A_1209, %dma_start3A_1210] : memref<6x4x32x128xf32, #tpu.memory_space<vmem>> -> memref<1x1x32x128xf32, #tpu.memory_space<vmem>>
        %dma_start3A_1212 = tpu.memref_squeeze %dma_start3A_1211 : memref<1x1x32x128xf32, #tpu.memory_space<vmem>> -> memref<32x128xf32, #tpu.memory_space<vmem>>
        %dma_start3A_1213 = tpu.memref_slice %arg9[%add3A_1206] : memref<4096xi32, #tpu.memory_space<vmem>> -> memref<32xi32, #tpu.memory_space<vmem>>
        %dma_start3A_1214 = arith.constant 0 : i32
        %dma_start3A_1215 = arith.constant 0 : i32
        %dma_start3A_1216 = tpu.memref_slice %arg12[%dma_start3A_1214, %dma_start3A_1215] : memref<128x128xf32, #tpu.memory_space<vmem_shared>> -> memref<128x128xf32, #tpu.memory_space<vmem_shared>>
        tpu.enqueue_indirect_dma source(%dma_start3A_1216 : memref<128x128xf32, #tpu.memory_space<vmem_shared>>) target(%dma_start3A_1212 : memref<32x128xf32, #tpu.memory_space<vmem>>) offsets(%dma_start3A_1213 : memref<32xi32, #tpu.memory_space<vmem>>) semaphore(%arg18 : memref<!tpu.dma_semaphore, #tpu.memory_space<semaphore_mem>>)
      } else {
      }
      %mul3A_728 = arith.constant 6 : i32
      %mul3A_729 = arith.muli %scan3A_322, %mul3A_728 : i32
      %add3A_730 = arith.constant 3 : i32
      %add3A_731 = arith.addi %mul3A_729, %add3A_730 : i32
      %jit3A_732 = arith.constant 3 : i32
      %div3A_733 = arith.divsi %add3A_731, %jit3A_732 : i32
      %sign3A_734 = arith.constant 0 : i32
      %sign3A_735 = arith.cmpi sgt, %add3A_731, %sign3A_734 : i32
      %sign3A_736 = arith.extui %sign3A_735 : i1 to i32
      %sign3A_737 = arith.constant 0 : i32
      %sign3A_738 = arith.cmpi slt, %add3A_731, %sign3A_737 : i32
      %sign3A_739 = arith.extui %sign3A_738 : i1 to i32
      %sign3A_740 = arith.subi %sign3A_736, %sign3A_739 : i32
      %sign3A_741 = arith.constant 0 : i32
      %sign3A_742 = arith.cmpi sgt, %jit3A_732, %sign3A_741 : i32
      %sign3A_743 = arith.extui %sign3A_742 : i1 to i32
      %sign3A_744 = arith.constant 0 : i32
      %sign3A_745 = arith.cmpi slt, %jit3A_732, %sign3A_744 : i32
      %sign3A_746 = arith.extui %sign3A_745 : i1 to i32
      %sign3A_747 = arith.subi %sign3A_743, %sign3A_746 : i32
      %ne3A_748 = arith.cmpi ne, %sign3A_740, %sign3A_747 : i32
      %rem3A_749 = arith.remsi %add3A_731, %jit3A_732 : i32
      %ne3A_750 = arith.constant 0 : i32
      %ne3A_751 = arith.cmpi ne, %rem3A_749, %ne3A_750 : i32
      %and3A_752 = arith.andi %ne3A_748, %ne3A_751 : i1
      %sub3A_753 = arith.constant 1 : i32
      %sub3A_754 = arith.subi %div3A_733, %sub3A_753 : i32
      %select_n3A_755 = arith.select %and3A_752, %sub3A_754, %div3A_733 : i32
      %mul3A_756 = arith.constant 128 : i32
      %mul3A_757 = arith.muli %select_n3A_755, %mul3A_756 : i32
      %add3A_758 = arith.constant 0 : i32
      %add3A_759 = arith.addi %mul3A_757, %add3A_758 : i32
      %dma_wait3A_760 = arith.constant 3 : i32
      %dma_wait3A_761 = arith.constant 0 : i32
      %dma_wait3A_762 = arith.constant 0 : i32
      %dma_wait3A_763 = arith.constant 0 : i32
      %dma_wait3A_764 = tpu.memref_slice %arg10[%dma_wait3A_760, %dma_wait3A_761, %dma_wait3A_762, %dma_wait3A_763] : memref<6x4x32x128xf32, #tpu.memory_space<vmem>> -> memref<1x1x32x128xf32, #tpu.memory_space<vmem>>
      %dma_wait3A_765 = tpu.memref_squeeze %dma_wait3A_764 : memref<1x1x32x128xf32, #tpu.memory_space<vmem>> -> memref<32x128xf32, #tpu.memory_space<vmem>>
      %dma_wait3A_766 = tpu.memref_slice %arg7[%add3A_759] : memref<4096xi32, #tpu.memory_space<vmem>> -> memref<32xi32, #tpu.memory_space<vmem>>
      %dma_wait3A_767 = arith.constant 0 : i32
      %dma_wait3A_768 = arith.constant 0 : i32
      %dma_wait3A_769 = tpu.memref_slice %arg12[%dma_wait3A_767, %dma_wait3A_768] : memref<128x128xf32, #tpu.memory_space<vmem_shared>> -> memref<128x128xf32, #tpu.memory_space<vmem_shared>>
      tpu.wait_indirect_dma semaphore(%arg16 : memref<!tpu.dma_semaphore, #tpu.memory_space<semaphore_mem>>) src(%dma_wait3A_769 : memref<128x128xf32, #tpu.memory_space<vmem_shared>>) dst(%dma_wait3A_765 : memref<32x128xf32, #tpu.memory_space<vmem>>)
      %mul3A_770 = arith.constant 128 : i32
      %mul3A_771 = arith.muli %select_n3A_755, %mul3A_770 : i32
      %add3A_772 = arith.constant 32 : i32
      %add3A_773 = arith.addi %mul3A_771, %add3A_772 : i32
      %dma_wait3A_774 = arith.constant 3 : i32
      %dma_wait3A_775 = arith.constant 1 : i32
      %dma_wait3A_776 = arith.constant 0 : i32
      %dma_wait3A_777 = arith.constant 0 : i32
      %dma_wait3A_778 = tpu.memref_slice %arg10[%dma_wait3A_774, %dma_wait3A_775, %dma_wait3A_776, %dma_wait3A_777] : memref<6x4x32x128xf32, #tpu.memory_space<vmem>> -> memref<1x1x32x128xf32, #tpu.memory_space<vmem>>
      %dma_wait3A_779 = tpu.memref_squeeze %dma_wait3A_778 : memref<1x1x32x128xf32, #tpu.memory_space<vmem>> -> memref<32x128xf32, #tpu.memory_space<vmem>>
      %dma_wait3A_780 = tpu.memref_slice %arg7[%add3A_773] : memref<4096xi32, #tpu.memory_space<vmem>> -> memref<32xi32, #tpu.memory_space<vmem>>
      %dma_wait3A_781 = arith.constant 0 : i32
      %dma_wait3A_782 = arith.constant 0 : i32
      %dma_wait3A_783 = tpu.memref_slice %arg12[%dma_wait3A_781, %dma_wait3A_782] : memref<128x128xf32, #tpu.memory_space<vmem_shared>> -> memref<128x128xf32, #tpu.memory_space<vmem_shared>>
      tpu.wait_indirect_dma semaphore(%arg16 : memref<!tpu.dma_semaphore, #tpu.memory_space<semaphore_mem>>) src(%dma_wait3A_783 : memref<128x128xf32, #tpu.memory_space<vmem_shared>>) dst(%dma_wait3A_779 : memref<32x128xf32, #tpu.memory_space<vmem>>)
      %mul3A_784 = arith.constant 128 : i32
      %mul3A_785 = arith.muli %select_n3A_755, %mul3A_784 : i32
      %add3A_786 = arith.constant 64 : i32
      %add3A_787 = arith.addi %mul3A_785, %add3A_786 : i32
      %dma_wait3A_788 = arith.constant 3 : i32
      %dma_wait3A_789 = arith.constant 2 : i32
      %dma_wait3A_790 = arith.constant 0 : i32
      %dma_wait3A_791 = arith.constant 0 : i32
      %dma_wait3A_792 = tpu.memref_slice %arg10[%dma_wait3A_788, %dma_wait3A_789, %dma_wait3A_790, %dma_wait3A_791] : memref<6x4x32x128xf32, #tpu.memory_space<vmem>> -> memref<1x1x32x128xf32, #tpu.memory_space<vmem>>
      %dma_wait3A_793 = tpu.memref_squeeze %dma_wait3A_792 : memref<1x1x32x128xf32, #tpu.memory_space<vmem>> -> memref<32x128xf32, #tpu.memory_space<vmem>>
      %dma_wait3A_794 = tpu.memref_slice %arg7[%add3A_787] : memref<4096xi32, #tpu.memory_space<vmem>> -> memref<32xi32, #tpu.memory_space<vmem>>
      %dma_wait3A_795 = arith.constant 0 : i32
      %dma_wait3A_796 = arith.constant 0 : i32
      %dma_wait3A_797 = tpu.memref_slice %arg12[%dma_wait3A_795, %dma_wait3A_796] : memref<128x128xf32, #tpu.memory_space<vmem_shared>> -> memref<128x128xf32, #tpu.memory_space<vmem_shared>>
      tpu.wait_indirect_dma semaphore(%arg16 : memref<!tpu.dma_semaphore, #tpu.memory_space<semaphore_mem>>) src(%dma_wait3A_797 : memref<128x128xf32, #tpu.memory_space<vmem_shared>>) dst(%dma_wait3A_793 : memref<32x128xf32, #tpu.memory_space<vmem>>)
      %mul3A_798 = arith.constant 128 : i32
      %mul3A_799 = arith.muli %select_n3A_755, %mul3A_798 : i32
      %add3A_800 = arith.constant 96 : i32
      %add3A_801 = arith.addi %mul3A_799, %add3A_800 : i32
      %dma_wait3A_802 = arith.constant 3 : i32
      %dma_wait3A_803 = arith.constant 3 : i32
      %dma_wait3A_804 = arith.constant 0 : i32
      %dma_wait3A_805 = arith.constant 0 : i32
      %dma_wait3A_806 = tpu.memref_slice %arg10[%dma_wait3A_802, %dma_wait3A_803, %dma_wait3A_804, %dma_wait3A_805] : memref<6x4x32x128xf32, #tpu.memory_space<vmem>> -> memref<1x1x32x128xf32, #tpu.memory_space<vmem>>
      %dma_wait3A_807 = tpu.memref_squeeze %dma_wait3A_806 : memref<1x1x32x128xf32, #tpu.memory_space<vmem>> -> memref<32x128xf32, #tpu.memory_space<vmem>>
      %dma_wait3A_808 = tpu.memref_slice %arg7[%add3A_801] : memref<4096xi32, #tpu.memory_space<vmem>> -> memref<32xi32, #tpu.memory_space<vmem>>
      %dma_wait3A_809 = arith.constant 0 : i32
      %dma_wait3A_810 = arith.constant 0 : i32
      %dma_wait3A_811 = tpu.memref_slice %arg12[%dma_wait3A_809, %dma_wait3A_810] : memref<128x128xf32, #tpu.memory_space<vmem_shared>> -> memref<128x128xf32, #tpu.memory_space<vmem_shared>>
      tpu.wait_indirect_dma semaphore(%arg16 : memref<!tpu.dma_semaphore, #tpu.memory_space<semaphore_mem>>) src(%dma_wait3A_811 : memref<128x128xf32, #tpu.memory_space<vmem_shared>>) dst(%dma_wait3A_807 : memref<32x128xf32, #tpu.memory_space<vmem>>)
      %jit3A_812 = arith.constant 3 : i32
      %div3A_813 = arith.divsi %add3A_731, %jit3A_812 : i32
      %sign3A_814 = arith.constant 0 : i32
      %sign3A_815 = arith.cmpi sgt, %add3A_731, %sign3A_814 : i32
      %sign3A_816 = arith.extui %sign3A_815 : i1 to i32
      %sign3A_817 = arith.constant 0 : i32
      %sign3A_818 = arith.cmpi slt, %add3A_731, %sign3A_817 : i32
      %sign3A_819 = arith.extui %sign3A_818 : i1 to i32
      %sign3A_820 = arith.subi %sign3A_816, %sign3A_819 : i32
      %sign3A_821 = arith.constant 0 : i32
      %sign3A_822 = arith.cmpi sgt, %jit3A_812, %sign3A_821 : i32
      %sign3A_823 = arith.extui %sign3A_822 : i1 to i32
      %sign3A_824 = arith.constant 0 : i32
      %sign3A_825 = arith.cmpi slt, %jit3A_812, %sign3A_824 : i32
      %sign3A_826 = arith.extui %sign3A_825 : i1 to i32
      %sign3A_827 = arith.subi %sign3A_823, %sign3A_826 : i32
      %ne3A_828 = arith.cmpi ne, %sign3A_820, %sign3A_827 : i32
      %rem3A_829 = arith.remsi %add3A_731, %jit3A_812 : i32
      %ne3A_830 = arith.constant 0 : i32
      %ne3A_831 = arith.cmpi ne, %rem3A_829, %ne3A_830 : i32
      %and3A_832 = arith.andi %ne3A_828, %ne3A_831 : i1
      %sub3A_833 = arith.constant 1 : i32
      %sub3A_834 = arith.subi %div3A_813, %sub3A_833 : i32
      %select_n3A_835 = arith.select %and3A_832, %sub3A_834, %div3A_813 : i32
      %mul3A_836 = arith.constant 4 : i32
      %mul3A_837 = arith.muli %select_n3A_835, %mul3A_836 : i32
      %add3A_838 = arith.addi %mul3A_61, %mul3A_837 : i32
      %dma_start3A_839 = arith.constant 3 : i32
      %dma_start3A_840 = arith.constant 0 : i32
      %dma_start3A_841 = arith.constant 0 : i32
      %dma_start3A_842 = arith.constant 0 : i32
      %dma_start3A_843 = tpu.memref_slice %arg10[%dma_start3A_839, %dma_start3A_840, %dma_start3A_841, %dma_start3A_842] : memref<6x4x32x128xf32, #tpu.memory_space<vmem>> -> memref<1x4x32x128xf32, #tpu.memory_space<vmem>>
      %dma_start3A_844 = tpu.memref_squeeze %dma_start3A_843 : memref<1x4x32x128xf32, #tpu.memory_space<vmem>> -> memref<4x32x128xf32, #tpu.memory_space<vmem>>
      %dma_start3A_845 = arith.constant 0 : i32
      %dma_start3A_846 = arith.constant 0 : i32
      %dma_start3A_847 = tpu.memref_slice %arg6[%add3A_838, %dma_start3A_845, %dma_start3A_846] : memref<4096x32x384xf32, #tpu.memory_space<hbm>> -> memref<4x32x128xf32, #tpu.memory_space<hbm>>
      %dma_start3A_848 = arith.constant 0 : i32
      %dma_start3A_849 = arith.constant 0 : i32
      %dma_start3A_850 = tpu.memref_slice %arg6[%add3A_838, %dma_start3A_848, %dma_start3A_849] : memref<4096x32x384xf32, #tpu.memory_space<hbm>> -> memref<4x32x128xf32, #tpu.memory_space<hbm>>
      %dma_start3A_851 = arith.constant 0 : i32
      %dma_start3A_852 = arith.constant 0 : i32
      %dma_start3A_853 = arith.constant 0 : i32
      %dma_start3A_854 = tpu.memref_slice %arg10[%dma_start3A_839, %dma_start3A_851, %dma_start3A_852, %dma_start3A_853] : memref<6x4x32x128xf32, #tpu.memory_space<vmem>> -> memref<1x4x32x128xf32, #tpu.memory_space<vmem>>
      %dma_start3A_855 = tpu.memref_squeeze %dma_start3A_854 : memref<1x4x32x128xf32, #tpu.memory_space<vmem>> -> memref<4x32x128xf32, #tpu.memory_space<vmem>>
      tpu.enqueue_dma source(%dma_start3A_855 : memref<4x32x128xf32, #tpu.memory_space<vmem>>) target(%dma_start3A_850 : memref<4x32x128xf32, #tpu.memory_space<hbm>>) target_semaphore(%arg22 : memref<!tpu.dma_semaphore, #tpu.memory_space<semaphore_mem>>)
      %add3A_856 = arith.constant 3 : i32
      %add3A_857 = arith.addi %add3A_731, %add3A_856 : i32
      %lt3A_858 = arith.constant 96 : i32
      %lt3A_859 = arith.cmpi slt, %add3A_857, %lt3A_858 : i32
      %convert_element_type3A_860 = arith.extui %lt3A_859 : i1 to i32
      %cond3A_861 = arith.constant 0 : i32
      %cond3A_862 = arith.cmpi ne, %convert_element_type3A_860, %cond3A_861 : i32
      scf.if %cond3A_862 {
        %ge3A = arith.constant 6 : i32
        %ge3A_1133 = arith.cmpi sge, %add3A_857, %ge3A : i32
        %convert_element_type3A_1134 = arith.extui %ge3A_1133 : i1 to i32
        %cond3A_1135 = arith.constant 0 : i32
        %cond3A_1136 = arith.cmpi ne, %convert_element_type3A_1134, %cond3A_1135 : i32
        scf.if %cond3A_1136 {
          %sub3A_1217 = arith.constant 6 : i32
          %sub3A_1218 = arith.subi %add3A_857, %sub3A_1217 : i32
          %jit3A_1219 = arith.constant 3 : i32
          %div3A_1220 = arith.divsi %sub3A_1218, %jit3A_1219 : i32
          %sign3A_1221 = arith.constant 0 : i32
          %sign3A_1222 = arith.cmpi sgt, %sub3A_1218, %sign3A_1221 : i32
          %sign3A_1223 = arith.extui %sign3A_1222 : i1 to i32
          %sign3A_1224 = arith.constant 0 : i32
          %sign3A_1225 = arith.cmpi slt, %sub3A_1218, %sign3A_1224 : i32
          %sign3A_1226 = arith.extui %sign3A_1225 : i1 to i32
          %sign3A_1227 = arith.subi %sign3A_1223, %sign3A_1226 : i32
          %sign3A_1228 = arith.constant 0 : i32
          %sign3A_1229 = arith.cmpi sgt, %jit3A_1219, %sign3A_1228 : i32
          %sign3A_1230 = arith.extui %sign3A_1229 : i1 to i32
          %sign3A_1231 = arith.constant 0 : i32
          %sign3A_1232 = arith.cmpi slt, %jit3A_1219, %sign3A_1231 : i32
          %sign3A_1233 = arith.extui %sign3A_1232 : i1 to i32
          %sign3A_1234 = arith.subi %sign3A_1230, %sign3A_1233 : i32
          %ne3A_1235 = arith.cmpi ne, %sign3A_1227, %sign3A_1234 : i32
          %rem3A_1236 = arith.remsi %sub3A_1218, %jit3A_1219 : i32
          %ne3A_1237 = arith.constant 0 : i32
          %ne3A_1238 = arith.cmpi ne, %rem3A_1236, %ne3A_1237 : i32
          %and3A_1239 = arith.andi %ne3A_1235, %ne3A_1238 : i1
          %sub3A_1240 = arith.constant 1 : i32
          %sub3A_1241 = arith.subi %div3A_1220, %sub3A_1240 : i32
          %select_n3A_1242 = arith.select %and3A_1239, %sub3A_1241, %div3A_1220 : i32
          %mul3A_1243 = arith.constant 4 : i32
          %mul3A_1244 = arith.muli %select_n3A_1242, %mul3A_1243 : i32
          %add3A_1245 = arith.addi %mul3A_61, %mul3A_1244 : i32
          %dma_wait3A_1246 = arith.constant 0 : i32
          %dma_wait3A_1247 = arith.constant 0 : i32
          %dma_wait3A_1248 = arith.constant 0 : i32
          %dma_wait3A_1249 = arith.constant 0 : i32
          %dma_wait3A_1250 = tpu.memref_slice %arg10[%dma_wait3A_1246, %dma_wait3A_1247, %dma_wait3A_1248, %dma_wait3A_1249] : memref<6x4x32x128xf32, #tpu.memory_space<vmem>> -> memref<1x4x32x128xf32, #tpu.memory_space<vmem>>
          %dma_wait3A_1251 = tpu.memref_squeeze %dma_wait3A_1250 : memref<1x4x32x128xf32, #tpu.memory_space<vmem>> -> memref<4x32x128xf32, #tpu.memory_space<vmem>>
          %dma_wait3A_1252 = arith.constant 0 : i32
          %dma_wait3A_1253 = arith.constant 0 : i32
          %dma_wait3A_1254 = tpu.memref_slice %arg6[%add3A_1245, %dma_wait3A_1252, %dma_wait3A_1253] : memref<4096x32x384xf32, #tpu.memory_space<hbm>> -> memref<4x32x128xf32, #tpu.memory_space<hbm>>
          %dma_wait3A_1255 = arith.constant 0 : i32
          %dma_wait3A_1256 = arith.constant 0 : i32
          %dma_wait3A_1257 = tpu.memref_slice %arg6[%add3A_1245, %dma_wait3A_1255, %dma_wait3A_1256] : memref<4096x32x384xf32, #tpu.memory_space<hbm>> -> memref<4x32x128xf32, #tpu.memory_space<hbm>>
          %dma_wait3A_1258 = arith.constant 0 : i32
          %dma_wait3A_1259 = arith.constant 0 : i32
          %dma_wait3A_1260 = arith.constant 0 : i32
          %dma_wait3A_1261 = tpu.memref_slice %arg10[%dma_wait3A_1246, %dma_wait3A_1258, %dma_wait3A_1259, %dma_wait3A_1260] : memref<6x4x32x128xf32, #tpu.memory_space<vmem>> -> memref<1x4x32x128xf32, #tpu.memory_space<vmem>>
          %dma_wait3A_1262 = tpu.memref_squeeze %dma_wait3A_1261 : memref<1x4x32x128xf32, #tpu.memory_space<vmem>> -> memref<4x32x128xf32, #tpu.memory_space<vmem>>
          tpu.wait_dma2 semaphore(%arg19 : memref<!tpu.dma_semaphore, #tpu.memory_space<semaphore_mem>>) src(%dma_wait3A_1262 : memref<4x32x128xf32, #tpu.memory_space<vmem>>) dst(%dma_wait3A_1257 : memref<4x32x128xf32, #tpu.memory_space<hbm>>)
        } else {
        }
        %jit3A_1137 = arith.constant 3 : i32
        %div3A_1138 = arith.divsi %add3A_857, %jit3A_1137 : i32
        %sign3A_1139 = arith.constant 0 : i32
        %sign3A_1140 = arith.cmpi sgt, %add3A_857, %sign3A_1139 : i32
        %sign3A_1141 = arith.extui %sign3A_1140 : i1 to i32
        %sign3A_1142 = arith.constant 0 : i32
        %sign3A_1143 = arith.cmpi slt, %add3A_857, %sign3A_1142 : i32
        %sign3A_1144 = arith.extui %sign3A_1143 : i1 to i32
        %sign3A_1145 = arith.subi %sign3A_1141, %sign3A_1144 : i32
        %sign3A_1146 = arith.constant 0 : i32
        %sign3A_1147 = arith.cmpi sgt, %jit3A_1137, %sign3A_1146 : i32
        %sign3A_1148 = arith.extui %sign3A_1147 : i1 to i32
        %sign3A_1149 = arith.constant 0 : i32
        %sign3A_1150 = arith.cmpi slt, %jit3A_1137, %sign3A_1149 : i32
        %sign3A_1151 = arith.extui %sign3A_1150 : i1 to i32
        %sign3A_1152 = arith.subi %sign3A_1148, %sign3A_1151 : i32
        %ne3A_1153 = arith.cmpi ne, %sign3A_1145, %sign3A_1152 : i32
        %rem3A_1154 = arith.remsi %add3A_857, %jit3A_1137 : i32
        %ne3A_1155 = arith.constant 0 : i32
        %ne3A_1156 = arith.cmpi ne, %rem3A_1154, %ne3A_1155 : i32
        %and3A_1157 = arith.andi %ne3A_1153, %ne3A_1156 : i1
        %sub3A_1158 = arith.constant 1 : i32
        %sub3A_1159 = arith.subi %div3A_1138, %sub3A_1158 : i32
        %select_n3A_1160 = arith.select %and3A_1157, %sub3A_1159, %div3A_1138 : i32
        %mul3A_1161 = arith.constant 128 : i32
        %mul3A_1162 = arith.muli %select_n3A_1160, %mul3A_1161 : i32
        %add3A_1163 = arith.constant 0 : i32
        %add3A_1164 = arith.addi %mul3A_1162, %add3A_1163 : i32
        %dma_start3A_1165 = arith.constant 0 : i32
        %dma_start3A_1166 = arith.constant 0 : i32
        %dma_start3A_1167 = arith.constant 0 : i32
        %dma_start3A_1168 = arith.constant 0 : i32
        %dma_start3A_1169 = tpu.memref_slice %arg10[%dma_start3A_1165, %dma_start3A_1166, %dma_start3A_1167, %dma_start3A_1168] : memref<6x4x32x128xf32, #tpu.memory_space<vmem>> -> memref<1x1x32x128xf32, #tpu.memory_space<vmem>>
        %dma_start3A_1170 = tpu.memref_squeeze %dma_start3A_1169 : memref<1x1x32x128xf32, #tpu.memory_space<vmem>> -> memref<32x128xf32, #tpu.memory_space<vmem>>
        %dma_start3A_1171 = tpu.memref_slice %arg7[%add3A_1164] : memref<4096xi32, #tpu.memory_space<vmem>> -> memref<32xi32, #tpu.memory_space<vmem>>
        %dma_start3A_1172 = arith.constant 0 : i32
        %dma_start3A_1173 = arith.constant 0 : i32
        %dma_start3A_1174 = tpu.memref_slice %arg12[%dma_start3A_1172, %dma_start3A_1173] : memref<128x128xf32, #tpu.memory_space<vmem_shared>> -> memref<128x128xf32, #tpu.memory_space<vmem_shared>>
        tpu.enqueue_indirect_dma source(%dma_start3A_1174 : memref<128x128xf32, #tpu.memory_space<vmem_shared>>) target(%dma_start3A_1170 : memref<32x128xf32, #tpu.memory_space<vmem>>) offsets(%dma_start3A_1171 : memref<32xi32, #tpu.memory_space<vmem>>) semaphore(%arg13 : memref<!tpu.dma_semaphore, #tpu.memory_space<semaphore_mem>>)
        %mul3A_1175 = arith.constant 128 : i32
        %mul3A_1176 = arith.muli %select_n3A_1160, %mul3A_1175 : i32
        %add3A_1177 = arith.constant 32 : i32
        %add3A_1178 = arith.addi %mul3A_1176, %add3A_1177 : i32
        %dma_start3A_1179 = arith.constant 0 : i32
        %dma_start3A_1180 = arith.constant 1 : i32
        %dma_start3A_1181 = arith.constant 0 : i32
        %dma_start3A_1182 = arith.constant 0 : i32
        %dma_start3A_1183 = tpu.memref_slice %arg10[%dma_start3A_1179, %dma_start3A_1180, %dma_start3A_1181, %dma_start3A_1182] : memref<6x4x32x128xf32, #tpu.memory_space<vmem>> -> memref<1x1x32x128xf32, #tpu.memory_space<vmem>>
        %dma_start3A_1184 = tpu.memref_squeeze %dma_start3A_1183 : memref<1x1x32x128xf32, #tpu.memory_space<vmem>> -> memref<32x128xf32, #tpu.memory_space<vmem>>
        %dma_start3A_1185 = tpu.memref_slice %arg7[%add3A_1178] : memref<4096xi32, #tpu.memory_space<vmem>> -> memref<32xi32, #tpu.memory_space<vmem>>
        %dma_start3A_1186 = arith.constant 0 : i32
        %dma_start3A_1187 = arith.constant 0 : i32
        %dma_start3A_1188 = tpu.memref_slice %arg12[%dma_start3A_1186, %dma_start3A_1187] : memref<128x128xf32, #tpu.memory_space<vmem_shared>> -> memref<128x128xf32, #tpu.memory_space<vmem_shared>>
        tpu.enqueue_indirect_dma source(%dma_start3A_1188 : memref<128x128xf32, #tpu.memory_space<vmem_shared>>) target(%dma_start3A_1184 : memref<32x128xf32, #tpu.memory_space<vmem>>) offsets(%dma_start3A_1185 : memref<32xi32, #tpu.memory_space<vmem>>) semaphore(%arg13 : memref<!tpu.dma_semaphore, #tpu.memory_space<semaphore_mem>>)
        %mul3A_1189 = arith.constant 128 : i32
        %mul3A_1190 = arith.muli %select_n3A_1160, %mul3A_1189 : i32
        %add3A_1191 = arith.constant 64 : i32
        %add3A_1192 = arith.addi %mul3A_1190, %add3A_1191 : i32
        %dma_start3A_1193 = arith.constant 0 : i32
        %dma_start3A_1194 = arith.constant 2 : i32
        %dma_start3A_1195 = arith.constant 0 : i32
        %dma_start3A_1196 = arith.constant 0 : i32
        %dma_start3A_1197 = tpu.memref_slice %arg10[%dma_start3A_1193, %dma_start3A_1194, %dma_start3A_1195, %dma_start3A_1196] : memref<6x4x32x128xf32, #tpu.memory_space<vmem>> -> memref<1x1x32x128xf32, #tpu.memory_space<vmem>>
        %dma_start3A_1198 = tpu.memref_squeeze %dma_start3A_1197 : memref<1x1x32x128xf32, #tpu.memory_space<vmem>> -> memref<32x128xf32, #tpu.memory_space<vmem>>
        %dma_start3A_1199 = tpu.memref_slice %arg7[%add3A_1192] : memref<4096xi32, #tpu.memory_space<vmem>> -> memref<32xi32, #tpu.memory_space<vmem>>
        %dma_start3A_1200 = arith.constant 0 : i32
        %dma_start3A_1201 = arith.constant 0 : i32
        %dma_start3A_1202 = tpu.memref_slice %arg12[%dma_start3A_1200, %dma_start3A_1201] : memref<128x128xf32, #tpu.memory_space<vmem_shared>> -> memref<128x128xf32, #tpu.memory_space<vmem_shared>>
        tpu.enqueue_indirect_dma source(%dma_start3A_1202 : memref<128x128xf32, #tpu.memory_space<vmem_shared>>) target(%dma_start3A_1198 : memref<32x128xf32, #tpu.memory_space<vmem>>) offsets(%dma_start3A_1199 : memref<32xi32, #tpu.memory_space<vmem>>) semaphore(%arg13 : memref<!tpu.dma_semaphore, #tpu.memory_space<semaphore_mem>>)
        %mul3A_1203 = arith.constant 128 : i32
        %mul3A_1204 = arith.muli %select_n3A_1160, %mul3A_1203 : i32
        %add3A_1205 = arith.constant 96 : i32
        %add3A_1206 = arith.addi %mul3A_1204, %add3A_1205 : i32
        %dma_start3A_1207 = arith.constant 0 : i32
        %dma_start3A_1208 = arith.constant 3 : i32
        %dma_start3A_1209 = arith.constant 0 : i32
        %dma_start3A_1210 = arith.constant 0 : i32
        %dma_start3A_1211 = tpu.memref_slice %arg10[%dma_start3A_1207, %dma_start3A_1208, %dma_start3A_1209, %dma_start3A_1210] : memref<6x4x32x128xf32, #tpu.memory_space<vmem>> -> memref<1x1x32x128xf32, #tpu.memory_space<vmem>>
        %dma_start3A_1212 = tpu.memref_squeeze %dma_start3A_1211 : memref<1x1x32x128xf32, #tpu.memory_space<vmem>> -> memref<32x128xf32, #tpu.memory_space<vmem>>
        %dma_start3A_1213 = tpu.memref_slice %arg7[%add3A_1206] : memref<4096xi32, #tpu.memory_space<vmem>> -> memref<32xi32, #tpu.memory_space<vmem>>
        %dma_start3A_1214 = arith.constant 0 : i32
        %dma_start3A_1215 = arith.constant 0 : i32
        %dma_start3A_1216 = tpu.memref_slice %arg12[%dma_start3A_1214, %dma_start3A_1215] : memref<128x128xf32, #tpu.memory_space<vmem_shared>> -> memref<128x128xf32, #tpu.memory_space<vmem_shared>>
        tpu.enqueue_indirect_dma source(%dma_start3A_1216 : memref<128x128xf32, #tpu.memory_space<vmem_shared>>) target(%dma_start3A_1212 : memref<32x128xf32, #tpu.memory_space<vmem>>) offsets(%dma_start3A_1213 : memref<32xi32, #tpu.memory_space<vmem>>) semaphore(%arg13 : memref<!tpu.dma_semaphore, #tpu.memory_space<semaphore_mem>>)
      } else {
      }
      %mul3A_863 = arith.constant 6 : i32
      %mul3A_864 = arith.muli %scan3A_322, %mul3A_863 : i32
      %add3A_865 = arith.constant 4 : i32
      %add3A_866 = arith.addi %mul3A_864, %add3A_865 : i32
      %jit3A_867 = arith.constant 3 : i32
      %div3A_868 = arith.divsi %add3A_866, %jit3A_867 : i32
      %sign3A_869 = arith.constant 0 : i32
      %sign3A_870 = arith.cmpi sgt, %add3A_866, %sign3A_869 : i32
      %sign3A_871 = arith.extui %sign3A_870 : i1 to i32
      %sign3A_872 = arith.constant 0 : i32
      %sign3A_873 = arith.cmpi slt, %add3A_866, %sign3A_872 : i32
      %sign3A_874 = arith.extui %sign3A_873 : i1 to i32
      %sign3A_875 = arith.subi %sign3A_871, %sign3A_874 : i32
      %sign3A_876 = arith.constant 0 : i32
      %sign3A_877 = arith.cmpi sgt, %jit3A_867, %sign3A_876 : i32
      %sign3A_878 = arith.extui %sign3A_877 : i1 to i32
      %sign3A_879 = arith.constant 0 : i32
      %sign3A_880 = arith.cmpi slt, %jit3A_867, %sign3A_879 : i32
      %sign3A_881 = arith.extui %sign3A_880 : i1 to i32
      %sign3A_882 = arith.subi %sign3A_878, %sign3A_881 : i32
      %ne3A_883 = arith.cmpi ne, %sign3A_875, %sign3A_882 : i32
      %rem3A_884 = arith.remsi %add3A_866, %jit3A_867 : i32
      %ne3A_885 = arith.constant 0 : i32
      %ne3A_886 = arith.cmpi ne, %rem3A_884, %ne3A_885 : i32
      %and3A_887 = arith.andi %ne3A_883, %ne3A_886 : i1
      %sub3A_888 = arith.constant 1 : i32
      %sub3A_889 = arith.subi %div3A_868, %sub3A_888 : i32
      %select_n3A_890 = arith.select %and3A_887, %sub3A_889, %div3A_868 : i32
      %mul3A_891 = arith.constant 128 : i32
      %mul3A_892 = arith.muli %select_n3A_890, %mul3A_891 : i32
      %add3A_893 = arith.constant 0 : i32
      %add3A_894 = arith.addi %mul3A_892, %add3A_893 : i32
      %dma_wait3A_895 = arith.constant 4 : i32
      %dma_wait3A_896 = arith.constant 0 : i32
      %dma_wait3A_897 = arith.constant 0 : i32
      %dma_wait3A_898 = arith.constant 0 : i32
      %dma_wait3A_899 = tpu.memref_slice %arg10[%dma_wait3A_895, %dma_wait3A_896, %dma_wait3A_897, %dma_wait3A_898] : memref<6x4x32x128xf32, #tpu.memory_space<vmem>> -> memref<1x1x32x128xf32, #tpu.memory_space<vmem>>
      %dma_wait3A_900 = tpu.memref_squeeze %dma_wait3A_899 : memref<1x1x32x128xf32, #tpu.memory_space<vmem>> -> memref<32x128xf32, #tpu.memory_space<vmem>>
      %dma_wait3A_901 = tpu.memref_slice %arg8[%add3A_894] : memref<4096xi32, #tpu.memory_space<vmem>> -> memref<32xi32, #tpu.memory_space<vmem>>
      %dma_wait3A_902 = arith.constant 0 : i32
      %dma_wait3A_903 = arith.constant 0 : i32
      %dma_wait3A_904 = tpu.memref_slice %arg12[%dma_wait3A_902, %dma_wait3A_903] : memref<128x128xf32, #tpu.memory_space<vmem_shared>> -> memref<128x128xf32, #tpu.memory_space<vmem_shared>>
      tpu.wait_indirect_dma semaphore(%arg17 : memref<!tpu.dma_semaphore, #tpu.memory_space<semaphore_mem>>) src(%dma_wait3A_904 : memref<128x128xf32, #tpu.memory_space<vmem_shared>>) dst(%dma_wait3A_900 : memref<32x128xf32, #tpu.memory_space<vmem>>)
      %mul3A_905 = arith.constant 128 : i32
      %mul3A_906 = arith.muli %select_n3A_890, %mul3A_905 : i32
      %add3A_907 = arith.constant 32 : i32
      %add3A_908 = arith.addi %mul3A_906, %add3A_907 : i32
      %dma_wait3A_909 = arith.constant 4 : i32
      %dma_wait3A_910 = arith.constant 1 : i32
      %dma_wait3A_911 = arith.constant 0 : i32
      %dma_wait3A_912 = arith.constant 0 : i32
      %dma_wait3A_913 = tpu.memref_slice %arg10[%dma_wait3A_909, %dma_wait3A_910, %dma_wait3A_911, %dma_wait3A_912] : memref<6x4x32x128xf32, #tpu.memory_space<vmem>> -> memref<1x1x32x128xf32, #tpu.memory_space<vmem>>
      %dma_wait3A_914 = tpu.memref_squeeze %dma_wait3A_913 : memref<1x1x32x128xf32, #tpu.memory_space<vmem>> -> memref<32x128xf32, #tpu.memory_space<vmem>>
      %dma_wait3A_915 = tpu.memref_slice %arg8[%add3A_908] : memref<4096xi32, #tpu.memory_space<vmem>> -> memref<32xi32, #tpu.memory_space<vmem>>
      %dma_wait3A_916 = arith.constant 0 : i32
      %dma_wait3A_917 = arith.constant 0 : i32
      %dma_wait3A_918 = tpu.memref_slice %arg12[%dma_wait3A_916, %dma_wait3A_917] : memref<128x128xf32, #tpu.memory_space<vmem_shared>> -> memref<128x128xf32, #tpu.memory_space<vmem_shared>>
      tpu.wait_indirect_dma semaphore(%arg17 : memref<!tpu.dma_semaphore, #tpu.memory_space<semaphore_mem>>) src(%dma_wait3A_918 : memref<128x128xf32, #tpu.memory_space<vmem_shared>>) dst(%dma_wait3A_914 : memref<32x128xf32, #tpu.memory_space<vmem>>)
      %mul3A_919 = arith.constant 128 : i32
      %mul3A_920 = arith.muli %select_n3A_890, %mul3A_919 : i32
      %add3A_921 = arith.constant 64 : i32
      %add3A_922 = arith.addi %mul3A_920, %add3A_921 : i32
      %dma_wait3A_923 = arith.constant 4 : i32
      %dma_wait3A_924 = arith.constant 2 : i32
      %dma_wait3A_925 = arith.constant 0 : i32
      %dma_wait3A_926 = arith.constant 0 : i32
      %dma_wait3A_927 = tpu.memref_slice %arg10[%dma_wait3A_923, %dma_wait3A_924, %dma_wait3A_925, %dma_wait3A_926] : memref<6x4x32x128xf32, #tpu.memory_space<vmem>> -> memref<1x1x32x128xf32, #tpu.memory_space<vmem>>
      %dma_wait3A_928 = tpu.memref_squeeze %dma_wait3A_927 : memref<1x1x32x128xf32, #tpu.memory_space<vmem>> -> memref<32x128xf32, #tpu.memory_space<vmem>>
      %dma_wait3A_929 = tpu.memref_slice %arg8[%add3A_922] : memref<4096xi32, #tpu.memory_space<vmem>> -> memref<32xi32, #tpu.memory_space<vmem>>
      %dma_wait3A_930 = arith.constant 0 : i32
      %dma_wait3A_931 = arith.constant 0 : i32
      %dma_wait3A_932 = tpu.memref_slice %arg12[%dma_wait3A_930, %dma_wait3A_931] : memref<128x128xf32, #tpu.memory_space<vmem_shared>> -> memref<128x128xf32, #tpu.memory_space<vmem_shared>>
      tpu.wait_indirect_dma semaphore(%arg17 : memref<!tpu.dma_semaphore, #tpu.memory_space<semaphore_mem>>) src(%dma_wait3A_932 : memref<128x128xf32, #tpu.memory_space<vmem_shared>>) dst(%dma_wait3A_928 : memref<32x128xf32, #tpu.memory_space<vmem>>)
      %mul3A_933 = arith.constant 128 : i32
      %mul3A_934 = arith.muli %select_n3A_890, %mul3A_933 : i32
      %add3A_935 = arith.constant 96 : i32
      %add3A_936 = arith.addi %mul3A_934, %add3A_935 : i32
      %dma_wait3A_937 = arith.constant 4 : i32
      %dma_wait3A_938 = arith.constant 3 : i32
      %dma_wait3A_939 = arith.constant 0 : i32
      %dma_wait3A_940 = arith.constant 0 : i32
      %dma_wait3A_941 = tpu.memref_slice %arg10[%dma_wait3A_937, %dma_wait3A_938, %dma_wait3A_939, %dma_wait3A_940] : memref<6x4x32x128xf32, #tpu.memory_space<vmem>> -> memref<1x1x32x128xf32, #tpu.memory_space<vmem>>
      %dma_wait3A_942 = tpu.memref_squeeze %dma_wait3A_941 : memref<1x1x32x128xf32, #tpu.memory_space<vmem>> -> memref<32x128xf32, #tpu.memory_space<vmem>>
      %dma_wait3A_943 = tpu.memref_slice %arg8[%add3A_936] : memref<4096xi32, #tpu.memory_space<vmem>> -> memref<32xi32, #tpu.memory_space<vmem>>
      %dma_wait3A_944 = arith.constant 0 : i32
      %dma_wait3A_945 = arith.constant 0 : i32
      %dma_wait3A_946 = tpu.memref_slice %arg12[%dma_wait3A_944, %dma_wait3A_945] : memref<128x128xf32, #tpu.memory_space<vmem_shared>> -> memref<128x128xf32, #tpu.memory_space<vmem_shared>>
      tpu.wait_indirect_dma semaphore(%arg17 : memref<!tpu.dma_semaphore, #tpu.memory_space<semaphore_mem>>) src(%dma_wait3A_946 : memref<128x128xf32, #tpu.memory_space<vmem_shared>>) dst(%dma_wait3A_942 : memref<32x128xf32, #tpu.memory_space<vmem>>)
      %jit3A_947 = arith.constant 3 : i32
      %div3A_948 = arith.divsi %add3A_866, %jit3A_947 : i32
      %sign3A_949 = arith.constant 0 : i32
      %sign3A_950 = arith.cmpi sgt, %add3A_866, %sign3A_949 : i32
      %sign3A_951 = arith.extui %sign3A_950 : i1 to i32
      %sign3A_952 = arith.constant 0 : i32
      %sign3A_953 = arith.cmpi slt, %add3A_866, %sign3A_952 : i32
      %sign3A_954 = arith.extui %sign3A_953 : i1 to i32
      %sign3A_955 = arith.subi %sign3A_951, %sign3A_954 : i32
      %sign3A_956 = arith.constant 0 : i32
      %sign3A_957 = arith.cmpi sgt, %jit3A_947, %sign3A_956 : i32
      %sign3A_958 = arith.extui %sign3A_957 : i1 to i32
      %sign3A_959 = arith.constant 0 : i32
      %sign3A_960 = arith.cmpi slt, %jit3A_947, %sign3A_959 : i32
      %sign3A_961 = arith.extui %sign3A_960 : i1 to i32
      %sign3A_962 = arith.subi %sign3A_958, %sign3A_961 : i32
      %ne3A_963 = arith.cmpi ne, %sign3A_955, %sign3A_962 : i32
      %rem3A_964 = arith.remsi %add3A_866, %jit3A_947 : i32
      %ne3A_965 = arith.constant 0 : i32
      %ne3A_966 = arith.cmpi ne, %rem3A_964, %ne3A_965 : i32
      %and3A_967 = arith.andi %ne3A_963, %ne3A_966 : i1
      %sub3A_968 = arith.constant 1 : i32
      %sub3A_969 = arith.subi %div3A_948, %sub3A_968 : i32
      %select_n3A_970 = arith.select %and3A_967, %sub3A_969, %div3A_948 : i32
      %mul3A_971 = arith.constant 4 : i32
      %mul3A_972 = arith.muli %select_n3A_970, %mul3A_971 : i32
      %add3A_973 = arith.addi %mul3A_61, %mul3A_972 : i32
      %dma_start3A_974 = arith.constant 4 : i32
      %dma_start3A_975 = arith.constant 0 : i32
      %dma_start3A_976 = arith.constant 0 : i32
      %dma_start3A_977 = arith.constant 0 : i32
      %dma_start3A_978 = tpu.memref_slice %arg10[%dma_start3A_974, %dma_start3A_975, %dma_start3A_976, %dma_start3A_977] : memref<6x4x32x128xf32, #tpu.memory_space<vmem>> -> memref<1x4x32x128xf32, #tpu.memory_space<vmem>>
      %dma_start3A_979 = tpu.memref_squeeze %dma_start3A_978 : memref<1x4x32x128xf32, #tpu.memory_space<vmem>> -> memref<4x32x128xf32, #tpu.memory_space<vmem>>
      %dma_start3A_980 = arith.constant 0 : i32
      %dma_start3A_981 = arith.constant 128 : i32
      %dma_start3A_982 = tpu.memref_slice %arg6[%add3A_973, %dma_start3A_980, %dma_start3A_981] : memref<4096x32x384xf32, #tpu.memory_space<hbm>> -> memref<4x32x128xf32, #tpu.memory_space<hbm>>
      %dma_start3A_983 = arith.constant 0 : i32
      %dma_start3A_984 = arith.constant 128 : i32
      %dma_start3A_985 = tpu.memref_slice %arg6[%add3A_973, %dma_start3A_983, %dma_start3A_984] : memref<4096x32x384xf32, #tpu.memory_space<hbm>> -> memref<4x32x128xf32, #tpu.memory_space<hbm>>
      %dma_start3A_986 = arith.constant 0 : i32
      %dma_start3A_987 = arith.constant 0 : i32
      %dma_start3A_988 = arith.constant 0 : i32
      %dma_start3A_989 = tpu.memref_slice %arg10[%dma_start3A_974, %dma_start3A_986, %dma_start3A_987, %dma_start3A_988] : memref<6x4x32x128xf32, #tpu.memory_space<vmem>> -> memref<1x4x32x128xf32, #tpu.memory_space<vmem>>
      %dma_start3A_990 = tpu.memref_squeeze %dma_start3A_989 : memref<1x4x32x128xf32, #tpu.memory_space<vmem>> -> memref<4x32x128xf32, #tpu.memory_space<vmem>>
      tpu.enqueue_dma source(%dma_start3A_990 : memref<4x32x128xf32, #tpu.memory_space<vmem>>) target(%dma_start3A_985 : memref<4x32x128xf32, #tpu.memory_space<hbm>>) target_semaphore(%arg23 : memref<!tpu.dma_semaphore, #tpu.memory_space<semaphore_mem>>)
      %add3A_991 = arith.constant 3 : i32
      %add3A_992 = arith.addi %add3A_866, %add3A_991 : i32
      %lt3A_993 = arith.constant 96 : i32
      %lt3A_994 = arith.cmpi slt, %add3A_992, %lt3A_993 : i32
      %convert_element_type3A_995 = arith.extui %lt3A_994 : i1 to i32
      %cond3A_996 = arith.constant 0 : i32
      %cond3A_997 = arith.cmpi ne, %convert_element_type3A_995, %cond3A_996 : i32
      scf.if %cond3A_997 {
        %ge3A = arith.constant 6 : i32
        %ge3A_1133 = arith.cmpi sge, %add3A_992, %ge3A : i32
        %convert_element_type3A_1134 = arith.extui %ge3A_1133 : i1 to i32
        %cond3A_1135 = arith.constant 0 : i32
        %cond3A_1136 = arith.cmpi ne, %convert_element_type3A_1134, %cond3A_1135 : i32
        scf.if %cond3A_1136 {
          %sub3A_1217 = arith.constant 6 : i32
          %sub3A_1218 = arith.subi %add3A_992, %sub3A_1217 : i32
          %jit3A_1219 = arith.constant 3 : i32
          %div3A_1220 = arith.divsi %sub3A_1218, %jit3A_1219 : i32
          %sign3A_1221 = arith.constant 0 : i32
          %sign3A_1222 = arith.cmpi sgt, %sub3A_1218, %sign3A_1221 : i32
          %sign3A_1223 = arith.extui %sign3A_1222 : i1 to i32
          %sign3A_1224 = arith.constant 0 : i32
          %sign3A_1225 = arith.cmpi slt, %sub3A_1218, %sign3A_1224 : i32
          %sign3A_1226 = arith.extui %sign3A_1225 : i1 to i32
          %sign3A_1227 = arith.subi %sign3A_1223, %sign3A_1226 : i32
          %sign3A_1228 = arith.constant 0 : i32
          %sign3A_1229 = arith.cmpi sgt, %jit3A_1219, %sign3A_1228 : i32
          %sign3A_1230 = arith.extui %sign3A_1229 : i1 to i32
          %sign3A_1231 = arith.constant 0 : i32
          %sign3A_1232 = arith.cmpi slt, %jit3A_1219, %sign3A_1231 : i32
          %sign3A_1233 = arith.extui %sign3A_1232 : i1 to i32
          %sign3A_1234 = arith.subi %sign3A_1230, %sign3A_1233 : i32
          %ne3A_1235 = arith.cmpi ne, %sign3A_1227, %sign3A_1234 : i32
          %rem3A_1236 = arith.remsi %sub3A_1218, %jit3A_1219 : i32
          %ne3A_1237 = arith.constant 0 : i32
          %ne3A_1238 = arith.cmpi ne, %rem3A_1236, %ne3A_1237 : i32
          %and3A_1239 = arith.andi %ne3A_1235, %ne3A_1238 : i1
          %sub3A_1240 = arith.constant 1 : i32
          %sub3A_1241 = arith.subi %div3A_1220, %sub3A_1240 : i32
          %select_n3A_1242 = arith.select %and3A_1239, %sub3A_1241, %div3A_1220 : i32
          %mul3A_1243 = arith.constant 4 : i32
          %mul3A_1244 = arith.muli %select_n3A_1242, %mul3A_1243 : i32
          %add3A_1245 = arith.addi %mul3A_61, %mul3A_1244 : i32
          %dma_wait3A_1246 = arith.constant 1 : i32
          %dma_wait3A_1247 = arith.constant 0 : i32
          %dma_wait3A_1248 = arith.constant 0 : i32
          %dma_wait3A_1249 = arith.constant 0 : i32
          %dma_wait3A_1250 = tpu.memref_slice %arg10[%dma_wait3A_1246, %dma_wait3A_1247, %dma_wait3A_1248, %dma_wait3A_1249] : memref<6x4x32x128xf32, #tpu.memory_space<vmem>> -> memref<1x4x32x128xf32, #tpu.memory_space<vmem>>
          %dma_wait3A_1251 = tpu.memref_squeeze %dma_wait3A_1250 : memref<1x4x32x128xf32, #tpu.memory_space<vmem>> -> memref<4x32x128xf32, #tpu.memory_space<vmem>>
          %dma_wait3A_1252 = arith.constant 0 : i32
          %dma_wait3A_1253 = arith.constant 128 : i32
          %dma_wait3A_1254 = tpu.memref_slice %arg6[%add3A_1245, %dma_wait3A_1252, %dma_wait3A_1253] : memref<4096x32x384xf32, #tpu.memory_space<hbm>> -> memref<4x32x128xf32, #tpu.memory_space<hbm>>
          %dma_wait3A_1255 = arith.constant 0 : i32
          %dma_wait3A_1256 = arith.constant 128 : i32
          %dma_wait3A_1257 = tpu.memref_slice %arg6[%add3A_1245, %dma_wait3A_1255, %dma_wait3A_1256] : memref<4096x32x384xf32, #tpu.memory_space<hbm>> -> memref<4x32x128xf32, #tpu.memory_space<hbm>>
          %dma_wait3A_1258 = arith.constant 0 : i32
          %dma_wait3A_1259 = arith.constant 0 : i32
          %dma_wait3A_1260 = arith.constant 0 : i32
          %dma_wait3A_1261 = tpu.memref_slice %arg10[%dma_wait3A_1246, %dma_wait3A_1258, %dma_wait3A_1259, %dma_wait3A_1260] : memref<6x4x32x128xf32, #tpu.memory_space<vmem>> -> memref<1x4x32x128xf32, #tpu.memory_space<vmem>>
          %dma_wait3A_1262 = tpu.memref_squeeze %dma_wait3A_1261 : memref<1x4x32x128xf32, #tpu.memory_space<vmem>> -> memref<4x32x128xf32, #tpu.memory_space<vmem>>
          tpu.wait_dma2 semaphore(%arg20 : memref<!tpu.dma_semaphore, #tpu.memory_space<semaphore_mem>>) src(%dma_wait3A_1262 : memref<4x32x128xf32, #tpu.memory_space<vmem>>) dst(%dma_wait3A_1257 : memref<4x32x128xf32, #tpu.memory_space<hbm>>)
        } else {
        }
        %jit3A_1137 = arith.constant 3 : i32
        %div3A_1138 = arith.divsi %add3A_992, %jit3A_1137 : i32
        %sign3A_1139 = arith.constant 0 : i32
        %sign3A_1140 = arith.cmpi sgt, %add3A_992, %sign3A_1139 : i32
        %sign3A_1141 = arith.extui %sign3A_1140 : i1 to i32
        %sign3A_1142 = arith.constant 0 : i32
        %sign3A_1143 = arith.cmpi slt, %add3A_992, %sign3A_1142 : i32
        %sign3A_1144 = arith.extui %sign3A_1143 : i1 to i32
        %sign3A_1145 = arith.subi %sign3A_1141, %sign3A_1144 : i32
        %sign3A_1146 = arith.constant 0 : i32
        %sign3A_1147 = arith.cmpi sgt, %jit3A_1137, %sign3A_1146 : i32
        %sign3A_1148 = arith.extui %sign3A_1147 : i1 to i32
        %sign3A_1149 = arith.constant 0 : i32
        %sign3A_1150 = arith.cmpi slt, %jit3A_1137, %sign3A_1149 : i32
        %sign3A_1151 = arith.extui %sign3A_1150 : i1 to i32
        %sign3A_1152 = arith.subi %sign3A_1148, %sign3A_1151 : i32
        %ne3A_1153 = arith.cmpi ne, %sign3A_1145, %sign3A_1152 : i32
        %rem3A_1154 = arith.remsi %add3A_992, %jit3A_1137 : i32
        %ne3A_1155 = arith.constant 0 : i32
        %ne3A_1156 = arith.cmpi ne, %rem3A_1154, %ne3A_1155 : i32
        %and3A_1157 = arith.andi %ne3A_1153, %ne3A_1156 : i1
        %sub3A_1158 = arith.constant 1 : i32
        %sub3A_1159 = arith.subi %div3A_1138, %sub3A_1158 : i32
        %select_n3A_1160 = arith.select %and3A_1157, %sub3A_1159, %div3A_1138 : i32
        %mul3A_1161 = arith.constant 128 : i32
        %mul3A_1162 = arith.muli %select_n3A_1160, %mul3A_1161 : i32
        %add3A_1163 = arith.constant 0 : i32
        %add3A_1164 = arith.addi %mul3A_1162, %add3A_1163 : i32
        %dma_start3A_1165 = arith.constant 1 : i32
        %dma_start3A_1166 = arith.constant 0 : i32
        %dma_start3A_1167 = arith.constant 0 : i32
        %dma_start3A_1168 = arith.constant 0 : i32
        %dma_start3A_1169 = tpu.memref_slice %arg10[%dma_start3A_1165, %dma_start3A_1166, %dma_start3A_1167, %dma_start3A_1168] : memref<6x4x32x128xf32, #tpu.memory_space<vmem>> -> memref<1x1x32x128xf32, #tpu.memory_space<vmem>>
        %dma_start3A_1170 = tpu.memref_squeeze %dma_start3A_1169 : memref<1x1x32x128xf32, #tpu.memory_space<vmem>> -> memref<32x128xf32, #tpu.memory_space<vmem>>
        %dma_start3A_1171 = tpu.memref_slice %arg8[%add3A_1164] : memref<4096xi32, #tpu.memory_space<vmem>> -> memref<32xi32, #tpu.memory_space<vmem>>
        %dma_start3A_1172 = arith.constant 0 : i32
        %dma_start3A_1173 = arith.constant 0 : i32
        %dma_start3A_1174 = tpu.memref_slice %arg12[%dma_start3A_1172, %dma_start3A_1173] : memref<128x128xf32, #tpu.memory_space<vmem_shared>> -> memref<128x128xf32, #tpu.memory_space<vmem_shared>>
        tpu.enqueue_indirect_dma source(%dma_start3A_1174 : memref<128x128xf32, #tpu.memory_space<vmem_shared>>) target(%dma_start3A_1170 : memref<32x128xf32, #tpu.memory_space<vmem>>) offsets(%dma_start3A_1171 : memref<32xi32, #tpu.memory_space<vmem>>) semaphore(%arg14 : memref<!tpu.dma_semaphore, #tpu.memory_space<semaphore_mem>>)
        %mul3A_1175 = arith.constant 128 : i32
        %mul3A_1176 = arith.muli %select_n3A_1160, %mul3A_1175 : i32
        %add3A_1177 = arith.constant 32 : i32
        %add3A_1178 = arith.addi %mul3A_1176, %add3A_1177 : i32
        %dma_start3A_1179 = arith.constant 1 : i32
        %dma_start3A_1180 = arith.constant 1 : i32
        %dma_start3A_1181 = arith.constant 0 : i32
        %dma_start3A_1182 = arith.constant 0 : i32
        %dma_start3A_1183 = tpu.memref_slice %arg10[%dma_start3A_1179, %dma_start3A_1180, %dma_start3A_1181, %dma_start3A_1182] : memref<6x4x32x128xf32, #tpu.memory_space<vmem>> -> memref<1x1x32x128xf32, #tpu.memory_space<vmem>>
        %dma_start3A_1184 = tpu.memref_squeeze %dma_start3A_1183 : memref<1x1x32x128xf32, #tpu.memory_space<vmem>> -> memref<32x128xf32, #tpu.memory_space<vmem>>
        %dma_start3A_1185 = tpu.memref_slice %arg8[%add3A_1178] : memref<4096xi32, #tpu.memory_space<vmem>> -> memref<32xi32, #tpu.memory_space<vmem>>
        %dma_start3A_1186 = arith.constant 0 : i32
        %dma_start3A_1187 = arith.constant 0 : i32
        %dma_start3A_1188 = tpu.memref_slice %arg12[%dma_start3A_1186, %dma_start3A_1187] : memref<128x128xf32, #tpu.memory_space<vmem_shared>> -> memref<128x128xf32, #tpu.memory_space<vmem_shared>>
        tpu.enqueue_indirect_dma source(%dma_start3A_1188 : memref<128x128xf32, #tpu.memory_space<vmem_shared>>) target(%dma_start3A_1184 : memref<32x128xf32, #tpu.memory_space<vmem>>) offsets(%dma_start3A_1185 : memref<32xi32, #tpu.memory_space<vmem>>) semaphore(%arg14 : memref<!tpu.dma_semaphore, #tpu.memory_space<semaphore_mem>>)
        %mul3A_1189 = arith.constant 128 : i32
        %mul3A_1190 = arith.muli %select_n3A_1160, %mul3A_1189 : i32
        %add3A_1191 = arith.constant 64 : i32
        %add3A_1192 = arith.addi %mul3A_1190, %add3A_1191 : i32
        %dma_start3A_1193 = arith.constant 1 : i32
        %dma_start3A_1194 = arith.constant 2 : i32
        %dma_start3A_1195 = arith.constant 0 : i32
        %dma_start3A_1196 = arith.constant 0 : i32
        %dma_start3A_1197 = tpu.memref_slice %arg10[%dma_start3A_1193, %dma_start3A_1194, %dma_start3A_1195, %dma_start3A_1196] : memref<6x4x32x128xf32, #tpu.memory_space<vmem>> -> memref<1x1x32x128xf32, #tpu.memory_space<vmem>>
        %dma_start3A_1198 = tpu.memref_squeeze %dma_start3A_1197 : memref<1x1x32x128xf32, #tpu.memory_space<vmem>> -> memref<32x128xf32, #tpu.memory_space<vmem>>
        %dma_start3A_1199 = tpu.memref_slice %arg8[%add3A_1192] : memref<4096xi32, #tpu.memory_space<vmem>> -> memref<32xi32, #tpu.memory_space<vmem>>
        %dma_start3A_1200 = arith.constant 0 : i32
        %dma_start3A_1201 = arith.constant 0 : i32
        %dma_start3A_1202 = tpu.memref_slice %arg12[%dma_start3A_1200, %dma_start3A_1201] : memref<128x128xf32, #tpu.memory_space<vmem_shared>> -> memref<128x128xf32, #tpu.memory_space<vmem_shared>>
        tpu.enqueue_indirect_dma source(%dma_start3A_1202 : memref<128x128xf32, #tpu.memory_space<vmem_shared>>) target(%dma_start3A_1198 : memref<32x128xf32, #tpu.memory_space<vmem>>) offsets(%dma_start3A_1199 : memref<32xi32, #tpu.memory_space<vmem>>) semaphore(%arg14 : memref<!tpu.dma_semaphore, #tpu.memory_space<semaphore_mem>>)
        %mul3A_1203 = arith.constant 128 : i32
        %mul3A_1204 = arith.muli %select_n3A_1160, %mul3A_1203 : i32
        %add3A_1205 = arith.constant 96 : i32
        %add3A_1206 = arith.addi %mul3A_1204, %add3A_1205 : i32
        %dma_start3A_1207 = arith.constant 1 : i32
        %dma_start3A_1208 = arith.constant 3 : i32
        %dma_start3A_1209 = arith.constant 0 : i32
        %dma_start3A_1210 = arith.constant 0 : i32
        %dma_start3A_1211 = tpu.memref_slice %arg10[%dma_start3A_1207, %dma_start3A_1208, %dma_start3A_1209, %dma_start3A_1210] : memref<6x4x32x128xf32, #tpu.memory_space<vmem>> -> memref<1x1x32x128xf32, #tpu.memory_space<vmem>>
        %dma_start3A_1212 = tpu.memref_squeeze %dma_start3A_1211 : memref<1x1x32x128xf32, #tpu.memory_space<vmem>> -> memref<32x128xf32, #tpu.memory_space<vmem>>
        %dma_start3A_1213 = tpu.memref_slice %arg8[%add3A_1206] : memref<4096xi32, #tpu.memory_space<vmem>> -> memref<32xi32, #tpu.memory_space<vmem>>
        %dma_start3A_1214 = arith.constant 0 : i32
        %dma_start3A_1215 = arith.constant 0 : i32
        %dma_start3A_1216 = tpu.memref_slice %arg12[%dma_start3A_1214, %dma_start3A_1215] : memref<128x128xf32, #tpu.memory_space<vmem_shared>> -> memref<128x128xf32, #tpu.memory_space<vmem_shared>>
        tpu.enqueue_indirect_dma source(%dma_start3A_1216 : memref<128x128xf32, #tpu.memory_space<vmem_shared>>) target(%dma_start3A_1212 : memref<32x128xf32, #tpu.memory_space<vmem>>) offsets(%dma_start3A_1213 : memref<32xi32, #tpu.memory_space<vmem>>) semaphore(%arg14 : memref<!tpu.dma_semaphore, #tpu.memory_space<semaphore_mem>>)
      } else {
      }
      %mul3A_998 = arith.constant 6 : i32
      %mul3A_999 = arith.muli %scan3A_322, %mul3A_998 : i32
      %add3A_1000 = arith.constant 5 : i32
      %add3A_1001 = arith.addi %mul3A_999, %add3A_1000 : i32
      %jit3A_1002 = arith.constant 3 : i32
      %div3A_1003 = arith.divsi %add3A_1001, %jit3A_1002 : i32
      %sign3A_1004 = arith.constant 0 : i32
      %sign3A_1005 = arith.cmpi sgt, %add3A_1001, %sign3A_1004 : i32
      %sign3A_1006 = arith.extui %sign3A_1005 : i1 to i32
      %sign3A_1007 = arith.constant 0 : i32
      %sign3A_1008 = arith.cmpi slt, %add3A_1001, %sign3A_1007 : i32
      %sign3A_1009 = arith.extui %sign3A_1008 : i1 to i32
      %sign3A_1010 = arith.subi %sign3A_1006, %sign3A_1009 : i32
      %sign3A_1011 = arith.constant 0 : i32
      %sign3A_1012 = arith.cmpi sgt, %jit3A_1002, %sign3A_1011 : i32
      %sign3A_1013 = arith.extui %sign3A_1012 : i1 to i32
      %sign3A_1014 = arith.constant 0 : i32
      %sign3A_1015 = arith.cmpi slt, %jit3A_1002, %sign3A_1014 : i32
      %sign3A_1016 = arith.extui %sign3A_1015 : i1 to i32
      %sign3A_1017 = arith.subi %sign3A_1013, %sign3A_1016 : i32
      %ne3A_1018 = arith.cmpi ne, %sign3A_1010, %sign3A_1017 : i32
      %rem3A_1019 = arith.remsi %add3A_1001, %jit3A_1002 : i32
      %ne3A_1020 = arith.constant 0 : i32
      %ne3A_1021 = arith.cmpi ne, %rem3A_1019, %ne3A_1020 : i32
      %and3A_1022 = arith.andi %ne3A_1018, %ne3A_1021 : i1
      %sub3A_1023 = arith.constant 1 : i32
      %sub3A_1024 = arith.subi %div3A_1003, %sub3A_1023 : i32
      %select_n3A_1025 = arith.select %and3A_1022, %sub3A_1024, %div3A_1003 : i32
      %mul3A_1026 = arith.constant 128 : i32
      %mul3A_1027 = arith.muli %select_n3A_1025, %mul3A_1026 : i32
      %add3A_1028 = arith.constant 0 : i32
      %add3A_1029 = arith.addi %mul3A_1027, %add3A_1028 : i32
      %dma_wait3A_1030 = arith.constant 5 : i32
      %dma_wait3A_1031 = arith.constant 0 : i32
      %dma_wait3A_1032 = arith.constant 0 : i32
      %dma_wait3A_1033 = arith.constant 0 : i32
      %dma_wait3A_1034 = tpu.memref_slice %arg10[%dma_wait3A_1030, %dma_wait3A_1031, %dma_wait3A_1032, %dma_wait3A_1033] : memref<6x4x32x128xf32, #tpu.memory_space<vmem>> -> memref<1x1x32x128xf32, #tpu.memory_space<vmem>>
      %dma_wait3A_1035 = tpu.memref_squeeze %dma_wait3A_1034 : memref<1x1x32x128xf32, #tpu.memory_space<vmem>> -> memref<32x128xf32, #tpu.memory_space<vmem>>
      %dma_wait3A_1036 = tpu.memref_slice %arg9[%add3A_1029] : memref<4096xi32, #tpu.memory_space<vmem>> -> memref<32xi32, #tpu.memory_space<vmem>>
      %dma_wait3A_1037 = arith.constant 0 : i32
      %dma_wait3A_1038 = arith.constant 0 : i32
      %dma_wait3A_1039 = tpu.memref_slice %arg12[%dma_wait3A_1037, %dma_wait3A_1038] : memref<128x128xf32, #tpu.memory_space<vmem_shared>> -> memref<128x128xf32, #tpu.memory_space<vmem_shared>>
      tpu.wait_indirect_dma semaphore(%arg18 : memref<!tpu.dma_semaphore, #tpu.memory_space<semaphore_mem>>) src(%dma_wait3A_1039 : memref<128x128xf32, #tpu.memory_space<vmem_shared>>) dst(%dma_wait3A_1035 : memref<32x128xf32, #tpu.memory_space<vmem>>)
      %mul3A_1040 = arith.constant 128 : i32
      %mul3A_1041 = arith.muli %select_n3A_1025, %mul3A_1040 : i32
      %add3A_1042 = arith.constant 32 : i32
      %add3A_1043 = arith.addi %mul3A_1041, %add3A_1042 : i32
      %dma_wait3A_1044 = arith.constant 5 : i32
      %dma_wait3A_1045 = arith.constant 1 : i32
      %dma_wait3A_1046 = arith.constant 0 : i32
      %dma_wait3A_1047 = arith.constant 0 : i32
      %dma_wait3A_1048 = tpu.memref_slice %arg10[%dma_wait3A_1044, %dma_wait3A_1045, %dma_wait3A_1046, %dma_wait3A_1047] : memref<6x4x32x128xf32, #tpu.memory_space<vmem>> -> memref<1x1x32x128xf32, #tpu.memory_space<vmem>>
      %dma_wait3A_1049 = tpu.memref_squeeze %dma_wait3A_1048 : memref<1x1x32x128xf32, #tpu.memory_space<vmem>> -> memref<32x128xf32, #tpu.memory_space<vmem>>
      %dma_wait3A_1050 = tpu.memref_slice %arg9[%add3A_1043] : memref<4096xi32, #tpu.memory_space<vmem>> -> memref<32xi32, #tpu.memory_space<vmem>>
      %dma_wait3A_1051 = arith.constant 0 : i32
      %dma_wait3A_1052 = arith.constant 0 : i32
      %dma_wait3A_1053 = tpu.memref_slice %arg12[%dma_wait3A_1051, %dma_wait3A_1052] : memref<128x128xf32, #tpu.memory_space<vmem_shared>> -> memref<128x128xf32, #tpu.memory_space<vmem_shared>>
      tpu.wait_indirect_dma semaphore(%arg18 : memref<!tpu.dma_semaphore, #tpu.memory_space<semaphore_mem>>) src(%dma_wait3A_1053 : memref<128x128xf32, #tpu.memory_space<vmem_shared>>) dst(%dma_wait3A_1049 : memref<32x128xf32, #tpu.memory_space<vmem>>)
      %mul3A_1054 = arith.constant 128 : i32
      %mul3A_1055 = arith.muli %select_n3A_1025, %mul3A_1054 : i32
      %add3A_1056 = arith.constant 64 : i32
      %add3A_1057 = arith.addi %mul3A_1055, %add3A_1056 : i32
      %dma_wait3A_1058 = arith.constant 5 : i32
      %dma_wait3A_1059 = arith.constant 2 : i32
      %dma_wait3A_1060 = arith.constant 0 : i32
      %dma_wait3A_1061 = arith.constant 0 : i32
      %dma_wait3A_1062 = tpu.memref_slice %arg10[%dma_wait3A_1058, %dma_wait3A_1059, %dma_wait3A_1060, %dma_wait3A_1061] : memref<6x4x32x128xf32, #tpu.memory_space<vmem>> -> memref<1x1x32x128xf32, #tpu.memory_space<vmem>>
      %dma_wait3A_1063 = tpu.memref_squeeze %dma_wait3A_1062 : memref<1x1x32x128xf32, #tpu.memory_space<vmem>> -> memref<32x128xf32, #tpu.memory_space<vmem>>
      %dma_wait3A_1064 = tpu.memref_slice %arg9[%add3A_1057] : memref<4096xi32, #tpu.memory_space<vmem>> -> memref<32xi32, #tpu.memory_space<vmem>>
      %dma_wait3A_1065 = arith.constant 0 : i32
      %dma_wait3A_1066 = arith.constant 0 : i32
      %dma_wait3A_1067 = tpu.memref_slice %arg12[%dma_wait3A_1065, %dma_wait3A_1066] : memref<128x128xf32, #tpu.memory_space<vmem_shared>> -> memref<128x128xf32, #tpu.memory_space<vmem_shared>>
      tpu.wait_indirect_dma semaphore(%arg18 : memref<!tpu.dma_semaphore, #tpu.memory_space<semaphore_mem>>) src(%dma_wait3A_1067 : memref<128x128xf32, #tpu.memory_space<vmem_shared>>) dst(%dma_wait3A_1063 : memref<32x128xf32, #tpu.memory_space<vmem>>)
      %mul3A_1068 = arith.constant 128 : i32
      %mul3A_1069 = arith.muli %select_n3A_1025, %mul3A_1068 : i32
      %add3A_1070 = arith.constant 96 : i32
      %add3A_1071 = arith.addi %mul3A_1069, %add3A_1070 : i32
      %dma_wait3A_1072 = arith.constant 5 : i32
      %dma_wait3A_1073 = arith.constant 3 : i32
      %dma_wait3A_1074 = arith.constant 0 : i32
      %dma_wait3A_1075 = arith.constant 0 : i32
      %dma_wait3A_1076 = tpu.memref_slice %arg10[%dma_wait3A_1072, %dma_wait3A_1073, %dma_wait3A_1074, %dma_wait3A_1075] : memref<6x4x32x128xf32, #tpu.memory_space<vmem>> -> memref<1x1x32x128xf32, #tpu.memory_space<vmem>>
      %dma_wait3A_1077 = tpu.memref_squeeze %dma_wait3A_1076 : memref<1x1x32x128xf32, #tpu.memory_space<vmem>> -> memref<32x128xf32, #tpu.memory_space<vmem>>
      %dma_wait3A_1078 = tpu.memref_slice %arg9[%add3A_1071] : memref<4096xi32, #tpu.memory_space<vmem>> -> memref<32xi32, #tpu.memory_space<vmem>>
      %dma_wait3A_1079 = arith.constant 0 : i32
      %dma_wait3A_1080 = arith.constant 0 : i32
      %dma_wait3A_1081 = tpu.memref_slice %arg12[%dma_wait3A_1079, %dma_wait3A_1080] : memref<128x128xf32, #tpu.memory_space<vmem_shared>> -> memref<128x128xf32, #tpu.memory_space<vmem_shared>>
      tpu.wait_indirect_dma semaphore(%arg18 : memref<!tpu.dma_semaphore, #tpu.memory_space<semaphore_mem>>) src(%dma_wait3A_1081 : memref<128x128xf32, #tpu.memory_space<vmem_shared>>) dst(%dma_wait3A_1077 : memref<32x128xf32, #tpu.memory_space<vmem>>)
      %jit3A_1082 = arith.constant 3 : i32
      %div3A_1083 = arith.divsi %add3A_1001, %jit3A_1082 : i32
      %sign3A_1084 = arith.constant 0 : i32
      %sign3A_1085 = arith.cmpi sgt, %add3A_1001, %sign3A_1084 : i32
      %sign3A_1086 = arith.extui %sign3A_1085 : i1 to i32
      %sign3A_1087 = arith.constant 0 : i32
      %sign3A_1088 = arith.cmpi slt, %add3A_1001, %sign3A_1087 : i32
      %sign3A_1089 = arith.extui %sign3A_1088 : i1 to i32
      %sign3A_1090 = arith.subi %sign3A_1086, %sign3A_1089 : i32
      %sign3A_1091 = arith.constant 0 : i32
      %sign3A_1092 = arith.cmpi sgt, %jit3A_1082, %sign3A_1091 : i32
      %sign3A_1093 = arith.extui %sign3A_1092 : i1 to i32
      %sign3A_1094 = arith.constant 0 : i32
      %sign3A_1095 = arith.cmpi slt, %jit3A_1082, %sign3A_1094 : i32
      %sign3A_1096 = arith.extui %sign3A_1095 : i1 to i32
      %sign3A_1097 = arith.subi %sign3A_1093, %sign3A_1096 : i32
      %ne3A_1098 = arith.cmpi ne, %sign3A_1090, %sign3A_1097 : i32
      %rem3A_1099 = arith.remsi %add3A_1001, %jit3A_1082 : i32
      %ne3A_1100 = arith.constant 0 : i32
      %ne3A_1101 = arith.cmpi ne, %rem3A_1099, %ne3A_1100 : i32
      %and3A_1102 = arith.andi %ne3A_1098, %ne3A_1101 : i1
      %sub3A_1103 = arith.constant 1 : i32
      %sub3A_1104 = arith.subi %div3A_1083, %sub3A_1103 : i32
      %select_n3A_1105 = arith.select %and3A_1102, %sub3A_1104, %div3A_1083 : i32
      %mul3A_1106 = arith.constant 4 : i32
      %mul3A_1107 = arith.muli %select_n3A_1105, %mul3A_1106 : i32
      %add3A_1108 = arith.addi %mul3A_61, %mul3A_1107 : i32
      %dma_start3A_1109 = arith.constant 5 : i32
      %dma_start3A_1110 = arith.constant 0 : i32
      %dma_start3A_1111 = arith.constant 0 : i32
      %dma_start3A_1112 = arith.constant 0 : i32
      %dma_start3A_1113 = tpu.memref_slice %arg10[%dma_start3A_1109, %dma_start3A_1110, %dma_start3A_1111, %dma_start3A_1112] : memref<6x4x32x128xf32, #tpu.memory_space<vmem>> -> memref<1x4x32x128xf32, #tpu.memory_space<vmem>>
      %dma_start3A_1114 = tpu.memref_squeeze %dma_start3A_1113 : memref<1x4x32x128xf32, #tpu.memory_space<vmem>> -> memref<4x32x128xf32, #tpu.memory_space<vmem>>
      %dma_start3A_1115 = arith.constant 0 : i32
      %dma_start3A_1116 = arith.constant 256 : i32
      %dma_start3A_1117 = tpu.memref_slice %arg6[%add3A_1108, %dma_start3A_1115, %dma_start3A_1116] : memref<4096x32x384xf32, #tpu.memory_space<hbm>> -> memref<4x32x128xf32, #tpu.memory_space<hbm>>
      %dma_start3A_1118 = arith.constant 0 : i32
      %dma_start3A_1119 = arith.constant 256 : i32
      %dma_start3A_1120 = tpu.memref_slice %arg6[%add3A_1108, %dma_start3A_1118, %dma_start3A_1119] : memref<4096x32x384xf32, #tpu.memory_space<hbm>> -> memref<4x32x128xf32, #tpu.memory_space<hbm>>
      %dma_start3A_1121 = arith.constant 0 : i32
      %dma_start3A_1122 = arith.constant 0 : i32
      %dma_start3A_1123 = arith.constant 0 : i32
      %dma_start3A_1124 = tpu.memref_slice %arg10[%dma_start3A_1109, %dma_start3A_1121, %dma_start3A_1122, %dma_start3A_1123] : memref<6x4x32x128xf32, #tpu.memory_space<vmem>> -> memref<1x4x32x128xf32, #tpu.memory_space<vmem>>
      %dma_start3A_1125 = tpu.memref_squeeze %dma_start3A_1124 : memref<1x4x32x128xf32, #tpu.memory_space<vmem>> -> memref<4x32x128xf32, #tpu.memory_space<vmem>>
      tpu.enqueue_dma source(%dma_start3A_1125 : memref<4x32x128xf32, #tpu.memory_space<vmem>>) target(%dma_start3A_1120 : memref<4x32x128xf32, #tpu.memory_space<hbm>>) target_semaphore(%arg24 : memref<!tpu.dma_semaphore, #tpu.memory_space<semaphore_mem>>)
      %add3A_1126 = arith.constant 3 : i32
      %add3A_1127 = arith.addi %add3A_1001, %add3A_1126 : i32
      %lt3A_1128 = arith.constant 96 : i32
      %lt3A_1129 = arith.cmpi slt, %add3A_1127, %lt3A_1128 : i32
      %convert_element_type3A_1130 = arith.extui %lt3A_1129 : i1 to i32
      %cond3A_1131 = arith.constant 0 : i32
      %cond3A_1132 = arith.cmpi ne, %convert_element_type3A_1130, %cond3A_1131 : i32
      scf.if %cond3A_1132 {
        %ge3A = arith.constant 6 : i32
        %ge3A_1133 = arith.cmpi sge, %add3A_1127, %ge3A : i32
        %convert_element_type3A_1134 = arith.extui %ge3A_1133 : i1 to i32
        %cond3A_1135 = arith.constant 0 : i32
        %cond3A_1136 = arith.cmpi ne, %convert_element_type3A_1134, %cond3A_1135 : i32
        scf.if %cond3A_1136 {
          %sub3A_1217 = arith.constant 6 : i32
          %sub3A_1218 = arith.subi %add3A_1127, %sub3A_1217 : i32
          %jit3A_1219 = arith.constant 3 : i32
          %div3A_1220 = arith.divsi %sub3A_1218, %jit3A_1219 : i32
          %sign3A_1221 = arith.constant 0 : i32
          %sign3A_1222 = arith.cmpi sgt, %sub3A_1218, %sign3A_1221 : i32
          %sign3A_1223 = arith.extui %sign3A_1222 : i1 to i32
          %sign3A_1224 = arith.constant 0 : i32
          %sign3A_1225 = arith.cmpi slt, %sub3A_1218, %sign3A_1224 : i32
          %sign3A_1226 = arith.extui %sign3A_1225 : i1 to i32
          %sign3A_1227 = arith.subi %sign3A_1223, %sign3A_1226 : i32
          %sign3A_1228 = arith.constant 0 : i32
          %sign3A_1229 = arith.cmpi sgt, %jit3A_1219, %sign3A_1228 : i32
          %sign3A_1230 = arith.extui %sign3A_1229 : i1 to i32
          %sign3A_1231 = arith.constant 0 : i32
          %sign3A_1232 = arith.cmpi slt, %jit3A_1219, %sign3A_1231 : i32
          %sign3A_1233 = arith.extui %sign3A_1232 : i1 to i32
          %sign3A_1234 = arith.subi %sign3A_1230, %sign3A_1233 : i32
          %ne3A_1235 = arith.cmpi ne, %sign3A_1227, %sign3A_1234 : i32
          %rem3A_1236 = arith.remsi %sub3A_1218, %jit3A_1219 : i32
          %ne3A_1237 = arith.constant 0 : i32
          %ne3A_1238 = arith.cmpi ne, %rem3A_1236, %ne3A_1237 : i32
          %and3A_1239 = arith.andi %ne3A_1235, %ne3A_1238 : i1
          %sub3A_1240 = arith.constant 1 : i32
          %sub3A_1241 = arith.subi %div3A_1220, %sub3A_1240 : i32
          %select_n3A_1242 = arith.select %and3A_1239, %sub3A_1241, %div3A_1220 : i32
          %mul3A_1243 = arith.constant 4 : i32
          %mul3A_1244 = arith.muli %select_n3A_1242, %mul3A_1243 : i32
          %add3A_1245 = arith.addi %mul3A_61, %mul3A_1244 : i32
          %dma_wait3A_1246 = arith.constant 2 : i32
          %dma_wait3A_1247 = arith.constant 0 : i32
          %dma_wait3A_1248 = arith.constant 0 : i32
          %dma_wait3A_1249 = arith.constant 0 : i32
          %dma_wait3A_1250 = tpu.memref_slice %arg10[%dma_wait3A_1246, %dma_wait3A_1247, %dma_wait3A_1248, %dma_wait3A_1249] : memref<6x4x32x128xf32, #tpu.memory_space<vmem>> -> memref<1x4x32x128xf32, #tpu.memory_space<vmem>>
          %dma_wait3A_1251 = tpu.memref_squeeze %dma_wait3A_1250 : memref<1x4x32x128xf32, #tpu.memory_space<vmem>> -> memref<4x32x128xf32, #tpu.memory_space<vmem>>
          %dma_wait3A_1252 = arith.constant 0 : i32
          %dma_wait3A_1253 = arith.constant 256 : i32
          %dma_wait3A_1254 = tpu.memref_slice %arg6[%add3A_1245, %dma_wait3A_1252, %dma_wait3A_1253] : memref<4096x32x384xf32, #tpu.memory_space<hbm>> -> memref<4x32x128xf32, #tpu.memory_space<hbm>>
          %dma_wait3A_1255 = arith.constant 0 : i32
          %dma_wait3A_1256 = arith.constant 256 : i32
          %dma_wait3A_1257 = tpu.memref_slice %arg6[%add3A_1245, %dma_wait3A_1255, %dma_wait3A_1256] : memref<4096x32x384xf32, #tpu.memory_space<hbm>> -> memref<4x32x128xf32, #tpu.memory_space<hbm>>
          %dma_wait3A_1258 = arith.constant 0 : i32
          %dma_wait3A_1259 = arith.constant 0 : i32
          %dma_wait3A_1260 = arith.constant 0 : i32
          %dma_wait3A_1261 = tpu.memref_slice %arg10[%dma_wait3A_1246, %dma_wait3A_1258, %dma_wait3A_1259, %dma_wait3A_1260] : memref<6x4x32x128xf32, #tpu.memory_space<vmem>> -> memref<1x4x32x128xf32, #tpu.memory_space<vmem>>
          %dma_wait3A_1262 = tpu.memref_squeeze %dma_wait3A_1261 : memref<1x4x32x128xf32, #tpu.memory_space<vmem>> -> memref<4x32x128xf32, #tpu.memory_space<vmem>>
          tpu.wait_dma2 semaphore(%arg21 : memref<!tpu.dma_semaphore, #tpu.memory_space<semaphore_mem>>) src(%dma_wait3A_1262 : memref<4x32x128xf32, #tpu.memory_space<vmem>>) dst(%dma_wait3A_1257 : memref<4x32x128xf32, #tpu.memory_space<hbm>>)
        } else {
        }
        %jit3A_1137 = arith.constant 3 : i32
        %div3A_1138 = arith.divsi %add3A_1127, %jit3A_1137 : i32
        %sign3A_1139 = arith.constant 0 : i32
        %sign3A_1140 = arith.cmpi sgt, %add3A_1127, %sign3A_1139 : i32
        %sign3A_1141 = arith.extui %sign3A_1140 : i1 to i32
        %sign3A_1142 = arith.constant 0 : i32
        %sign3A_1143 = arith.cmpi slt, %add3A_1127, %sign3A_1142 : i32
        %sign3A_1144 = arith.extui %sign3A_1143 : i1 to i32
        %sign3A_1145 = arith.subi %sign3A_1141, %sign3A_1144 : i32
        %sign3A_1146 = arith.constant 0 : i32
        %sign3A_1147 = arith.cmpi sgt, %jit3A_1137, %sign3A_1146 : i32
        %sign3A_1148 = arith.extui %sign3A_1147 : i1 to i32
        %sign3A_1149 = arith.constant 0 : i32
        %sign3A_1150 = arith.cmpi slt, %jit3A_1137, %sign3A_1149 : i32
        %sign3A_1151 = arith.extui %sign3A_1150 : i1 to i32
        %sign3A_1152 = arith.subi %sign3A_1148, %sign3A_1151 : i32
        %ne3A_1153 = arith.cmpi ne, %sign3A_1145, %sign3A_1152 : i32
        %rem3A_1154 = arith.remsi %add3A_1127, %jit3A_1137 : i32
        %ne3A_1155 = arith.constant 0 : i32
        %ne3A_1156 = arith.cmpi ne, %rem3A_1154, %ne3A_1155 : i32
        %and3A_1157 = arith.andi %ne3A_1153, %ne3A_1156 : i1
        %sub3A_1158 = arith.constant 1 : i32
        %sub3A_1159 = arith.subi %div3A_1138, %sub3A_1158 : i32
        %select_n3A_1160 = arith.select %and3A_1157, %sub3A_1159, %div3A_1138 : i32
        %mul3A_1161 = arith.constant 128 : i32
        %mul3A_1162 = arith.muli %select_n3A_1160, %mul3A_1161 : i32
        %add3A_1163 = arith.constant 0 : i32
        %add3A_1164 = arith.addi %mul3A_1162, %add3A_1163 : i32
        %dma_start3A_1165 = arith.constant 2 : i32
        %dma_start3A_1166 = arith.constant 0 : i32
        %dma_start3A_1167 = arith.constant 0 : i32
        %dma_start3A_1168 = arith.constant 0 : i32
        %dma_start3A_1169 = tpu.memref_slice %arg10[%dma_start3A_1165, %dma_start3A_1166, %dma_start3A_1167, %dma_start3A_1168] : memref<6x4x32x128xf32, #tpu.memory_space<vmem>> -> memref<1x1x32x128xf32, #tpu.memory_space<vmem>>
        %dma_start3A_1170 = tpu.memref_squeeze %dma_start3A_1169 : memref<1x1x32x128xf32, #tpu.memory_space<vmem>> -> memref<32x128xf32, #tpu.memory_space<vmem>>
        %dma_start3A_1171 = tpu.memref_slice %arg9[%add3A_1164] : memref<4096xi32, #tpu.memory_space<vmem>> -> memref<32xi32, #tpu.memory_space<vmem>>
        %dma_start3A_1172 = arith.constant 0 : i32
        %dma_start3A_1173 = arith.constant 0 : i32
        %dma_start3A_1174 = tpu.memref_slice %arg12[%dma_start3A_1172, %dma_start3A_1173] : memref<128x128xf32, #tpu.memory_space<vmem_shared>> -> memref<128x128xf32, #tpu.memory_space<vmem_shared>>
        tpu.enqueue_indirect_dma source(%dma_start3A_1174 : memref<128x128xf32, #tpu.memory_space<vmem_shared>>) target(%dma_start3A_1170 : memref<32x128xf32, #tpu.memory_space<vmem>>) offsets(%dma_start3A_1171 : memref<32xi32, #tpu.memory_space<vmem>>) semaphore(%arg15 : memref<!tpu.dma_semaphore, #tpu.memory_space<semaphore_mem>>)
        %mul3A_1175 = arith.constant 128 : i32
        %mul3A_1176 = arith.muli %select_n3A_1160, %mul3A_1175 : i32
        %add3A_1177 = arith.constant 32 : i32
        %add3A_1178 = arith.addi %mul3A_1176, %add3A_1177 : i32
        %dma_start3A_1179 = arith.constant 2 : i32
        %dma_start3A_1180 = arith.constant 1 : i32
        %dma_start3A_1181 = arith.constant 0 : i32
        %dma_start3A_1182 = arith.constant 0 : i32
        %dma_start3A_1183 = tpu.memref_slice %arg10[%dma_start3A_1179, %dma_start3A_1180, %dma_start3A_1181, %dma_start3A_1182] : memref<6x4x32x128xf32, #tpu.memory_space<vmem>> -> memref<1x1x32x128xf32, #tpu.memory_space<vmem>>
        %dma_start3A_1184 = tpu.memref_squeeze %dma_start3A_1183 : memref<1x1x32x128xf32, #tpu.memory_space<vmem>> -> memref<32x128xf32, #tpu.memory_space<vmem>>
        %dma_start3A_1185 = tpu.memref_slice %arg9[%add3A_1178] : memref<4096xi32, #tpu.memory_space<vmem>> -> memref<32xi32, #tpu.memory_space<vmem>>
        %dma_start3A_1186 = arith.constant 0 : i32
        %dma_start3A_1187 = arith.constant 0 : i32
        %dma_start3A_1188 = tpu.memref_slice %arg12[%dma_start3A_1186, %dma_start3A_1187] : memref<128x128xf32, #tpu.memory_space<vmem_shared>> -> memref<128x128xf32, #tpu.memory_space<vmem_shared>>
        tpu.enqueue_indirect_dma source(%dma_start3A_1188 : memref<128x128xf32, #tpu.memory_space<vmem_shared>>) target(%dma_start3A_1184 : memref<32x128xf32, #tpu.memory_space<vmem>>) offsets(%dma_start3A_1185 : memref<32xi32, #tpu.memory_space<vmem>>) semaphore(%arg15 : memref<!tpu.dma_semaphore, #tpu.memory_space<semaphore_mem>>)
        %mul3A_1189 = arith.constant 128 : i32
        %mul3A_1190 = arith.muli %select_n3A_1160, %mul3A_1189 : i32
        %add3A_1191 = arith.constant 64 : i32
        %add3A_1192 = arith.addi %mul3A_1190, %add3A_1191 : i32
        %dma_start3A_1193 = arith.constant 2 : i32
        %dma_start3A_1194 = arith.constant 2 : i32
        %dma_start3A_1195 = arith.constant 0 : i32
        %dma_start3A_1196 = arith.constant 0 : i32
        %dma_start3A_1197 = tpu.memref_slice %arg10[%dma_start3A_1193, %dma_start3A_1194, %dma_start3A_1195, %dma_start3A_1196] : memref<6x4x32x128xf32, #tpu.memory_space<vmem>> -> memref<1x1x32x128xf32, #tpu.memory_space<vmem>>
        %dma_start3A_1198 = tpu.memref_squeeze %dma_start3A_1197 : memref<1x1x32x128xf32, #tpu.memory_space<vmem>> -> memref<32x128xf32, #tpu.memory_space<vmem>>
        %dma_start3A_1199 = tpu.memref_slice %arg9[%add3A_1192] : memref<4096xi32, #tpu.memory_space<vmem>> -> memref<32xi32, #tpu.memory_space<vmem>>
        %dma_start3A_1200 = arith.constant 0 : i32
        %dma_start3A_1201 = arith.constant 0 : i32
        %dma_start3A_1202 = tpu.memref_slice %arg12[%dma_start3A_1200, %dma_start3A_1201] : memref<128x128xf32, #tpu.memory_space<vmem_shared>> -> memref<128x128xf32, #tpu.memory_space<vmem_shared>>
        tpu.enqueue_indirect_dma source(%dma_start3A_1202 : memref<128x128xf32, #tpu.memory_space<vmem_shared>>) target(%dma_start3A_1198 : memref<32x128xf32, #tpu.memory_space<vmem>>) offsets(%dma_start3A_1199 : memref<32xi32, #tpu.memory_space<vmem>>) semaphore(%arg15 : memref<!tpu.dma_semaphore, #tpu.memory_space<semaphore_mem>>)
        %mul3A_1203 = arith.constant 128 : i32
        %mul3A_1204 = arith.muli %select_n3A_1160, %mul3A_1203 : i32
        %add3A_1205 = arith.constant 96 : i32
        %add3A_1206 = arith.addi %mul3A_1204, %add3A_1205 : i32
        %dma_start3A_1207 = arith.constant 2 : i32
        %dma_start3A_1208 = arith.constant 3 : i32
        %dma_start3A_1209 = arith.constant 0 : i32
        %dma_start3A_1210 = arith.constant 0 : i32
        %dma_start3A_1211 = tpu.memref_slice %arg10[%dma_start3A_1207, %dma_start3A_1208, %dma_start3A_1209, %dma_start3A_1210] : memref<6x4x32x128xf32, #tpu.memory_space<vmem>> -> memref<1x1x32x128xf32, #tpu.memory_space<vmem>>
        %dma_start3A_1212 = tpu.memref_squeeze %dma_start3A_1211 : memref<1x1x32x128xf32, #tpu.memory_space<vmem>> -> memref<32x128xf32, #tpu.memory_space<vmem>>
        %dma_start3A_1213 = tpu.memref_slice %arg9[%add3A_1206] : memref<4096xi32, #tpu.memory_space<vmem>> -> memref<32xi32, #tpu.memory_space<vmem>>
        %dma_start3A_1214 = arith.constant 0 : i32
        %dma_start3A_1215 = arith.constant 0 : i32
        %dma_start3A_1216 = tpu.memref_slice %arg12[%dma_start3A_1214, %dma_start3A_1215] : memref<128x128xf32, #tpu.memory_space<vmem_shared>> -> memref<128x128xf32, #tpu.memory_space<vmem_shared>>
        tpu.enqueue_indirect_dma source(%dma_start3A_1216 : memref<128x128xf32, #tpu.memory_space<vmem_shared>>) target(%dma_start3A_1212 : memref<32x128xf32, #tpu.memory_space<vmem>>) offsets(%dma_start3A_1213 : memref<32xi32, #tpu.memory_space<vmem>>) semaphore(%arg15 : memref<!tpu.dma_semaphore, #tpu.memory_space<semaphore_mem>>)
      } else {
      }
    }
    %scan3A_208 = arith.constant 16 : i32
    %add3A_209 = arith.constant 120 : i32
    %add3A_210 = arith.addi %mul3A_61, %add3A_209 : i32
    %dma_wait3A = arith.constant 0 : i32
    %dma_wait3A_211 = arith.constant 0 : i32
    %dma_wait3A_212 = arith.constant 0 : i32
    %dma_wait3A_213 = arith.constant 0 : i32
    %dma_wait3A_214 = tpu.memref_slice %arg10[%dma_wait3A, %dma_wait3A_211, %dma_wait3A_212, %dma_wait3A_213] : memref<6x4x32x128xf32, #tpu.memory_space<vmem>> -> memref<1x4x32x128xf32, #tpu.memory_space<vmem>>
    %dma_wait3A_215 = tpu.memref_squeeze %dma_wait3A_214 : memref<1x4x32x128xf32, #tpu.memory_space<vmem>> -> memref<4x32x128xf32, #tpu.memory_space<vmem>>
    %dma_wait3A_216 = arith.constant 0 : i32
    %dma_wait3A_217 = arith.constant 0 : i32
    %dma_wait3A_218 = tpu.memref_slice %arg6[%add3A_210, %dma_wait3A_216, %dma_wait3A_217] : memref<4096x32x384xf32, #tpu.memory_space<hbm>> -> memref<4x32x128xf32, #tpu.memory_space<hbm>>
    %dma_wait3A_219 = arith.constant 0 : i32
    %dma_wait3A_220 = arith.constant 0 : i32
    %dma_wait3A_221 = tpu.memref_slice %arg6[%add3A_210, %dma_wait3A_219, %dma_wait3A_220] : memref<4096x32x384xf32, #tpu.memory_space<hbm>> -> memref<4x32x128xf32, #tpu.memory_space<hbm>>
    %dma_wait3A_222 = arith.constant 0 : i32
    %dma_wait3A_223 = arith.constant 0 : i32
    %dma_wait3A_224 = arith.constant 0 : i32
    %dma_wait3A_225 = tpu.memref_slice %arg10[%dma_wait3A, %dma_wait3A_222, %dma_wait3A_223, %dma_wait3A_224] : memref<6x4x32x128xf32, #tpu.memory_space<vmem>> -> memref<1x4x32x128xf32, #tpu.memory_space<vmem>>
    %dma_wait3A_226 = tpu.memref_squeeze %dma_wait3A_225 : memref<1x4x32x128xf32, #tpu.memory_space<vmem>> -> memref<4x32x128xf32, #tpu.memory_space<vmem>>
    tpu.wait_dma2 semaphore(%arg19 : memref<!tpu.dma_semaphore, #tpu.memory_space<semaphore_mem>>) src(%dma_wait3A_226 : memref<4x32x128xf32, #tpu.memory_space<vmem>>) dst(%dma_wait3A_221 : memref<4x32x128xf32, #tpu.memory_space<hbm>>)
    %add3A_227 = arith.constant 120 : i32
    %add3A_228 = arith.addi %mul3A_61, %add3A_227 : i32
    %dma_wait3A_229 = arith.constant 1 : i32
    %dma_wait3A_230 = arith.constant 0 : i32
    %dma_wait3A_231 = arith.constant 0 : i32
    %dma_wait3A_232 = arith.constant 0 : i32
    %dma_wait3A_233 = tpu.memref_slice %arg10[%dma_wait3A_229, %dma_wait3A_230, %dma_wait3A_231, %dma_wait3A_232] : memref<6x4x32x128xf32, #tpu.memory_space<vmem>> -> memref<1x4x32x128xf32, #tpu.memory_space<vmem>>
    %dma_wait3A_234 = tpu.memref_squeeze %dma_wait3A_233 : memref<1x4x32x128xf32, #tpu.memory_space<vmem>> -> memref<4x32x128xf32, #tpu.memory_space<vmem>>
    %dma_wait3A_235 = arith.constant 0 : i32
    %dma_wait3A_236 = arith.constant 128 : i32
    %dma_wait3A_237 = tpu.memref_slice %arg6[%add3A_228, %dma_wait3A_235, %dma_wait3A_236] : memref<4096x32x384xf32, #tpu.memory_space<hbm>> -> memref<4x32x128xf32, #tpu.memory_space<hbm>>
    %dma_wait3A_238 = arith.constant 0 : i32
    %dma_wait3A_239 = arith.constant 128 : i32
    %dma_wait3A_240 = tpu.memref_slice %arg6[%add3A_228, %dma_wait3A_238, %dma_wait3A_239] : memref<4096x32x384xf32, #tpu.memory_space<hbm>> -> memref<4x32x128xf32, #tpu.memory_space<hbm>>
    %dma_wait3A_241 = arith.constant 0 : i32
    %dma_wait3A_242 = arith.constant 0 : i32
    %dma_wait3A_243 = arith.constant 0 : i32
    %dma_wait3A_244 = tpu.memref_slice %arg10[%dma_wait3A_229, %dma_wait3A_241, %dma_wait3A_242, %dma_wait3A_243] : memref<6x4x32x128xf32, #tpu.memory_space<vmem>> -> memref<1x4x32x128xf32, #tpu.memory_space<vmem>>
    %dma_wait3A_245 = tpu.memref_squeeze %dma_wait3A_244 : memref<1x4x32x128xf32, #tpu.memory_space<vmem>> -> memref<4x32x128xf32, #tpu.memory_space<vmem>>
    tpu.wait_dma2 semaphore(%arg20 : memref<!tpu.dma_semaphore, #tpu.memory_space<semaphore_mem>>) src(%dma_wait3A_245 : memref<4x32x128xf32, #tpu.memory_space<vmem>>) dst(%dma_wait3A_240 : memref<4x32x128xf32, #tpu.memory_space<hbm>>)
    %add3A_246 = arith.constant 120 : i32
    %add3A_247 = arith.addi %mul3A_61, %add3A_246 : i32
    %dma_wait3A_248 = arith.constant 2 : i32
    %dma_wait3A_249 = arith.constant 0 : i32
    %dma_wait3A_250 = arith.constant 0 : i32
    %dma_wait3A_251 = arith.constant 0 : i32
    %dma_wait3A_252 = tpu.memref_slice %arg10[%dma_wait3A_248, %dma_wait3A_249, %dma_wait3A_250, %dma_wait3A_251] : memref<6x4x32x128xf32, #tpu.memory_space<vmem>> -> memref<1x4x32x128xf32, #tpu.memory_space<vmem>>
    %dma_wait3A_253 = tpu.memref_squeeze %dma_wait3A_252 : memref<1x4x32x128xf32, #tpu.memory_space<vmem>> -> memref<4x32x128xf32, #tpu.memory_space<vmem>>
    %dma_wait3A_254 = arith.constant 0 : i32
    %dma_wait3A_255 = arith.constant 256 : i32
    %dma_wait3A_256 = tpu.memref_slice %arg6[%add3A_247, %dma_wait3A_254, %dma_wait3A_255] : memref<4096x32x384xf32, #tpu.memory_space<hbm>> -> memref<4x32x128xf32, #tpu.memory_space<hbm>>
    %dma_wait3A_257 = arith.constant 0 : i32
    %dma_wait3A_258 = arith.constant 256 : i32
    %dma_wait3A_259 = tpu.memref_slice %arg6[%add3A_247, %dma_wait3A_257, %dma_wait3A_258] : memref<4096x32x384xf32, #tpu.memory_space<hbm>> -> memref<4x32x128xf32, #tpu.memory_space<hbm>>
    %dma_wait3A_260 = arith.constant 0 : i32
    %dma_wait3A_261 = arith.constant 0 : i32
    %dma_wait3A_262 = arith.constant 0 : i32
    %dma_wait3A_263 = tpu.memref_slice %arg10[%dma_wait3A_248, %dma_wait3A_260, %dma_wait3A_261, %dma_wait3A_262] : memref<6x4x32x128xf32, #tpu.memory_space<vmem>> -> memref<1x4x32x128xf32, #tpu.memory_space<vmem>>
    %dma_wait3A_264 = tpu.memref_squeeze %dma_wait3A_263 : memref<1x4x32x128xf32, #tpu.memory_space<vmem>> -> memref<4x32x128xf32, #tpu.memory_space<vmem>>
    tpu.wait_dma2 semaphore(%arg21 : memref<!tpu.dma_semaphore, #tpu.memory_space<semaphore_mem>>) src(%dma_wait3A_264 : memref<4x32x128xf32, #tpu.memory_space<vmem>>) dst(%dma_wait3A_259 : memref<4x32x128xf32, #tpu.memory_space<hbm>>)
    %add3A_265 = arith.constant 124 : i32
    %add3A_266 = arith.addi %mul3A_61, %add3A_265 : i32
    %dma_wait3A_267 = arith.constant 3 : i32
    %dma_wait3A_268 = arith.constant 0 : i32
    %dma_wait3A_269 = arith.constant 0 : i32
    %dma_wait3A_270 = arith.constant 0 : i32
    %dma_wait3A_271 = tpu.memref_slice %arg10[%dma_wait3A_267, %dma_wait3A_268, %dma_wait3A_269, %dma_wait3A_270] : memref<6x4x32x128xf32, #tpu.memory_space<vmem>> -> memref<1x4x32x128xf32, #tpu.memory_space<vmem>>
    %dma_wait3A_272 = tpu.memref_squeeze %dma_wait3A_271 : memref<1x4x32x128xf32, #tpu.memory_space<vmem>> -> memref<4x32x128xf32, #tpu.memory_space<vmem>>
    %dma_wait3A_273 = arith.constant 0 : i32
    %dma_wait3A_274 = arith.constant 0 : i32
    %dma_wait3A_275 = tpu.memref_slice %arg6[%add3A_266, %dma_wait3A_273, %dma_wait3A_274] : memref<4096x32x384xf32, #tpu.memory_space<hbm>> -> memref<4x32x128xf32, #tpu.memory_space<hbm>>
    %dma_wait3A_276 = arith.constant 0 : i32
    %dma_wait3A_277 = arith.constant 0 : i32
    %dma_wait3A_278 = tpu.memref_slice %arg6[%add3A_266, %dma_wait3A_276, %dma_wait3A_277] : memref<4096x32x384xf32, #tpu.memory_space<hbm>> -> memref<4x32x128xf32, #tpu.memory_space<hbm>>
    %dma_wait3A_279 = arith.constant 0 : i32
    %dma_wait3A_280 = arith.constant 0 : i32
    %dma_wait3A_281 = arith.constant 0 : i32
    %dma_wait3A_282 = tpu.memref_slice %arg10[%dma_wait3A_267, %dma_wait3A_279, %dma_wait3A_280, %dma_wait3A_281] : memref<6x4x32x128xf32, #tpu.memory_space<vmem>> -> memref<1x4x32x128xf32, #tpu.memory_space<vmem>>
    %dma_wait3A_283 = tpu.memref_squeeze %dma_wait3A_282 : memref<1x4x32x128xf32, #tpu.memory_space<vmem>> -> memref<4x32x128xf32, #tpu.memory_space<vmem>>
    tpu.wait_dma2 semaphore(%arg22 : memref<!tpu.dma_semaphore, #tpu.memory_space<semaphore_mem>>) src(%dma_wait3A_283 : memref<4x32x128xf32, #tpu.memory_space<vmem>>) dst(%dma_wait3A_278 : memref<4x32x128xf32, #tpu.memory_space<hbm>>)
    %add3A_284 = arith.constant 124 : i32
    %add3A_285 = arith.addi %mul3A_61, %add3A_284 : i32
    %dma_wait3A_286 = arith.constant 4 : i32
    %dma_wait3A_287 = arith.constant 0 : i32
    %dma_wait3A_288 = arith.constant 0 : i32
    %dma_wait3A_289 = arith.constant 0 : i32
    %dma_wait3A_290 = tpu.memref_slice %arg10[%dma_wait3A_286, %dma_wait3A_287, %dma_wait3A_288, %dma_wait3A_289] : memref<6x4x32x128xf32, #tpu.memory_space<vmem>> -> memref<1x4x32x128xf32, #tpu.memory_space<vmem>>
    %dma_wait3A_291 = tpu.memref_squeeze %dma_wait3A_290 : memref<1x4x32x128xf32, #tpu.memory_space<vmem>> -> memref<4x32x128xf32, #tpu.memory_space<vmem>>
    %dma_wait3A_292 = arith.constant 0 : i32
    %dma_wait3A_293 = arith.constant 128 : i32
    %dma_wait3A_294 = tpu.memref_slice %arg6[%add3A_285, %dma_wait3A_292, %dma_wait3A_293] : memref<4096x32x384xf32, #tpu.memory_space<hbm>> -> memref<4x32x128xf32, #tpu.memory_space<hbm>>
    %dma_wait3A_295 = arith.constant 0 : i32
    %dma_wait3A_296 = arith.constant 128 : i32
    %dma_wait3A_297 = tpu.memref_slice %arg6[%add3A_285, %dma_wait3A_295, %dma_wait3A_296] : memref<4096x32x384xf32, #tpu.memory_space<hbm>> -> memref<4x32x128xf32, #tpu.memory_space<hbm>>
    %dma_wait3A_298 = arith.constant 0 : i32
    %dma_wait3A_299 = arith.constant 0 : i32
    %dma_wait3A_300 = arith.constant 0 : i32
    %dma_wait3A_301 = tpu.memref_slice %arg10[%dma_wait3A_286, %dma_wait3A_298, %dma_wait3A_299, %dma_wait3A_300] : memref<6x4x32x128xf32, #tpu.memory_space<vmem>> -> memref<1x4x32x128xf32, #tpu.memory_space<vmem>>
    %dma_wait3A_302 = tpu.memref_squeeze %dma_wait3A_301 : memref<1x4x32x128xf32, #tpu.memory_space<vmem>> -> memref<4x32x128xf32, #tpu.memory_space<vmem>>
    tpu.wait_dma2 semaphore(%arg23 : memref<!tpu.dma_semaphore, #tpu.memory_space<semaphore_mem>>) src(%dma_wait3A_302 : memref<4x32x128xf32, #tpu.memory_space<vmem>>) dst(%dma_wait3A_297 : memref<4x32x128xf32, #tpu.memory_space<hbm>>)
    %add3A_303 = arith.constant 124 : i32
    %add3A_304 = arith.addi %mul3A_61, %add3A_303 : i32
    %dma_wait3A_305 = arith.constant 5 : i32
    %dma_wait3A_306 = arith.constant 0 : i32
    %dma_wait3A_307 = arith.constant 0 : i32
    %dma_wait3A_308 = arith.constant 0 : i32
    %dma_wait3A_309 = tpu.memref_slice %arg10[%dma_wait3A_305, %dma_wait3A_306, %dma_wait3A_307, %dma_wait3A_308] : memref<6x4x32x128xf32, #tpu.memory_space<vmem>> -> memref<1x4x32x128xf32, #tpu.memory_space<vmem>>
    %dma_wait3A_310 = tpu.memref_squeeze %dma_wait3A_309 : memref<1x4x32x128xf32, #tpu.memory_space<vmem>> -> memref<4x32x128xf32, #tpu.memory_space<vmem>>
    %dma_wait3A_311 = arith.constant 0 : i32
    %dma_wait3A_312 = arith.constant 256 : i32
    %dma_wait3A_313 = tpu.memref_slice %arg6[%add3A_304, %dma_wait3A_311, %dma_wait3A_312] : memref<4096x32x384xf32, #tpu.memory_space<hbm>> -> memref<4x32x128xf32, #tpu.memory_space<hbm>>
    %dma_wait3A_314 = arith.constant 0 : i32
    %dma_wait3A_315 = arith.constant 256 : i32
    %dma_wait3A_316 = tpu.memref_slice %arg6[%add3A_304, %dma_wait3A_314, %dma_wait3A_315] : memref<4096x32x384xf32, #tpu.memory_space<hbm>> -> memref<4x32x128xf32, #tpu.memory_space<hbm>>
    %dma_wait3A_317 = arith.constant 0 : i32
    %dma_wait3A_318 = arith.constant 0 : i32
    %dma_wait3A_319 = arith.constant 0 : i32
    %dma_wait3A_320 = tpu.memref_slice %arg10[%dma_wait3A_305, %dma_wait3A_317, %dma_wait3A_318, %dma_wait3A_319] : memref<6x4x32x128xf32, #tpu.memory_space<vmem>> -> memref<1x4x32x128xf32, #tpu.memory_space<vmem>>
    %dma_wait3A_321 = tpu.memref_squeeze %dma_wait3A_320 : memref<1x4x32x128xf32, #tpu.memory_space<vmem>> -> memref<4x32x128xf32, #tpu.memory_space<vmem>>
    tpu.wait_dma2 semaphore(%arg24 : memref<!tpu.dma_semaphore, #tpu.memory_space<semaphore_mem>>) src(%dma_wait3A_321 : memref<4x32x128xf32, #tpu.memory_space<vmem>>) dst(%dma_wait3A_316 : memref<4x32x128xf32, #tpu.memory_space<hbm>>)
    return
  }
}

</mosaic_0001>

<sc_bundles>
// kernel: _node_to_edge_triple.3.cloned.1.call-start
scs
__scs_entry_jumppad:
0x0: {  	(pc) =	sbr.rel $0x88, $3  }
0x1: {  	(tag) =	ssettag $0x0;
	lr =	simm.s32 $0x1  }
0x2: {  	[smem:$0x3F9D] =	sst lr;
	_ =	strace $0xD0000000  }
0x3: {  	_ = 	snop  }
0x4: {  	_ = 	snop  }
0x5: {  	_ = 	snop  }
0x6: {  	_ = 	snop  }
0x7: {  	_ = 	snop  }
__scs_overlays_trampoline_lowered:
0x8: {  	[smem:$0x3FAC] =	sst s0  }
0x9: {  	[smem:$0x3FAD] =	sst s1  }
0xa: {  	[smem:$0x3FAE] =	sst s2  }
0xb: {  	[smem:$0x3FAF] =	sst s3  }
0xc: {  	[smem:$0x3FB0] =	sst s4  }
0xd: {  	[smem:$0x3FB1] =	sst s5  }
0xe: {  	[smem:$0x3FB2] =	sst s6  }
0xf: {  	[smem:$0x3FB3] =	sst s7  }
0x10: {  	[smem:$0x3FB4] =	sst s8  }
0x11: {  	[smem:$0x3FB5] =	sst s9;
	s0 =	simm.s32 @!p0 $0x0  }
0x12: {  	s1 =	sld [smem:$0x3F9B];
	s0 =	simm.s32 @p0 $0x1  }
0x13: {  	[smem:$0x3FB6] =	sst s0;
	s0 =	simm.s32 @!p1 $0x0  }
0x14: {  	s2 =	sld [smem:$0x3F9A];
	s0 =	simm.s32 @p1 $0x1  }
0x15: {  	[smem:$0x3FB7] =	sst s0;
	s0 =	simm.s32 @!p2 $0x0  }
0x16: {  	s3 =	sld [smem:$0x3FDB];
	s0 =	simm.s32 @p2 $0x1  }
0x17: {  	s4 =	simm.s32 $0x1BF5;
	[smem:$0x3FB9] =	sst s0  }
0x18: {  	s0 =	sld [smem:$0x3F9C];
	_ =	swait.ge [sflag:s4], $0x0  }
0x19: {  	s7 =	sld [smem:$0x3F9D]  }
0x1a: {  	s8 =	sadd.s32 $0xFFFFE003, lr  }
0x1b: {  	s9 =	sadd.s32 $0xFFFFFEF7, lr;
	s5 =	simm.s32 $0xFFFFFFFF;
	p2 =	slt.u32 s8, $0xFFFFF086  }
0x1c: {  	p1 =	slt.u32 s9, $0xF7A;
	s5 =	simm.s32 @!p2 $0x0  }
0x1d: {  	s5 =	simm.s32 @p1 $0x1;
	p0 =	seq.s32 s7, s2  }
0x1e: {  	s7 =	smul.u32 @!p0 $0xF7A, s2;
	p2 =	seq.s32 @!p0 s5, $0x0  }
0x1f: {  	s9 =	smul.u32 $0xF7A, s1;
	s8 =	simm.s32 @!p0 $0x1BF5;
	p2 =	por !p2, p0  }
0x20: {  	[sflag:s8] =	ssyncset.s32 @!p0 $0xFFFFF086;
	s6 =	sadd.s32 @!p0 s3, s7;
	s7 =	simm.s32 @!p0 $0x108  }
0x21: {  	s3 =	sadd.s32 s3, s9;
	s6 =	sadd.s32 @!p0 $0x88, s6;
	s7 =	simm.s32 @p2 $0x1082  }
0x22: {  	[simem:s7], [sflag:s8] =	dma.local @!p0 [hbm:s6], $0xF7A  }
0x23: {  	s9 =	sor.u32 $0xD0000000, s2;
	s6 =	simm.s32 $0x108;
	_ =	swait.ge @!p0 [sflag:s8], $0x0  }
0x24: {  	s3 =	sadd.s32 $0x88, s3;
	s6 =	simm.s32 @!p1 $0x1082;
	[sflag:s4] =	ssyncset.s32 $0xFFFFF086  }
0x25: {  	[simem:s6], [sflag:s4] =	dma.local [hbm:s3], $0xF7A  }
0x26: {  	[smem:$0x3F9D] =	sst s1;
	(tag) =	ssettag s2;
	_ =	strace s9  }
0x27: {  	s1 =	sld [smem:$0x3FAD]  }
0x28: {  	s2 =	sld [smem:$0x3FAE]  }
0x29: {  	s4 =	sld [smem:$0x3FB0]  }
0x2a: {  	p0 =	seq.s32 s5, $0x0;
	s5 =	sld [smem:$0x3FB1]  }
0x2b: {  	s6 =	sld [smem:$0x3FB2]  }
0x2c: {  	s7 =	sld [smem:$0x3FB3]  }
0x2d: {  	s3 =	simm.s32 $0x108;
	s8 =	sld [smem:$0x3FB4]  }
0x2e: {  	s3 =	simm.s32 @!p0 $0x1082;
	s9 =	sld [smem:$0x3FB5]  }
0x2f: {  	lr =	sadd.s32 s0, s3;
	s0 =	sld [smem:$0x3FAC]  }
0x30: {  	s3 =	sld [smem:$0x3FAF]  }
0x31: {  	[smem:$0x3FB8] =	sst s10  }
0x32: {  	s10 =	sld [smem:$0x3FB6];
	_ =	sdelay $0x3  }
0x33: {  	p0 =	seq.s32 s10, $0x1;
	s10 =	sld [smem:$0x3FB8];
	_ =	sdelay $0x3  }
0x34: {  	[smem:$0x3FB8] =	sst s10  }
0x35: {  	s10 =	sld [smem:$0x3FB7];
	_ =	sdelay $0x3  }
0x36: {  	p1 =	seq.s32 s10, $0x1;
	s10 =	sld [smem:$0x3FB8];
	_ =	sdelay $0x3  }
0x37: {  	[smem:$0x3FB8] =	sst s10  }
0x38: {  	s10 =	sld [smem:$0x3FB9]  }
0x39: {  	_ = 	snop;
	(pc) =	sbr.ind lr, $3  }
0x3a: {  	_ = 	snop  }
0x3b: {  	_ = 	snop  }
0x3c: {  	p2 =	seq.s32 s10, $0x1;
	s10 =	sld [smem:$0x3FB8]  }
0x3d: {  	_ =	shalt  }
0x3e: {  	_ =	shalt  }
0x3f: {  	_ =	shalt  }
0x40: {  	_ =	shalt  }
0x41: {  	_ =	shalt  }
0x42: {  	_ =	shalt  }
0x43: {  	_ =	shalt  }
0x44: {  	_ =	shalt  }
0x45: {  	_ =	shalt  }
0x46: {  	_ =	shalt  }
0x47: {  	_ =	shalt  }
0x48: {  	_ =	shalt  }
0x49: {  	_ =	shalt  }
0x4a: {  	_ =	shalt  }
0x4b: {  	_ =	shalt  }
0x4c: {  	_ =	shalt  }
0x4d: {  	_ =	shalt  }
0x4e: {  	_ =	shalt  }
0x4f: {  	_ =	shalt  }
0x50: {  	_ =	shalt  }
0x51: {  	_ =	shalt  }
0x52: {  	_ =	shalt  }
0x53: {  	_ =	shalt  }
0x54: {  	_ =	shalt  }
0x55: {  	_ =	shalt  }
0x56: {  	_ =	shalt  }
0x57: {  	_ =	shalt  }
0x58: {  	_ =	shalt  }
0x59: {  	_ =	shalt  }
0x5a: {  	_ =	shalt  }
0x5b: {  	_ =	shalt  }
0x5c: {  	_ =	shalt  }
0x5d: {  	_ =	shalt  }
0x5e: {  	_ =	shalt  }
0x5f: {  	_ =	shalt  }
0x60: {  	_ =	shalt  }
0x61: {  	_ =	shalt  }
0x62: {  	_ =	shalt  }
0x63: {  	_ =	shalt  }
0x64: {  	_ =	shalt  }
0x65: {  	_ =	shalt  }
0x66: {  	_ =	shalt  }
0x67: {  	_ =	shalt  }
0x68: {  	_ =	shalt  }
0x69: {  	_ =	shalt  }
0x6a: {  	_ =	shalt  }
0x6b: {  	_ =	shalt  }
0x6c: {  	_ =	shalt  }
0x6d: {  	_ =	shalt  }
0x6e: {  	_ =	shalt  }
0x6f: {  	_ =	shalt  }
0x70: {  	_ =	shalt  }
0x71: {  	_ =	shalt  }
0x72: {  	_ =	shalt  }
0x73: {  	_ =	shalt  }
0x74: {  	_ =	shalt  }
0x75: {  	_ =	shalt  }
0x76: {  	_ =	shalt  }
0x77: {  	_ =	shalt  }
0x78: {  	_ =	shalt  }
0x79: {  	_ =	shalt  }
0x7a: {  	_ =	shalt  }
0x7b: {  	_ =	shalt  }
0x7c: {  	_ =	shalt  }
0x7d: {  	_ =	shalt  }
0x7e: {  	_ =	shalt  }
0x7f: {  	_ =	shalt  }
0x80: {  	_ =	shalt  }
0x81: {  	_ =	shalt  }
0x82: {  	_ =	shalt  }
0x83: {  	_ =	shalt  }
0x84: {  	_ =	shalt  }
0x85: {  	_ =	shalt  }
0x86: {  	_ =	shalt  }
0x87: {  	_ =	shalt  }
.Lfunc_end0:
.L_simem_size_0:
called_computation_lowered:
.L_overlay_start_0:
0x88: {  	s2 =	sld [smem:$0x3FD9]  }
0x89: {  	s3 =	sld [smem:$0x3FFE];
	_ =	sdelay $0x1  }
0x8a: {  	s1 =	srdreg.scid  }
0x8b: {  	s0 =	sand.u32 $0x1, s1  }
0x8c: {  	s18 =	sshll.u32 s0, $0xA;
	s2 =	sadd.s32 s3, s2  }
0x8d: {  	s2 =	sadd.s32 s2, s18  }
0x8e: {  	[smem:$0x3FC4] =	sst s2  }
0x8f: {  	_ = 	snop  }
0x90: {  	s2 =	sld [smem:$0x3FC9]  }
0x91: {  	s19 =	sld [smem:$0x3FC8]  }
0x92: {  	s4 =	sld [smem:$0x3FC7]  }
0x93: {  	s5 =	sld [smem:$0x3FC6]  }
0x94: {  	s6 =	sld [smem:$0x3FD0];
	(tm) =	ssettm $0x1  }
0x95: {  	s7 =	sld [smem:$0x3FFB];
	_ =	sdelay $0x3  }
0x96: {  	_ =	strace s7  }
0x97: {  	s7 =	sld [smem:$0x3FFC];
	_ =	sdelay $0x3  }
0x98: {  	_ =	strace s7  }
0x99: {  	s7 =	sld [smem:$0x3FFD];
	_ =	sdelay $0x3  }
0x9a: {  	_ =	strace s7  }
0x9b: {  	_ =	strace $0x8FFFFFFF  }
0x9c: {  	s20 =	sld [smem:$0x3FDB];
	_ =	sdelay $0x1  }
0x9d: {  	s8 =	simm.s32 $_scs_section_size  }
0x9e: {  	s9 =	simm.s32 $_size__tile_overlayer_lowered;
	s10 =	simm.s32 $_tile_overlayer_lowered  }
0x9f: {  	s23 =	simm.s32 $0x1BFF;
	s22 =	sshll.u32 s10, $0x1;
	s7 =	sadd.s32 s8, s20  }
0xa0: {  	s11 =	simm.s32 $0x0;
	s21 =	sshll.u32 s9, $0x1;
	s9 =	sadd.s32 s22, s7  }
0xa1: {  	[timem:s11], [sflag:s23] =	dma.local [hbm:s9], s21  }
0xa2: {  	_ =	swait.ge [sflag:s23], s21  }
0xa3: {  	s8 =	ssub.s32 $0x0, s21;
	[sflag:s23] =	ssyncset.done $0x0  }
0xa4: {  	[sflag:s23] =	ssyncadd.s32 s8;
	_ =	sdelay $0x1  }
0xa5: {  	s24 =	simm.s32 $0x1B8B  }
0xa6: {  	_ =	swait.ge [sflag:s24], $0x1  }
0xa7: {  	[sflag:s24] =	ssyncset.done $0x0  }
0xa8: {  	s25 =	simm.s32 $0x1B8E;
	[sflag:s24] =	ssyncadd.s32 $0xFFFFFFFF  }
0xa9: {  	s26 =	simm.s32 $execute0_lowered;
	[smem:$0x3FD2] =	sst s25  }
0xaa: {  	s8 =	sshll.u32 s26, $0x1;
	_ =	strace $0x80000046;
	[dreg:$0x1] =	wrdreg $0xFFFFFFFF  }
0xab: {  	s28 =	simm.s32 $_size_execute0_lowered;
	s7 =	sadd.s32 s7, s8;
	[dreg:$0x0] =	wrdreg $0x0  }
0xac: {  	s8 =	sshll.u32 s28, $0x1;
	[dreg:$0x2] =	wrdreg s7  }
0xad: {  	[dreg:$0x3] =	wrdreg s8  }
0xae: {  	[dreg:$0x4] =	wrdreg $0xC0  }
0xaf: {  	_ =	task [dreg:s11], $0x5FFFF  }
0xb0: {  	[dreg:$0x1] =	wrdreg $0xFFFFFFFF  }
0xb1: {  	[dreg:$0x0] =	wrdreg $0x60  }
0xb2: {  	[dreg:$0x2] =	wrdreg s2  }
0xb3: {  	[dreg:$0x3] =	wrdreg s19  }
0xb4: {  	[dreg:$0x4] =	wrdreg s4  }
0xb5: {  	[dreg:$0x5] =	wrdreg s5  }
0xb6: {  	[dreg:$0x6] =	wrdreg s6  }
0xb7: {  	[dreg:$0x7] =	wrdreg $0x1F0000  }
0xb8: {  	[dreg:$0x8] =	wrdreg $0x9  }
0xb9: {  	_ =	task.clear_ibuf [dreg:s11], $0x9FFFF;
	_ =	strace $0x90000046  }
0xba: {  	s29 =	simm.s32 $0x9;
	_ =	strace $0x80000048  }
0xbb: {  	_ =	swait.ge [sflag:s29], $0x1  }
0xbc: {  	[sflag:s29] =	ssyncadd.s32 $0xFFFFFFFF  }
0xbd: {  	_ =	strace $0x90000048  }
0xbe: {  	_ =	sfence  }
0xbf: {  	s30 =	sld [smem:$0x0];
	_ =	sdelay $0x2  }
0xc0: {  	s31 =	sshll.u32 s1, $0xD;
	s1 =	sshrl.u32 s1, $0x2  }
0xc1: {  	s3 =	sand.u32 $0x4000, s31;
	s1 =	sadd.s32 s1, s30  }
0xc2: {  	s0 =	sor.u32 s3, s0;
	s1 =	sshll.u32 s1, $0x11  }
0xc3: {  	s0 =	sor.u32 s1, s0  }
0xc4: {  	s0 =	sadd.s32 $0x8F2B, s0  }
0xc5: {  	[sflag:s0] =	ssyncadd.remote.s32 $0x1  }
0xc6: {  	_ =	sfence.sel $0xFFFF  }
0xc7: {  	[dreg:$0x0] =	wrdreg $0xFFFFFFFF;
	(pc) =	sbr.abs _section_cstart, $3  }
0xc8: {  	[dreg:$0x1] =	wrdreg $0xFFFFFFFF  }
0xc9: {  	_ =	task.clear_ibuf [dreg:s11], $0x2FFFF;
	_ =	strace $0x9FFFFFFF  }
0xca: {  	(tm) =	ssettm $0x7FFFFFFF  }
0xcb: {  	_ =	shalt  }
tec
execute0_lowered:
.L_overlay_start_1:
0x0: {  	(tag) =	ssettag $0x1  }
0x1: {  	s0 =	rddreg [dreg:$0x1]  }
0x2: {  	s1 =	rddreg [dreg:$0x2]  }
0x3: {  	s2 =	rddreg [dreg:$0x3]  }
0x4: {  	s12 =	rddreg [dreg:$0x4]  }
0x5: {  	s3 =	rddreg [dreg:$0x5];
	s4 =	srdreg.scid;
	s7 =	simm.s32 $0x0  }
0x6: {  	s6 =	stileid.u32;
	s20 =	simm.s32 $0x1000;
	s16 =	simm.s32 $0x20  }
0x7: {  	s31 =	simm.s32 $0xB000;
	s22 =	simm.s32 $0x1;
	s18 =	simm.s32 $0x13000  }
0x8: {  	s14 =	simm.s32 $0x17000;
	s15 =	simm.s32 $0x18000;
	s13 =	simm.s32 $0x5  }
0x9: {  	s17 =	simm.s32 $0x9;
	s4 =	sand.u32 $0x1, s4;
	[smem:$0x7FF] =	sst s7  }
0xa: {  	s8 =	sshll.u32 s6, $0x1;
	s25 =	sshrl.u32 s6, $0x2;
	s9 =	sand.u32 $0x3, s6  }
0xb: {  	p0 =	sne.s32 s6, $0x0;
	s5 =	ssub.s32 $0x2, s4;
	_ =	strace $0x80000047  }
0xc: {  	s24 =	sand.u32 $0x6, s8;
	s11 =	sshll.u32 s25, $0xA;
	s9 =	sshll.u32 s9, $0x8  }
0xd: {  	s19 =	sshll.u32 s25, $0x5;
	s25 =	simm.s32 $0xC00;
	s8 =	simm.s32 $0x3  }
0xe: {  	s23 =	sshrl.u32 s5, $0x1;
	s9 =	sor.u32 s9, s11;
	v0 =	vmov s19;
	s19 =	simm.s32 $0x0  }
0xf: {  	s7 =	ssub.s32 s5, s23;
	s5 =	sor.u32 s4, s24;
	s4 =	sshll.u32 s4, $0x7  }
0x10: {  	s23 =	simm.s32 $0x2000;
	s24 =	simm.s32 $0x400;
	s10 =	sshll.u32 s5, $0x9  }
0x11: {  	s5 =	sshll.u32 s5, $0x7;
	s4 =	sor.u32 s4, s9;
	s9 =	sadd.s32 $0x80, s12  }
0x12: {  	s30 =	smax.u32 s7, $0x1;
	s7 =	simm.s32 $0x16000;
	s5 =	sor.u32 s11, s5  }
0x13: {  	s0 =	sadd.s32 s0, s10;
	s26 =	sadd.s32 s1, s10;
	s28 =	smul.u32 $0x600, s4  }
.Ltmp0:
0x14: {  	s29 =	sadd.s32 s2, s10;
	[dreg:$0xa] =	wrdreg s30;
	(pc) =	sbr.rel .LBB2_1-.Ltmp0, $4  }
0x15: {  	s10 =	sadd.s32 $0x100, s12;
	s1 =	simm.s32 $0x2;
	[dreg:$0x7] =	wrdreg s0  }
0x16: {  	s11 =	simm.s32 $0x19000;
	s4 =	simm.s32 $0x4;
	[dreg:$0x8] =	wrdreg s26  }
0x17: {  	s2 =	simm.s32 $0x6;
	[dreg:$0x9] =	wrdreg s29;
	s0 =	sadd.s32 s28, s12  }
0x18: {  	s26 =	simm.s32 $0xF000;
	s12 =	simm.s32 $0x1A000;
	[dreg:$0xb] =	wrdreg s0  }
.LBB2_6:
0x19: {  	s0 =	simm.s32 $0x7  }
0x1a: {  	_ =	swait.ge [sflag:s0], $0x4000  }
0x1b: {  	[sflag:s0] =	ssyncset.done $0x0  }
0x1c: {  	s23 =	simm.s32 $0x8;
	[sflag:s0] =	ssyncadd.s32 $0xFFFFC000  }
0x1d: {  	_ =	swait.ge [sflag:s23], $0x4000  }
0x1e: {  	[sflag:s23] =	ssyncset.done $0x0  }
0x1f: {  	[sflag:s23] =	ssyncadd.s32 $0xFFFFC000  }
0x20: {  	_ =	swait.ge [sflag:s17], $0x4000  }
0x21: {  	[sflag:s17] =	ssyncset.done $0x0  }
0x22: {  	s28 =	simm.s32 $0xA;
	[sflag:s17] =	ssyncadd.s32 $0xFFFFC000  }
0x23: {  	_ =	swait.ge [sflag:s28], $0x4000  }
0x24: {  	[sflag:s28] =	ssyncset.done $0x0  }
0x25: {  	s29 =	simm.s32 $0xB;
	[sflag:s28] =	ssyncadd.s32 $0xFFFFC000  }
0x26: {  	_ =	swait.ge [sflag:s29], $0x4000  }
0x27: {  	[sflag:s29] =	ssyncset.done $0x0  }
0x28: {  	s6 =	simm.s32 $0xC;
	[sflag:s29] =	ssyncadd.s32 $0xFFFFC000  }
0x29: {  	_ =	swait.ge [sflag:s6], $0x4000  }
0x2a: {  	s19 =	rddreg [dreg:$0xc]  }
0x2b: {  	s30 =	rddreg [dreg:$0xa];
	s19 =	sadd.s32 $0x1, s19  }
0x2c: {  	p1 =	sne.s32 s19, s30  }
.Ltmp1:
0x2d: {  	_ = 	snop;
	(pc) =	sbr.rel @!p1 .LBB2_7-.Ltmp1, $3  }
0x2e: {  	_ =	sdelay $0x1  }
0x2f: {  	[sflag:s6] =	ssyncset.done $0x0  }
0x30: {  	s20 =	simm.s32 $0x1000;
	s23 =	simm.s32 $0x2000;
	[sflag:s6] =	ssyncadd.s32 $0xFFFFC000  }
.LBB2_1:
0x31: {  	[dreg:$0xc] =	wrdreg s19  }
0x32: {  	s0 =	simm.s32 @!p0 $0x0;
	s19 =	simm.s32 @!p0 $0x1B000;
	s6 =	rddreg [dreg:$0x0]  }
0x33: {  	[tilespmem:s19], [sflag:$0xD] =	stream.linear.gather @!p0 [hbm4b:s6+s0], $0x4000, $0x38;
	[tilespmem:$0x1F400] =	vst v63  }
0x34: {  	s0 =	simm.s32 @!p0 $0xD  }
0x35: {  	_ =	swait.ge @!p0 [sflag:s0], $0x4000  }
0x36: {  	[sflag:s0] =	ssyncset.done @!p0 $0x0  }
0x37: {  	[sflag:s0] =	ssyncadd.s32 @!p0 $0xFFFFC000  }
0x38: {  	[spmem:s3] =	stream.linear.scatter @!p0 [tilespmem:s19], [sflag:$0xD], $0x4000, $0x38;
	[tilespmem:$0x1F400] =	vst v63  }
0x39: {  	_ =	swait.ge @!p0 [sflag:s0], $0x4000  }
0x3a: {  	[sflag:s0] =	ssyncset.done @!p0 $0x0  }
0x3b: {  	[sflag:s0] =	ssyncadd.s32 @!p0 $0xFFFFC000  }
0x3c: {  	[bflag:$0x0] =	sbarrier.arrive $0xFFFF  }
0x3d: {  	s28 =	simm.s32 $0xD;
	s19 =	simm.s32 $0x0;
	s21 =	rddreg [dreg:$0x7]  }
0x3e: {  	[tilespmem:s19], [sflag:$0xD] =	stream.linear.gather [hbm4b:s21+s19], $0x1000, $0x38;
	[tilespmem:$0x1F400] =	vst v63  }
0x3f: {  	_ =	swait.ge [sflag:s28], $0x1000  }
0x40: {  	[sflag:s28] =	ssyncset.done $0x0  }
0x41: {  	s29 =	rddreg [dreg:$0x8];
	[sflag:s28] =	ssyncadd.s32 $0xFFFFF000  }
0x42: {  	[tilespmem:s20], [sflag:$0xD] =	stream.linear.gather [hbm4b:s29+s19], $0x1000, $0x38;
	[tilespmem:$0x1F400] =	vst v63  }
0x43: {  	_ =	swait.ge [sflag:s28], $0x1000  }
0x44: {  	[sflag:s28] =	ssyncset.done $0x0  }
0x45: {  	s30 =	rddreg [dreg:$0x9];
	[sflag:s28] =	ssyncadd.s32 $0xFFFFF000  }
0x46: {  	[tilespmem:s23], [sflag:$0xD] =	stream.linear.gather [hbm4b:s30+s19], $0x1000, $0x38;
	[tilespmem:$0x1F400] =	vst v63  }
0x47: {  	_ =	swait.ge [sflag:s28], $0x1000  }
0x48: {  	[sflag:s28] =	ssyncset.done $0x0  }
0x49: {  	s0 =	simm.s32 $0x0;
	[sflag:s28] =	ssyncadd.s32 $0xFFFFF000  }
0x4a: {  	v2 =	vld [tilespmem:s0+$0x0]  }
0x4b: {  	s19 =	simm.s32 $0x40;
	v1 =	vld [tilespmem:s0+$0x1000]  }
.LBB2_2:
0x4c: {  	p1 =	sne.s32 s19, $0x3FC0;
	v3 =	vld [tilespmem:s0+$0x2000];
	_ =	sdelay $0x1  }
.Ltmp2:
0x4d: {  	(pc) =	sbr.rel @p1 .LBB2_2-.Ltmp2, $4  }
0x4e: {  	v2 =	vadd.s32 v0, v2  }
0x4f: {  	s21 =	sshra.s32 s19, $0x2;
	[tilespmem:s0+$0x0] =	vst v2;
	v1 =	vadd.s32 v0, v1  }
0x50: {  	v2 =	vld [tilespmem:s21+$0x0];
	[tilespmem:s0+$0x1000] =	vst v1;
	v3 =	vadd.s32 v0, v3  }
0x51: {  	s19 =	sadd.s32 $0x40, s19;
	v1 =	vld [tilespmem:s21+$0x1000];
	[tilespmem:s0+$0x2000] =	vst v3;
	s0 =	smov.u32 s21  }
0x52: {  	v3 =	vld [tilespmem:s0+$0x2000];
	_ =	sdelay $0x2  }
0x53: {  	v2 =	vadd.s32 v0, v2  }
0x54: {  	[tilespmem:s0+$0x0] =	vst v2;
	v1 =	vadd.s32 v0, v1  }
0x55: {  	[tilespmem:s0+$0x1000] =	vst v1;
	v1 =	vadd.s32 v0, v3  }
0x56: {  	s6 =	simm.s32 $0x3000;
	[tilespmem:s0+$0x2000] =	vst v1;
	s0 =	simm.s32 $0x0  }
0x57: {  	[tilespmem:s6], [sflag:$0x1] =	stream.indirect.gather [spmem:s3], $0x80, s0, s16, $0xb8;
	[tilespmem:$0x1F400] =	vst v63  }
0x58: {  	s19 =	simm.s32 $0x4000  }
0x59: {  	[tilespmem:s19], [sflag:$0x1] =	stream.indirect.gather [spmem:s3], $0x80, s16, s16, $0xb8;
	[tilespmem:$0x1F400] =	vst v63  }
0x5a: {  	s21 =	simm.s32 $0x40;
	s19 =	simm.s32 $0x5000  }
0x5b: {  	[tilespmem:s19], [sflag:$0x1] =	stream.indirect.gather [spmem:s3], $0x80, s21, s16, $0xb8;
	[tilespmem:$0x1F400] =	vst v63  }
0x5c: {  	s28 =	simm.s32 $0x60;
	s29 =	simm.s32 $0x6000  }
0x5d: {  	[tilespmem:s29], [sflag:$0x1] =	stream.indirect.gather [spmem:s3], $0x80, s28, s16, $0xb8;
	[tilespmem:$0x1F400] =	vst v63  }
0x5e: {  	s30 =	simm.s32 $0x7000  }
0x5f: {  	[tilespmem:s30], [sflag:$0x2] =	stream.indirect.gather [spmem:s3], $0x80, s20, s16, $0xb8;
	[tilespmem:$0x1F400] =	vst v63  }
0x60: {  	s19 =	simm.s32 $0x1020;
	s20 =	simm.s32 $0x8000  }
0x61: {  	[tilespmem:s20], [sflag:$0x2] =	stream.indirect.gather [spmem:s3], $0x80, s19, s16, $0xb8;
	[tilespmem:$0x1F400] =	vst v63  }
0x62: {  	s21 =	simm.s32 $0x1040;
	s28 =	simm.s32 $0x9000  }
0x63: {  	[tilespmem:s28], [sflag:$0x2] =	stream.indirect.gather [spmem:s3], $0x80, s21, s16, $0xb8;
	[tilespmem:$0x1F400] =	vst v63  }
0x64: {  	s29 =	simm.s32 $0x1060;
	s30 =	simm.s32 $0xA000  }
0x65: {  	[tilespmem:s30], [sflag:$0x2] =	stream.indirect.gather [spmem:s3], $0x80, s29, s16, $0xb8;
	[tilespmem:$0x1F400] =	vst v63  }
0x66: {  	_ = 	snop  }
0x67: {  	[tilespmem:s31], [sflag:$0x3] =	stream.indirect.gather [spmem:s3], $0x80, s23, s16, $0xb8;
	[tilespmem:$0x1F400] =	vst v63  }
0x68: {  	s20 =	simm.s32 $0x2020;
	s21 =	simm.s32 $0xC000  }
0x69: {  	[tilespmem:s21], [sflag:$0x3] =	stream.indirect.gather [spmem:s3], $0x80, s20, s16, $0xb8;
	[tilespmem:$0x1F400] =	vst v63  }
0x6a: {  	s28 =	simm.s32 $0xD000;
	s23 =	simm.s32 $0x2040  }
0x6b: {  	[tilespmem:s28], [sflag:$0x3] =	stream.indirect.gather [spmem:s3], $0x80, s23, s16, $0xb8;
	[tilespmem:$0x1F400] =	vst v63  }
0x6c: {  	s19 =	rddreg [dreg:$0xb];
	s29 =	simm.s32 $0x2060;
	s30 =	simm.s32 $0xE000  }
0x6d: {  	[tilespmem:s30], [sflag:$0x3] =	stream.indirect.gather [spmem:s3], $0x80, s29, s16, $0xb8;
	[tilespmem:$0x1F400] =	vst v63  }
.LBB2_4:
0x6e: {  	_ =	swait.ge [sflag:s22], $0x1000  }
0x6f: {  	[sflag:s22] =	ssyncset.done $0x0  }
0x70: {  	[sflag:s22] =	ssyncadd.s32 $0xFFFFF000  }
0x71: {  	_ =	swait.ge [sflag:s22], $0x1000  }
0x72: {  	[sflag:s22] =	ssyncset.done $0x0  }
0x73: {  	[sflag:s22] =	ssyncadd.s32 $0xFFFFF000  }
0x74: {  	_ =	swait.ge [sflag:s22], $0x1000  }
0x75: {  	s23 =	smul.u32 $0x6, s0;
	[sflag:s22] =	ssyncset.done $0x0  }
0x76: {  	[sflag:s22] =	ssyncadd.s32 $0xFFFFF000  }
0x77: {  	s6 =	simm.s32 $0x3000;
	s21 =	sadd.s32 $0x3, s23;
	_ =	swait.ge [sflag:s22], $0x1000  }
0x78: {  	p1 =	seq.s32 s0, $0x0;
	s21 =	sand.u32 $0xFF, s21;
	[sflag:s22] =	ssyncset.done $0x0  }
0x79: {  	s28 =	simm.s32 @!p1 $0xA;
	s21 =	smul.u32 $0xAB, s21;
	[sflag:s22] =	ssyncadd.s32 $0xFFFFF000  }
0x7a: {  	[hbm4b:s19+s24] =	stream.strided.scatter [tilespmem:s6], [sflag:$0x7], $0x4000, s25, s24, $0x38;
	[tilespmem:$0x1F400] =	vst v63  }
0x7b: {  	_ =	swait.ge @!p1 [sflag:s28], $0x4000  }
0x7c: {  	s29 =	sshrl.u32 s21, $0x9;
	[sflag:s28] =	ssyncset.done @!p1 $0x0  }
0x7d: {  	s21 =	sshll.u32 s29, $0x7;
	[sflag:s28] =	ssyncadd.s32 @!p1 $0xFFFFC000  }
0x7e: {  	[tilespmem:s26], [sflag:$0x4] =	stream.indirect.gather [spmem:s3], $0x80, s21, s16, $0xb8;
	[tilespmem:$0x1F400] =	vst v63  }
0x7f: {  	s30 =	simm.s32 $0x10000;
	s20 =	sor.u32 $0x20, s21  }
0x80: {  	[tilespmem:s30], [sflag:$0x4] =	stream.indirect.gather [spmem:s3], $0x80, s20, s16, $0xb8;
	[tilespmem:$0x1F400] =	vst v63  }
0x81: {  	s20 =	sor.u32 $0x40, s21;
	s30 =	simm.s32 $0x11000  }
0x82: {  	[tilespmem:s30], [sflag:$0x4] =	stream.indirect.gather [spmem:s3], $0x80, s20, s16, $0xb8;
	[tilespmem:$0x1F400] =	vst v63  }
0x83: {  	s21 =	sor.u32 $0x60, s21;
	s20 =	simm.s32 $0x12000  }
0x84: {  	[tilespmem:s20], [sflag:$0x4] =	stream.indirect.gather [spmem:s3], $0x80, s21, s16, $0xb8;
	[tilespmem:$0x1F400] =	vst v63  }
0x85: {  	_ =	swait.ge [sflag:s1], $0x1000  }
0x86: {  	[sflag:s1] =	ssyncset.done $0x0  }
0x87: {  	s28 =	sor.u32 $0x1, s23;
	[sflag:s1] =	ssyncadd.s32 $0xFFFFF000  }
0x88: {  	s21 =	sand.u32 $0xFF, s28;
	_ =	swait.ge [sflag:s1], $0x1000  }
0x89: {  	s21 =	smul.u32 $0xAB, s21;
	[sflag:s1] =	ssyncset.done $0x0  }
0x8a: {  	[sflag:s1] =	ssyncadd.s32 $0xFFFFF000  }
0x8b: {  	s21 =	sshrl.u32 s21, $0x7;
	_ =	swait.ge [sflag:s1], $0x1000  }
0x8c: {  	s21 =	sand.u32 $0xFC, s21;
	[sflag:s1] =	ssyncset.done $0x0  }
0x8d: {  	s21 =	sadd.s32 s21, s5;
	[sflag:s1] =	ssyncadd.s32 $0xFFFFF000  }
0x8e: {  	s21 =	smul.u32 $0x600, s21;
	_ =	swait.ge [sflag:s1], $0x1000  }
0x8f: {  	s6 =	sadd.s32 $0x4, s23;
	[sflag:s1] =	ssyncset.done $0x0  }
0x90: {  	s30 =	simm.s32 $0x7000;
	s21 =	sadd.s32 s21, s9;
	[sflag:s1] =	ssyncadd.s32 $0xFFFFF000  }
0x91: {  	[hbm4b:s21+s24] =	stream.strided.scatter [tilespmem:s30], [sflag:$0x8], $0x4000, s25, s24, $0x38;
	[tilespmem:$0x1F400] =	vst v63  }
0x92: {  	s21 =	sand.u32 $0xFF, s6  }
0x93: {  	s21 =	smul.u32 $0xAB, s21  }
0x94: {  	s28 =	simm.s32 @!p1 $0xB  }
0x95: {  	_ =	swait.ge @!p1 [sflag:s28], $0x4000;
	s21 =	sshrl.u32 s21, $0x9  }
0x96: {  	[sflag:s28] =	ssyncset.done @!p1 $0x0;
	s30 =	sshll.u32 s21, $0x7  }
0x97: {  	[sflag:s28] =	ssyncadd.s32 @!p1 $0xFFFFC000;
	s20 =	sadd.s32 $0x1000, s30  }
0x98: {  	[tilespmem:s18], [sflag:$0x5] =	stream.indirect.gather [spmem:s3], $0x80, s20, s16, $0xb8;
	[tilespmem:$0x1F400] =	vst v63  }
0x99: {  	s6 =	sadd.s32 $0x1020, s30;
	s20 =	simm.s32 $0x14000  }
0x9a: {  	[tilespmem:s20], [sflag:$0x5] =	stream.indirect.gather [spmem:s3], $0x80, s6, s16, $0xb8;
	[tilespmem:$0x1F400] =	vst v63  }
0x9b: {  	s6 =	sadd.s32 $0x1040, s30;
	s20 =	simm.s32 $0x15000  }
0x9c: {  	[tilespmem:s20], [sflag:$0x5] =	stream.indirect.gather [spmem:s3], $0x80, s6, s16, $0xb8;
	[tilespmem:$0x1F400] =	vst v63  }
0x9d: {  	s6 =	sadd.s32 $0x1060, s30  }
0x9e: {  	[tilespmem:s7], [sflag:$0x5] =	stream.indirect.gather [spmem:s3], $0x80, s6, s16, $0xb8;
	[tilespmem:$0x1F400] =	vst v63  }
0x9f: {  	_ =	swait.ge [sflag:s8], $0x1000  }
0xa0: {  	[sflag:s8] =	ssyncset.done $0x0  }
0xa1: {  	s20 =	sadd.s32 $0x2, s23;
	[sflag:s8] =	ssyncadd.s32 $0xFFFFF000  }
0xa2: {  	s28 =	sand.u32 $0xFF, s20;
	_ =	swait.ge [sflag:s8], $0x1000  }
0xa3: {  	s28 =	smul.u32 $0xAB, s28;
	[sflag:s8] =	ssyncset.done $0x0  }
0xa4: {  	[sflag:s8] =	ssyncadd.s32 $0xFFFFF000  }
0xa5: {  	s28 =	sshrl.u32 s28, $0x7;
	_ =	swait.ge [sflag:s8], $0x1000  }
0xa6: {  	s28 =	sand.u32 $0x1FC, s28;
	[sflag:s8] =	ssyncset.done $0x0  }
0xa7: {  	s28 =	sadd.s32 s5, s28;
	[sflag:s8] =	ssyncadd.s32 $0xFFFFF000  }
0xa8: {  	s28 =	smul.u32 $0x600, s28;
	_ =	swait.ge [sflag:s8], $0x1000  }
0xa9: {  	[sflag:s8] =	ssyncset.done $0x0  }
0xaa: {  	s30 =	sadd.s32 $0x5, s23;
	s28 =	sadd.s32 s28, s10;
	[sflag:s8] =	ssyncadd.s32 $0xFFFFF000  }
0xab: {  	[hbm4b:s28+s24] =	stream.strided.scatter [tilespmem:s31], [sflag:$0x9], $0x4000, s25, s24, $0x38;
	[tilespmem:$0x1F400] =	vst v63  }
0xac: {  	s28 =	sand.u32 $0xFF, s30  }
0xad: {  	s28 =	smul.u32 $0xAB, s28  }
0xae: {  	s30 =	simm.s32 @!p1 $0xC  }
0xaf: {  	_ =	swait.ge @!p1 [sflag:s30], $0x4000;
	s28 =	sshrl.u32 s28, $0x9  }
0xb0: {  	[sflag:s30] =	ssyncset.done @!p1 $0x0;
	s20 =	sshll.u32 s28, $0x7  }
0xb1: {  	[sflag:s30] =	ssyncadd.s32 @!p1 $0xFFFFC000;
	s6 =	sadd.s32 $0x2000, s20  }
0xb2: {  	[tilespmem:s14], [sflag:$0x6] =	stream.indirect.gather [spmem:s3], $0x80, s6, s16, $0xb8;
	[tilespmem:$0x1F400] =	vst v63  }
0xb3: {  	s6 =	sadd.s32 $0x2020, s20  }
0xb4: {  	[tilespmem:s15], [sflag:$0x6] =	stream.indirect.gather [spmem:s3], $0x80, s6, s16, $0xb8;
	[tilespmem:$0x1F400] =	vst v63  }
0xb5: {  	s6 =	sadd.s32 $0x2040, s20  }
0xb6: {  	[tilespmem:s11], [sflag:$0x6] =	stream.indirect.gather [spmem:s3], $0x80, s6, s16, $0xb8;
	[tilespmem:$0x1F400] =	vst v63  }
0xb7: {  	s20 =	sadd.s32 $0x2060, s20  }
0xb8: {  	[tilespmem:s12], [sflag:$0x6] =	stream.indirect.gather [spmem:s3], $0x80, s20, s16, $0xb8;
	[tilespmem:$0x1F400] =	vst v63  }
0xb9: {  	_ =	swait.ge [sflag:s4], $0x1000  }
0xba: {  	[sflag:s4] =	ssyncset.done $0x0  }
0xbb: {  	[sflag:s4] =	ssyncadd.s32 $0xFFFFF000  }
0xbc: {  	_ =	swait.ge [sflag:s4], $0x1000  }
0xbd: {  	[sflag:s4] =	ssyncset.done $0x0  }
0xbe: {  	[sflag:s4] =	ssyncadd.s32 $0xFFFFF000  }
0xbf: {  	_ =	swait.ge [sflag:s4], $0x1000  }
0xc0: {  	[sflag:s4] =	ssyncset.done $0x0  }
0xc1: {  	[sflag:s4] =	ssyncadd.s32 $0xFFFFF000  }
0xc2: {  	s29 =	sshll.u32 s29, $0x2;
	_ =	swait.ge [sflag:s4], $0x1000  }
0xc3: {  	s20 =	sadd.s32 s5, s29;
	[sflag:s4] =	ssyncset.done $0x0  }
0xc4: {  	s20 =	smul.u32 $0x600, s20;
	[sflag:s4] =	ssyncadd.s32 $0xFFFFF000  }
0xc5: {  	s30 =	rddreg [dreg:$0x4]  }
0xc6: {  	p1 =	seq.s32 s0, $0xF;
	s20 =	sadd.s32 s30, s20  }
0xc7: {  	[hbm4b:s20+s24] =	stream.strided.scatter [tilespmem:s26], [sflag:$0xA], $0x4000, s25, s24, $0x38;
	[tilespmem:$0x1F400] =	vst v63  }
0xc8: {  	s20 =	sadd.s32 @!p1 $0x6, s23  }
0xc9: {  	s20 =	sand.u32 @!p1 $0xFF, s20  }
0xca: {  	s29 =	simm.s32 @!p1 $0x7;
	s20 =	smul.u32 @!p1 $0xAB, s20  }
0xcb: {  	_ =	swait.ge @!p1 [sflag:s29], $0x4000  }
0xcc: {  	s30 =	simm.s32 @!p1 $0x3000;
	[sflag:s29] =	ssyncset.done @!p1 $0x0;
	s20 =	sshrl.u32 @!p1 s20, $0x2  }
0xcd: {  	[sflag:s29] =	ssyncadd.s32 @!p1 $0xFFFFC000;
	s29 =	simm.s32 @!p1 $0x20;
	s20 =	sand.u32 @!p1 $0x3F80, s20  }
0xce: {  	[tilespmem:s30], [sflag:$0x1] =	stream.indirect.gather @!p1 [spmem:s3], $0x80, s20, s29, $0xb8;
	[tilespmem:$0x1F400] =	vst v63  }
0xcf: {  	s6 =	simm.s32 @!p1 $0x4000;
	s30 =	sor.u32 @!p1 $0x20, s20  }
0xd0: {  	[tilespmem:s6], [sflag:$0x1] =	stream.indirect.gather @!p1 [spmem:s3], $0x80, s30, s29, $0xb8;
	[tilespmem:$0x1F400] =	vst v63  }
0xd1: {  	s6 =	sor.u32 @!p1 $0x40, s20;
	s30 =	simm.s32 @!p1 $0x5000  }
0xd2: {  	[tilespmem:s30], [sflag:$0x1] =	stream.indirect.gather @!p1 [spmem:s3], $0x80, s6, s29, $0xb8;
	[tilespmem:$0x1F400] =	vst v63  }
0xd3: {  	s6 =	sor.u32 @!p1 $0x60, s20;
	s20 =	simm.s32 @!p1 $0x6000  }
0xd4: {  	[tilespmem:s20], [sflag:$0x1] =	stream.indirect.gather @!p1 [spmem:s3], $0x80, s6, s29, $0xb8;
	[tilespmem:$0x1F400] =	vst v63  }
0xd5: {  	_ =	swait.ge [sflag:s13], $0x1000  }
0xd6: {  	[sflag:s13] =	ssyncset.done $0x0  }
0xd7: {  	[sflag:s13] =	ssyncadd.s32 $0xFFFFF000  }
0xd8: {  	_ =	swait.ge [sflag:s13], $0x1000  }
0xd9: {  	[sflag:s13] =	ssyncset.done $0x0  }
0xda: {  	[sflag:s13] =	ssyncadd.s32 $0xFFFFF000  }
0xdb: {  	_ =	swait.ge [sflag:s13], $0x1000  }
0xdc: {  	s21 =	sshll.u32 s21, $0x2;
	[sflag:s13] =	ssyncset.done $0x0  }
0xdd: {  	s6 =	sadd.s32 s5, s21;
	[sflag:s13] =	ssyncadd.s32 $0xFFFFF000  }
0xde: {  	s6 =	smul.u32 $0x600, s6;
	_ =	swait.ge [sflag:s13], $0x1000  }
0xdf: {  	[sflag:s13] =	ssyncset.done $0x0  }
0xe0: {  	s6 =	sadd.s32 s6, s9;
	[sflag:s13] =	ssyncadd.s32 $0xFFFFF000  }
0xe1: {  	[hbm4b:s6+s24] =	stream.strided.scatter [tilespmem:s18], [sflag:$0xB], $0x4000, s25, s24, $0x38;
	[tilespmem:$0x1F400] =	vst v63  }
0xe2: {  	s6 =	sadd.s32 @!p1 $0x7, s23  }
0xe3: {  	s6 =	sand.u32 @!p1 $0xFF, s6  }
0xe4: {  	s6 =	smul.u32 @!p1 $0xAB, s6  }
0xe5: {  	s20 =	simm.s32 @!p1 $0x8  }
0xe6: {  	_ =	swait.ge @!p1 [sflag:s20], $0x4000;
	s6 =	sshrl.u32 @!p1 s6, $0x2  }
0xe7: {  	[sflag:s20] =	ssyncset.done @!p1 $0x0;
	s6 =	sand.u32 @!p1 $0x3F80, s6  }
0xe8: {  	s21 =	simm.s32 @!p1 $0x7000;
	[sflag:s20] =	ssyncadd.s32 @!p1 $0xFFFFC000;
	s20 =	sadd.s32 @!p1 $0x1000, s6  }
0xe9: {  	[tilespmem:s21], [sflag:$0x2] =	stream.indirect.gather @!p1 [spmem:s3], $0x80, s20, s29, $0xb8;
	[tilespmem:$0x1F400] =	vst v63  }
0xea: {  	s20 =	sadd.s32 @!p1 $0x1020, s6;
	s21 =	simm.s32 @!p1 $0x8000  }
0xeb: {  	[tilespmem:s21], [sflag:$0x2] =	stream.indirect.gather @!p1 [spmem:s3], $0x80, s20, s29, $0xb8;
	[tilespmem:$0x1F400] =	vst v63  }
0xec: {  	s20 =	sadd.s32 @!p1 $0x1040, s6;
	s21 =	simm.s32 @!p1 $0x9000  }
0xed: {  	[tilespmem:s21], [sflag:$0x2] =	stream.indirect.gather @!p1 [spmem:s3], $0x80, s20, s29, $0xb8;
	[tilespmem:$0x1F400] =	vst v63  }
0xee: {  	s6 =	sadd.s32 @!p1 $0x1060, s6;
	s20 =	simm.s32 @!p1 $0xA000  }
0xef: {  	[tilespmem:s20], [sflag:$0x2] =	stream.indirect.gather @!p1 [spmem:s3], $0x80, s6, s29, $0xb8;
	[tilespmem:$0x1F400] =	vst v63  }
0xf0: {  	_ =	swait.ge [sflag:s2], $0x1000  }
0xf1: {  	[sflag:s2] =	ssyncset.done $0x0  }
0xf2: {  	[sflag:s2] =	ssyncadd.s32 $0xFFFFF000  }
0xf3: {  	_ =	swait.ge [sflag:s2], $0x1000  }
0xf4: {  	[sflag:s2] =	ssyncset.done $0x0  }
0xf5: {  	[sflag:s2] =	ssyncadd.s32 $0xFFFFF000  }
0xf6: {  	_ =	swait.ge [sflag:s2], $0x1000  }
0xf7: {  	s30 =	sshll.u32 s28, $0x2;
	[sflag:s2] =	ssyncset.done $0x0  }
.Ltmp3:
0xf8: {  	s6 =	sadd.s32 s5, s30;
	[sflag:s2] =	ssyncadd.s32 $0xFFFFF000;
	(pc) =	sbr.rel @p1 .LBB2_6-.Ltmp3, $4  }
0xf9: {  	s6 =	smul.u32 $0x600, s6;
	_ =	swait.ge [sflag:s2], $0x1000  }
0xfa: {  	[sflag:s2] =	ssyncset.done $0x0  }
0xfb: {  	s6 =	sadd.s32 s6, s10;
	[sflag:s2] =	ssyncadd.s32 $0xFFFFF000  }
0xfc: {  	[hbm4b:s6+s24] =	stream.strided.scatter [tilespmem:s14], [sflag:$0xC], $0x4000, s25, s24, $0x38;
	[tilespmem:$0x1F400] =	vst v63  }
0xfd: {  	s6 =	sadd.s32 $0x8, s23  }
0xfe: {  	s6 =	sand.u32 $0xFF, s6  }
0xff: {  	s6 =	smul.u32 $0xAB, s6;
	_ =	sdelay $0x1  }
0x100: {  	_ =	swait.ge [sflag:s17], $0x4000;
	s6 =	sshrl.u32 s6, $0x2  }
0x101: {  	[sflag:s17] =	ssyncset.done $0x0;
	s6 =	sand.u32 $0x3F80, s6  }
0x102: {  	[sflag:s17] =	ssyncadd.s32 $0xFFFFC000;
	s20 =	sadd.s32 $0x2000, s6  }
0x103: {  	[tilespmem:s31], [sflag:$0x3] =	stream.indirect.gather [spmem:s3], $0x80, s20, s16, $0xb8;
	[tilespmem:$0x1F400] =	vst v63  }
0x104: {  	s21 =	simm.s32 $0xC000;
	s23 =	sadd.s32 $0x2020, s6  }
0x105: {  	[tilespmem:s21], [sflag:$0x3] =	stream.indirect.gather [spmem:s3], $0x80, s23, s16, $0xb8;
	[tilespmem:$0x1F400] =	vst v63  }
.Ltmp4:
0x106: {  	_ = 	snop;
	(pc) =	sbr.rel .LBB2_4-.Ltmp4, $4  }
0x107: {  	s29 =	simm.s32 $0xD000;
	s30 =	simm.s32 $0xE000;
	s28 =	sadd.s32 $0x2040, s6  }
0x108: {  	[tilespmem:s29], [sflag:$0x3] =	stream.indirect.gather [spmem:s3], $0x80, s28, s16, $0xb8;
	[tilespmem:$0x1F400] =	vst v63  }
0x109: {  	s0 =	sadd.s32 $0x1, s0;
	s19 =	sadd.s32 $0x3000, s19;
	s6 =	sadd.s32 $0x2060, s6  }
0x10a: {  	[tilespmem:s30], [sflag:$0x3] =	stream.indirect.gather [spmem:s3], $0x80, s6, s16, $0xb8;
	[tilespmem:$0x1F400] =	vst v63  }
.LBB2_7:
0x10b: {  	_ =	sfence.sel $0x180000  }
0x10c: {  	[bflag:$0x0] =	sbarrier.arrive $0xFFFF  }
0x10d: {  	_ =	strace $0x90000047  }
0x10e: {  	[bflag:$0x2] =	sbarrier.arrive $0xFFFF  }
0x10f: {  	s0 =	rddreg [dreg:$0x6]  }
0x110: {  	s0 =	sadd.s32 @!p0 $0x100000, s0  }
0x111: {  	[sflag:s0] =	ssyncadd.tile.s32 @!p0 $0x1;
	_ =	shalt  }
.Lfunc_end2:
_tile_overlayer_lowered:
.L_overlay_start_2:
0x112: {  	(tag) =	ssettag $0x2  }
0x113: {  	s0 =	rddreg [dreg:$0x0];
	s2 =	stileid.u32  }
0x114: {  	s1 =	rddreg [dreg:$0x1];
	p0 =	sne.s32 s2, $0x0  }
0x115: {  	s3 =	rddreg [dreg:$0x2];
	[bflag:$0x3] =	sbarrier.arrive $0xFFFF;
	s2 =	simm.s32 @!p0 $0x1C0D  }
0x116: {  	[timem:s3], [sflag:s2] =	dma.local @!p0 [hbm:s0], s1  }
0x117: {  	s0 =	simm.s32 @!p0 $0xD  }
0x118: {  	_ =	swait.ge @!p0 [sflag:s0], s1  }
0x119: {  	s1 =	ssub.s32 @!p0 $0x0, s1;
	[sflag:s0] =	ssyncset.done @!p0 $0x0  }
0x11a: {  	[sflag:s0] =	ssyncadd.s32 @!p0 s1  }
0x11b: {  	[bflag:$0x3] =	sbarrier.arrive $0xFFFF  }
0x11c: {  	_ =	shalt  }

</sc_bundles>
